<compile_context>
chip_gen: v7x
topology: tpu7x:2x2x1
jax: 0.10.2.dev20260603
libtpu: 0.0.44.dev20260713+nightly
codegen_flags: <defaults>
</compile_context>

<pallas_src>
import functools

import jax
import jax.numpy as jnp
from jax import lax
from jax.experimental import pallas as pl
from jax.experimental.pallas import tpu as pltpu
from jax.experimental.pallas import tpu_sc as plsc

B = 16
P = 512 * 512
K = 8192
KP = K + 512
HB = 2 * KP
HI = 10.0
W = HI / K
HALF = P // 2
ROWS = 32
CHUNK = ROWS * 512
NCHUNKS = HALF // CHUNK
VECS = CHUNK // 16

_mesh = plsc.VectorSubcoreMesh(core_axis_name="c", subcore_axis_name="s")


@functools.partial(
    pl.kernel,
    out_type=jax.ShapeDtypeStruct((2, B, HB), jnp.float32),
    mesh=_mesh,
    compiler_params=pltpu.CompilerParams(
        needs_layout_passes=False, use_tc_tiling_on_sc=True),
    scratch_types=[
        pltpu.VMEM((HB,), jnp.float32),
        pltpu.VMEM((3, ROWS, 512), jnp.float32),
        pltpu.VMEM((3, ROWS, 512), jnp.int32),
        pltpu.SemaphoreType.DMA,
        pltpu.SemaphoreType.DMA,
        pltpu.SemaphoreType.DMA,
        pltpu.SemaphoreType.DMA,
        pltpu.SemaphoreType.DMA,
        pltpu.SemaphoreType.DMA,
    ],
)
def _sc_hist(x_hbm, y_hbm, out_hbm, hist, xbuf, ybuf,
             sx0, sx1, sx2, sy0, sy1, sy2):
    c = lax.axis_index("c")
    s = lax.axis_index("s")
    img = s
    row0 = c * (HALF // 512)

    zeros16 = jnp.zeros((16,), jnp.float32)

    @plsc.parallel_loop(0, HB // 16, unroll=8)
    def _zero(j):
        hist[pl.ds(j * 16, 16)] = zeros16

    sx = (sx0, sx1, sx2)
    sy = (sy0, sy1, sy2)

    def start(k, slot):
        r = pl.multiple_of(row0 + k * ROWS, ROWS)
        cx = pltpu.async_copy(
            x_hbm.at[img, pl.ds(r, ROWS), :], xbuf.at[slot], sx[slot])
        cy = pltpu.async_copy(
            y_hbm.at[img, pl.ds(r, ROWS), :], ybuf.at[slot], sy[slot])
        return cx, cy

    ones = jnp.full((16,), 1.0, jnp.float32)
    scale = jnp.float32(K / HI)
    kf = jnp.float32(K)
    kpf = jnp.float32(KP)
    zf = jnp.float32(0.0)
    c0 = jnp.float32((HI - 1.0) * K / HI)

    pend = [start(0, 0), start(1, 1)]
    for k in range(NCHUNKS):
        slot = k % 3
        if k + 2 < NCHUNKS:
            pend.append(start(k + 2, (k + 2) % 3))
        cur = pend.pop(0)
        cur[0].wait()
        cur[1].wait()

        @plsc.parallel_loop(0, VECS, unroll=8)
        def _accum(j):
            r = j >> 5
            cc = (j & 31) * 16
            xv = xbuf[slot, r, pl.ds(cc, 16)]
            yv = ybuf[slot, r, pl.ds(cc, 16)]
            ypos = yv > 0
            xs = xv * scale
            binf = jnp.where(ypos, c0 + xs, c0 - xs)
            binf = jnp.minimum(jnp.maximum(binf, zf), kf)
            binf = binf + jnp.where(ypos, kpf, zf)
            idx = binf.astype(jnp.int32)
            plsc.addupdate_scatter(hist, [idx], ones)

    pltpu.sync_copy(hist, out_hbm.at[c, img])


def _cumsum_lanes(x):
    n = x.shape[1]
    sh = 1
    while sh < n:
        x = x + jnp.concatenate(
            [jnp.zeros((x.shape[0], sh), x.dtype), x[:, :-sh]], axis=1)
        sh *= 2
    return x


def _epi_body(h_ref, o_ref):
    h = h_ref[0] + h_ref[1]
    neg = h[:, :K]
    pos = h[:, KP:KP + K]
    g = jnp.sum(pos, axis=1, keepdims=True) + h[:, KP + K:KP + K + 1]
    pc = _cumsum_lanes(pos)
    nc = _cumsum_lanes(neg)
    denom = g + nc
    j = jnp.where(denom > 0.0,
                  1.0 - (g - pc) / jnp.maximum(denom, jnp.float32(1e-30)),
                  jnp.float32(0.0))
    ssum = jnp.sum(j, axis=1, keepdims=True)
    jlast = j[:, K - 1:K]
    loss = jnp.float32(W) * ssum - jnp.float32(W / 2) * jlast
    o_ref[...] = (jnp.sum(loss) / jnp.float32(B)).reshape(1, 1)


_epilogue = pl.pallas_call(
    _epi_body,
    out_shape=jax.ShapeDtypeStruct((1, 1), jnp.float32),
)


def kernel(input, target):
    y = target.astype(jnp.int32)
    hist = _sc_hist(input, y)
    out = _epilogue(hist)
    return out[0, 0]

# --- scband reference (transcript-rebuilt; emitter-appended) ---
"""Pipeline reference for scband-binary-lovasz-loss-1726576853552 (READ-ONLY COPY).

The authoritative reference and input builder live on the scoring server;
editing this copy changes nothing except your own understanding.
"""

import jax, jax.numpy as jnp
import numpy as np


def lovasz_grad(gt_sorted):
    gts = gt_sorted.sum()
    intersection = gts - jnp.cumsum(gt_sorted)
    union = gts + jnp.cumsum(1.0 - gt_sorted)
    jaccard = 1.0 - intersection / union
    jaccard = jnp.concatenate([jaccard[:1], jaccard[1:] - jaccard[:-1]])
    return jaccard


def lovasz_hinge_flat(logits, labels):
    # logits: [P] float, labels: [P] int (0/1)
    signs = 2.0 * labels.astype(jnp.float32) - 1.0
    errors = 1.0 - logits * signs
    perm = jnp.argsort(-errors)  # descending sort order
    errors_sorted = errors[perm]
    gt_sorted = labels[perm].astype(jnp.float32)
    grad = lovasz_grad(gt_sorted)
    return jnp.dot(jax.nn.relu(errors_sorted), grad)


def setup_inputs(seed: int = 0) -> dict:
    key = jax.random.key(seed)
    k1, k2 = jax.random.split(key)
    input_ = jax.random.normal(k1, (16, 512, 512), dtype=jnp.float32)
    target = jax.random.randint(k2, (16, 512, 512), 0, 2).astype(jnp.int64)
    return {"input": input_, "target": target}


def reference(input, target):
    # per_image=True, ignore=None
    B = input.shape[0]
    losses = []
    for i in range(B):
        log = input[i].reshape(-1)
        lab = target[i].reshape(-1)
        losses.append(lovasz_hinge_flat(log, lab))
    acc = losses[0]
    for v in losses[1:]:
        acc = acc + v
    return acc / B

if __name__ == "__main__":
    import jax
    _d = setup_inputs()
    print(jax.jit(kernel)(*tuple(_d.values())))

</pallas_src>

<mosaic_0001>
#map = affine_map<(d0, d1) -> (0, 0, 0)>
module attributes {stable_mosaic.version = 14 : i64} {
  func.func @_sc_hist(%arg0: i32, %arg1: i32, %arg2: memref<16x512x512xf32, #tpu.memory_space<hbm>>, %arg3: memref<16x512x512xi32, #tpu.memory_space<hbm>>, %arg4: memref<2x16x17408xf32, #tpu.memory_space<hbm>>, %arg5: memref<17408xf32, #tpu.memory_space<vmem>>, %arg6: memref<3x32x512xf32, #tpu.memory_space<vmem>>, %arg7: memref<3x32x512xi32, #tpu.memory_space<vmem>>, %arg8: memref<!tpu.dma_semaphore, #tpu.memory_space<semaphore_mem>>, %arg9: memref<!tpu.dma_semaphore, #tpu.memory_space<semaphore_mem>>, %arg10: memref<!tpu.dma_semaphore, #tpu.memory_space<semaphore_mem>>, %arg11: memref<!tpu.dma_semaphore, #tpu.memory_space<semaphore_mem>>, %arg12: memref<!tpu.dma_semaphore, #tpu.memory_space<semaphore_mem>>, %arg13: memref<!tpu.dma_semaphore, #tpu.memory_space<semaphore_mem>>) attributes {dimension_semantics = [#tpu.dimension_semantics<core_parallel>, #tpu.dimension_semantics<subcore_parallel>], iteration_bounds = array<i64: 2, 16>, scalar_prefetch = 0 : i64, scratch_operands = 9 : i64, tpu.core_type = #tpu.core_type<sc_vector_subcore>, window_params = [{transform_indices = #map}, {transform_indices = #map}, {transform_indices = #map}]} {
    %mul3A = arith.constant 256 : i32
    %mul3A_0 = arith.muli %arg0, %mul3A : i32
    %broadcast_in_dim3A = arith.constant 0.000000e+00 : f32
    %broadcast_in_dim3A_1 = vector.broadcast %broadcast_in_dim3A : f32 to vector<16xf32>
    %parallel_loop3A = arith.constant 0 : i32
    %parallel_loop3A_2 = arith.constant 1088 : i32
    %parallel_loop3A_3 = arith.constant 1 : i32
    scf.for %parallel_loop3A_570 = %parallel_loop3A to %parallel_loop3A_2 step %parallel_loop3A_3  : i32 {
      %parallel_loop3A_571 = arith.constant 16 : i32
      %parallel_loop3A_572 = arith.muli %parallel_loop3A_570, %parallel_loop3A_571 : i32
      %parallel_loop3A_573 = arith.index_cast %parallel_loop3A_572 : i32 to index
      %parallel_loop3A_574 = tpu.vector_load %arg5[%parallel_loop3A_573] {strides = array<i32>} : memref<17408xf32, #tpu.memory_space<vmem>>, vector<16xf32>,
      tpu.vector_store %arg5[%parallel_loop3A_573], %broadcast_in_dim3A_1 {strides = array<i32>} : memref<17408xf32, #tpu.memory_space<vmem>>, vector<16xf32>,
    } {sc.loop_unroll_factor = 8 : i64, sc.parallel_access}
    %broadcast_in_dim3A_4 = arith.constant 1.000000e+00 : f32
    %broadcast_in_dim3A_5 = vector.broadcast %broadcast_in_dim3A_4 : f32 to vector<16xf32>
    %add3A = arith.constant 0 : i32
    %add3A_6 = arith.addi %mul3A_0, %add3A : i32
    %multiple_of3A = tpu.assume_multiple %add3A_6, 32 : i32
    %dma_start3A = arith.constant 0 : i32
    %dma_start3A_7 = arith.constant 0 : i32
    %dma_start3A_8 = arith.constant 0 : i32
    %dma_start3A_9 = tpu.memref_slice %arg6[%dma_start3A, %dma_start3A_7, %dma_start3A_8] : memref<3x32x512xf32, #tpu.memory_space<vmem>> -> memref<1x32x512xf32, #tpu.memory_space<vmem>>
    %dma_start3A_10 = tpu.memref_squeeze %dma_start3A_9 : memref<1x32x512xf32, #tpu.memory_space<vmem>> -> memref<32x512xf32, #tpu.memory_space<vmem>>
    %dma_start3A_11 = arith.constant 0 : i32
    %dma_start3A_12 = tpu.memref_slice %arg2[%arg1, %multiple_of3A, %dma_start3A_11] : memref<16x512x512xf32, #tpu.memory_space<hbm>> -> memref<1x32x512xf32, #tpu.memory_space<hbm>>
    %dma_start3A_13 = tpu.memref_squeeze %dma_start3A_12 : memref<1x32x512xf32, #tpu.memory_space<hbm>> -> memref<32x512xf32, #tpu.memory_space<hbm>>
    %dma_start3A_14 = arith.constant 0 : i32
    %dma_start3A_15 = arith.constant 0 : i32
    %dma_start3A_16 = tpu.memref_slice %arg6[%dma_start3A, %dma_start3A_14, %dma_start3A_15] : memref<3x32x512xf32, #tpu.memory_space<vmem>> -> memref<1x32x512xf32, #tpu.memory_space<vmem>>
    %dma_start3A_17 = tpu.memref_squeeze %dma_start3A_16 : memref<1x32x512xf32, #tpu.memory_space<vmem>> -> memref<32x512xf32, #tpu.memory_space<vmem>>
    %dma_start3A_18 = arith.constant 0 : i32
    %dma_start3A_19 = tpu.memref_slice %arg2[%arg1, %multiple_of3A, %dma_start3A_18] : memref<16x512x512xf32, #tpu.memory_space<hbm>> -> memref<1x32x512xf32, #tpu.memory_space<hbm>>
    %dma_start3A_20 = tpu.memref_squeeze %dma_start3A_19 : memref<1x32x512xf32, #tpu.memory_space<hbm>> -> memref<32x512xf32, #tpu.memory_space<hbm>>
    tpu.enqueue_dma source(%dma_start3A_20 : memref<32x512xf32, #tpu.memory_space<hbm>>) target(%dma_start3A_17 : memref<32x512xf32, #tpu.memory_space<vmem>>) target_semaphore(%arg8 : memref<!tpu.dma_semaphore, #tpu.memory_space<semaphore_mem>>)
    %dma_start3A_21 = arith.constant 0 : i32
    %dma_start3A_22 = arith.constant 0 : i32
    %dma_start3A_23 = arith.constant 0 : i32
    %dma_start3A_24 = tpu.memref_slice %arg7[%dma_start3A_21, %dma_start3A_22, %dma_start3A_23] : memref<3x32x512xi32, #tpu.memory_space<vmem>> -> memref<1x32x512xi32, #tpu.memory_space<vmem>>
    %dma_start3A_25 = tpu.memref_squeeze %dma_start3A_24 : memref<1x32x512xi32, #tpu.memory_space<vmem>> -> memref<32x512xi32, #tpu.memory_space<vmem>>
    %dma_start3A_26 = arith.constant 0 : i32
    %dma_start3A_27 = tpu.memref_slice %arg3[%arg1, %multiple_of3A, %dma_start3A_26] : memref<16x512x512xi32, #tpu.memory_space<hbm>> -> memref<1x32x512xi32, #tpu.memory_space<hbm>>
    %dma_start3A_28 = tpu.memref_squeeze %dma_start3A_27 : memref<1x32x512xi32, #tpu.memory_space<hbm>> -> memref<32x512xi32, #tpu.memory_space<hbm>>
    %dma_start3A_29 = arith.constant 0 : i32
    %dma_start3A_30 = arith.constant 0 : i32
    %dma_start3A_31 = tpu.memref_slice %arg7[%dma_start3A_21, %dma_start3A_29, %dma_start3A_30] : memref<3x32x512xi32, #tpu.memory_space<vmem>> -> memref<1x32x512xi32, #tpu.memory_space<vmem>>
    %dma_start3A_32 = tpu.memref_squeeze %dma_start3A_31 : memref<1x32x512xi32, #tpu.memory_space<vmem>> -> memref<32x512xi32, #tpu.memory_space<vmem>>
    %dma_start3A_33 = arith.constant 0 : i32
    %dma_start3A_34 = tpu.memref_slice %arg3[%arg1, %multiple_of3A, %dma_start3A_33] : memref<16x512x512xi32, #tpu.memory_space<hbm>> -> memref<1x32x512xi32, #tpu.memory_space<hbm>>
    %dma_start3A_35 = tpu.memref_squeeze %dma_start3A_34 : memref<1x32x512xi32, #tpu.memory_space<hbm>> -> memref<32x512xi32, #tpu.memory_space<hbm>>
    tpu.enqueue_dma source(%dma_start3A_35 : memref<32x512xi32, #tpu.memory_space<hbm>>) target(%dma_start3A_32 : memref<32x512xi32, #tpu.memory_space<vmem>>) target_semaphore(%arg11 : memref<!tpu.dma_semaphore, #tpu.memory_space<semaphore_mem>>)
    %add3A_36 = arith.constant 32 : i32
    %add3A_37 = arith.addi %mul3A_0, %add3A_36 : i32
    %multiple_of3A_38 = tpu.assume_multiple %add3A_37, 32 : i32
    %dma_start3A_39 = arith.constant 1 : i32
    %dma_start3A_40 = arith.constant 0 : i32
    %dma_start3A_41 = arith.constant 0 : i32
    %dma_start3A_42 = tpu.memref_slice %arg6[%dma_start3A_39, %dma_start3A_40, %dma_start3A_41] : memref<3x32x512xf32, #tpu.memory_space<vmem>> -> memref<1x32x512xf32, #tpu.memory_space<vmem>>
    %dma_start3A_43 = tpu.memref_squeeze %dma_start3A_42 : memref<1x32x512xf32, #tpu.memory_space<vmem>> -> memref<32x512xf32, #tpu.memory_space<vmem>>
    %dma_start3A_44 = arith.constant 0 : i32
    %dma_start3A_45 = tpu.memref_slice %arg2[%arg1, %multiple_of3A_38, %dma_start3A_44] : memref<16x512x512xf32, #tpu.memory_space<hbm>> -> memref<1x32x512xf32, #tpu.memory_space<hbm>>
    %dma_start3A_46 = tpu.memref_squeeze %dma_start3A_45 : memref<1x32x512xf32, #tpu.memory_space<hbm>> -> memref<32x512xf32, #tpu.memory_space<hbm>>
    %dma_start3A_47 = arith.constant 0 : i32
    %dma_start3A_48 = arith.constant 0 : i32
    %dma_start3A_49 = tpu.memref_slice %arg6[%dma_start3A_39, %dma_start3A_47, %dma_start3A_48] : memref<3x32x512xf32, #tpu.memory_space<vmem>> -> memref<1x32x512xf32, #tpu.memory_space<vmem>>
    %dma_start3A_50 = tpu.memref_squeeze %dma_start3A_49 : memref<1x32x512xf32, #tpu.memory_space<vmem>> -> memref<32x512xf32, #tpu.memory_space<vmem>>
    %dma_start3A_51 = arith.constant 0 : i32
    %dma_start3A_52 = tpu.memref_slice %arg2[%arg1, %multiple_of3A_38, %dma_start3A_51] : memref<16x512x512xf32, #tpu.memory_space<hbm>> -> memref<1x32x512xf32, #tpu.memory_space<hbm>>
    %dma_start3A_53 = tpu.memref_squeeze %dma_start3A_52 : memref<1x32x512xf32, #tpu.memory_space<hbm>> -> memref<32x512xf32, #tpu.memory_space<hbm>>
    tpu.enqueue_dma source(%dma_start3A_53 : memref<32x512xf32, #tpu.memory_space<hbm>>) target(%dma_start3A_50 : memref<32x512xf32, #tpu.memory_space<vmem>>) target_semaphore(%arg9 : memref<!tpu.dma_semaphore, #tpu.memory_space<semaphore_mem>>)
    %dma_start3A_54 = arith.constant 1 : i32
    %dma_start3A_55 = arith.constant 0 : i32
    %dma_start3A_56 = arith.constant 0 : i32
    %dma_start3A_57 = tpu.memref_slice %arg7[%dma_start3A_54, %dma_start3A_55, %dma_start3A_56] : memref<3x32x512xi32, #tpu.memory_space<vmem>> -> memref<1x32x512xi32, #tpu.memory_space<vmem>>
    %dma_start3A_58 = tpu.memref_squeeze %dma_start3A_57 : memref<1x32x512xi32, #tpu.memory_space<vmem>> -> memref<32x512xi32, #tpu.memory_space<vmem>>
    %dma_start3A_59 = arith.constant 0 : i32
    %dma_start3A_60 = tpu.memref_slice %arg3[%arg1, %multiple_of3A_38, %dma_start3A_59] : memref<16x512x512xi32, #tpu.memory_space<hbm>> -> memref<1x32x512xi32, #tpu.memory_space<hbm>>
    %dma_start3A_61 = tpu.memref_squeeze %dma_start3A_60 : memref<1x32x512xi32, #tpu.memory_space<hbm>> -> memref<32x512xi32, #tpu.memory_space<hbm>>
    %dma_start3A_62 = arith.constant 0 : i32
    %dma_start3A_63 = arith.constant 0 : i32
    %dma_start3A_64 = tpu.memref_slice %arg7[%dma_start3A_54, %dma_start3A_62, %dma_start3A_63] : memref<3x32x512xi32, #tpu.memory_space<vmem>> -> memref<1x32x512xi32, #tpu.memory_space<vmem>>
    %dma_start3A_65 = tpu.memref_squeeze %dma_start3A_64 : memref<1x32x512xi32, #tpu.memory_space<vmem>> -> memref<32x512xi32, #tpu.memory_space<vmem>>
    %dma_start3A_66 = arith.constant 0 : i32
    %dma_start3A_67 = tpu.memref_slice %arg3[%arg1, %multiple_of3A_38, %dma_start3A_66] : memref<16x512x512xi32, #tpu.memory_space<hbm>> -> memref<1x32x512xi32, #tpu.memory_space<hbm>>
    %dma_start3A_68 = tpu.memref_squeeze %dma_start3A_67 : memref<1x32x512xi32, #tpu.memory_space<hbm>> -> memref<32x512xi32, #tpu.memory_space<hbm>>
    tpu.enqueue_dma source(%dma_start3A_68 : memref<32x512xi32, #tpu.memory_space<hbm>>) target(%dma_start3A_65 : memref<32x512xi32, #tpu.memory_space<vmem>>) target_semaphore(%arg12 : memref<!tpu.dma_semaphore, #tpu.memory_space<semaphore_mem>>)
    %add3A_69 = arith.constant 64 : i32
    %add3A_70 = arith.addi %mul3A_0, %add3A_69 : i32
    %multiple_of3A_71 = tpu.assume_multiple %add3A_70, 32 : i32
    %dma_start3A_72 = arith.constant 2 : i32
    %dma_start3A_73 = arith.constant 0 : i32
    %dma_start3A_74 = arith.constant 0 : i32
    %dma_start3A_75 = tpu.memref_slice %arg6[%dma_start3A_72, %dma_start3A_73, %dma_start3A_74] : memref<3x32x512xf32, #tpu.memory_space<vmem>> -> memref<1x32x512xf32, #tpu.memory_space<vmem>>
    %dma_start3A_76 = tpu.memref_squeeze %dma_start3A_75 : memref<1x32x512xf32, #tpu.memory_space<vmem>> -> memref<32x512xf32, #tpu.memory_space<vmem>>
    %dma_start3A_77 = arith.constant 0 : i32
    %dma_start3A_78 = tpu.memref_slice %arg2[%arg1, %multiple_of3A_71, %dma_start3A_77] : memref<16x512x512xf32, #tpu.memory_space<hbm>> -> memref<1x32x512xf32, #tpu.memory_space<hbm>>
    %dma_start3A_79 = tpu.memref_squeeze %dma_start3A_78 : memref<1x32x512xf32, #tpu.memory_space<hbm>> -> memref<32x512xf32, #tpu.memory_space<hbm>>
    %dma_start3A_80 = arith.constant 0 : i32
    %dma_start3A_81 = arith.constant 0 : i32
    %dma_start3A_82 = tpu.memref_slice %arg6[%dma_start3A_72, %dma_start3A_80, %dma_start3A_81] : memref<3x32x512xf32, #tpu.memory_space<vmem>> -> memref<1x32x512xf32, #tpu.memory_space<vmem>>
    %dma_start3A_83 = tpu.memref_squeeze %dma_start3A_82 : memref<1x32x512xf32, #tpu.memory_space<vmem>> -> memref<32x512xf32, #tpu.memory_space<vmem>>
    %dma_start3A_84 = arith.constant 0 : i32
    %dma_start3A_85 = tpu.memref_slice %arg2[%arg1, %multiple_of3A_71, %dma_start3A_84] : memref<16x512x512xf32, #tpu.memory_space<hbm>> -> memref<1x32x512xf32, #tpu.memory_space<hbm>>
    %dma_start3A_86 = tpu.memref_squeeze %dma_start3A_85 : memref<1x32x512xf32, #tpu.memory_space<hbm>> -> memref<32x512xf32, #tpu.memory_space<hbm>>
    tpu.enqueue_dma source(%dma_start3A_86 : memref<32x512xf32, #tpu.memory_space<hbm>>) target(%dma_start3A_83 : memref<32x512xf32, #tpu.memory_space<vmem>>) target_semaphore(%arg10 : memref<!tpu.dma_semaphore, #tpu.memory_space<semaphore_mem>>)
    %dma_start3A_87 = arith.constant 2 : i32
    %dma_start3A_88 = arith.constant 0 : i32
    %dma_start3A_89 = arith.constant 0 : i32
    %dma_start3A_90 = tpu.memref_slice %arg7[%dma_start3A_87, %dma_start3A_88, %dma_start3A_89] : memref<3x32x512xi32, #tpu.memory_space<vmem>> -> memref<1x32x512xi32, #tpu.memory_space<vmem>>
    %dma_start3A_91 = tpu.memref_squeeze %dma_start3A_90 : memref<1x32x512xi32, #tpu.memory_space<vmem>> -> memref<32x512xi32, #tpu.memory_space<vmem>>
    %dma_start3A_92 = arith.constant 0 : i32
    %dma_start3A_93 = tpu.memref_slice %arg3[%arg1, %multiple_of3A_71, %dma_start3A_92] : memref<16x512x512xi32, #tpu.memory_space<hbm>> -> memref<1x32x512xi32, #tpu.memory_space<hbm>>
    %dma_start3A_94 = tpu.memref_squeeze %dma_start3A_93 : memref<1x32x512xi32, #tpu.memory_space<hbm>> -> memref<32x512xi32, #tpu.memory_space<hbm>>
    %dma_start3A_95 = arith.constant 0 : i32
    %dma_start3A_96 = arith.constant 0 : i32
    %dma_start3A_97 = tpu.memref_slice %arg7[%dma_start3A_87, %dma_start3A_95, %dma_start3A_96] : memref<3x32x512xi32, #tpu.memory_space<vmem>> -> memref<1x32x512xi32, #tpu.memory_space<vmem>>
    %dma_start3A_98 = tpu.memref_squeeze %dma_start3A_97 : memref<1x32x512xi32, #tpu.memory_space<vmem>> -> memref<32x512xi32, #tpu.memory_space<vmem>>
    %dma_start3A_99 = arith.constant 0 : i32
    %dma_start3A_100 = tpu.memref_slice %arg3[%arg1, %multiple_of3A_71, %dma_start3A_99] : memref<16x512x512xi32, #tpu.memory_space<hbm>> -> memref<1x32x512xi32, #tpu.memory_space<hbm>>
    %dma_start3A_101 = tpu.memref_squeeze %dma_start3A_100 : memref<1x32x512xi32, #tpu.memory_space<hbm>> -> memref<32x512xi32, #tpu.memory_space<hbm>>
    tpu.enqueue_dma source(%dma_start3A_101 : memref<32x512xi32, #tpu.memory_space<hbm>>) target(%dma_start3A_98 : memref<32x512xi32, #tpu.memory_space<vmem>>) target_semaphore(%arg13 : memref<!tpu.dma_semaphore, #tpu.memory_space<semaphore_mem>>)
    %dma_wait3A = arith.constant 0 : i32
    %dma_wait3A_102 = arith.constant 0 : i32
    %dma_wait3A_103 = arith.constant 0 : i32
    %dma_wait3A_104 = tpu.memref_slice %arg6[%dma_wait3A, %dma_wait3A_102, %dma_wait3A_103] : memref<3x32x512xf32, #tpu.memory_space<vmem>> -> memref<1x32x512xf32, #tpu.memory_space<vmem>>
    %dma_wait3A_105 = tpu.memref_squeeze %dma_wait3A_104 : memref<1x32x512xf32, #tpu.memory_space<vmem>> -> memref<32x512xf32, #tpu.memory_space<vmem>>
    %dma_wait3A_106 = arith.constant 0 : i32
    %dma_wait3A_107 = tpu.memref_slice %arg2[%arg1, %multiple_of3A, %dma_wait3A_106] : memref<16x512x512xf32, #tpu.memory_space<hbm>> -> memref<1x32x512xf32, #tpu.memory_space<hbm>>
    %dma_wait3A_108 = tpu.memref_squeeze %dma_wait3A_107 : memref<1x32x512xf32, #tpu.memory_space<hbm>> -> memref<32x512xf32, #tpu.memory_space<hbm>>
    %dma_wait3A_109 = arith.constant 0 : i32
    %dma_wait3A_110 = arith.constant 0 : i32
    %dma_wait3A_111 = tpu.memref_slice %arg6[%dma_wait3A, %dma_wait3A_109, %dma_wait3A_110] : memref<3x32x512xf32, #tpu.memory_space<vmem>> -> memref<1x32x512xf32, #tpu.memory_space<vmem>>
    %dma_wait3A_112 = tpu.memref_squeeze %dma_wait3A_111 : memref<1x32x512xf32, #tpu.memory_space<vmem>> -> memref<32x512xf32, #tpu.memory_space<vmem>>
    %dma_wait3A_113 = arith.constant 0 : i32
    %dma_wait3A_114 = tpu.memref_slice %arg2[%arg1, %multiple_of3A, %dma_wait3A_113] : memref<16x512x512xf32, #tpu.memory_space<hbm>> -> memref<1x32x512xf32, #tpu.memory_space<hbm>>
    %dma_wait3A_115 = tpu.memref_squeeze %dma_wait3A_114 : memref<1x32x512xf32, #tpu.memory_space<hbm>> -> memref<32x512xf32, #tpu.memory_space<hbm>>
    tpu.wait_dma2 semaphore(%arg8 : memref<!tpu.dma_semaphore, #tpu.memory_space<semaphore_mem>>) src(%dma_wait3A_115 : memref<32x512xf32, #tpu.memory_space<hbm>>) dst(%dma_wait3A_112 : memref<32x512xf32, #tpu.memory_space<vmem>>)
    %dma_wait3A_116 = arith.constant 0 : i32
    %dma_wait3A_117 = arith.constant 0 : i32
    %dma_wait3A_118 = arith.constant 0 : i32
    %dma_wait3A_119 = tpu.memref_slice %arg7[%dma_wait3A_116, %dma_wait3A_117, %dma_wait3A_118] : memref<3x32x512xi32, #tpu.memory_space<vmem>> -> memref<1x32x512xi32, #tpu.memory_space<vmem>>
    %dma_wait3A_120 = tpu.memref_squeeze %dma_wait3A_119 : memref<1x32x512xi32, #tpu.memory_space<vmem>> -> memref<32x512xi32, #tpu.memory_space<vmem>>
    %dma_wait3A_121 = arith.constant 0 : i32
    %dma_wait3A_122 = tpu.memref_slice %arg3[%arg1, %multiple_of3A, %dma_wait3A_121] : memref<16x512x512xi32, #tpu.memory_space<hbm>> -> memref<1x32x512xi32, #tpu.memory_space<hbm>>
    %dma_wait3A_123 = tpu.memref_squeeze %dma_wait3A_122 : memref<1x32x512xi32, #tpu.memory_space<hbm>> -> memref<32x512xi32, #tpu.memory_space<hbm>>
    %dma_wait3A_124 = arith.constant 0 : i32
    %dma_wait3A_125 = arith.constant 0 : i32
    %dma_wait3A_126 = tpu.memref_slice %arg7[%dma_wait3A_116, %dma_wait3A_124, %dma_wait3A_125] : memref<3x32x512xi32, #tpu.memory_space<vmem>> -> memref<1x32x512xi32, #tpu.memory_space<vmem>>
    %dma_wait3A_127 = tpu.memref_squeeze %dma_wait3A_126 : memref<1x32x512xi32, #tpu.memory_space<vmem>> -> memref<32x512xi32, #tpu.memory_space<vmem>>
    %dma_wait3A_128 = arith.constant 0 : i32
    %dma_wait3A_129 = tpu.memref_slice %arg3[%arg1, %multiple_of3A, %dma_wait3A_128] : memref<16x512x512xi32, #tpu.memory_space<hbm>> -> memref<1x32x512xi32, #tpu.memory_space<hbm>>
    %dma_wait3A_130 = tpu.memref_squeeze %dma_wait3A_129 : memref<1x32x512xi32, #tpu.memory_space<hbm>> -> memref<32x512xi32, #tpu.memory_space<hbm>>
    tpu.wait_dma2 semaphore(%arg11 : memref<!tpu.dma_semaphore, #tpu.memory_space<semaphore_mem>>) src(%dma_wait3A_130 : memref<32x512xi32, #tpu.memory_space<hbm>>) dst(%dma_wait3A_127 : memref<32x512xi32, #tpu.memory_space<vmem>>)
    %parallel_loop3A_131 = arith.constant 0 : i32
    %parallel_loop3A_132 = arith.constant 1024 : i32
    %parallel_loop3A_133 = arith.constant 1 : i32
    %parallel_loop3A_134 = arith.constant 8.192000e+02 : f32
    %parallel_loop3A_135 = arith.constant 7372.7998 : f32
    %parallel_loop3A_136 = arith.constant 0.000000e+00 : f32
    %parallel_loop3A_137 = arith.constant 8.192000e+03 : f32
    %parallel_loop3A_138 = arith.constant 8.704000e+03 : f32
    scf.for %parallel_loop3A_570 = %parallel_loop3A_131 to %parallel_loop3A_132 step %parallel_loop3A_133  : i32 {
      %parallel_loop3A_571 = arith.constant 5 : i32
      %parallel_loop3A_572 = arith.shrsi %parallel_loop3A_570, %parallel_loop3A_571 : i32
      %parallel_loop3A_573 = arith.constant 31 : i32
      %parallel_loop3A_574 = arith.andi %parallel_loop3A_570, %parallel_loop3A_573 : i32
      %parallel_loop3A_575 = arith.constant 16 : i32
      %parallel_loop3A_576 = arith.muli %parallel_loop3A_574, %parallel_loop3A_575 : i32
      %parallel_loop3A_577 = arith.constant 0 : i32
      %parallel_loop3A_578 = arith.index_cast %parallel_loop3A_577 : i32 to index
      %parallel_loop3A_579 = arith.index_cast %parallel_loop3A_572 : i32 to index
      %parallel_loop3A_580 = arith.index_cast %parallel_loop3A_576 : i32 to index
      %parallel_loop3A_581 = tpu.vector_load %arg6[%parallel_loop3A_578, %parallel_loop3A_579, %parallel_loop3A_580] {strides = array<i32>} : memref<3x32x512xf32, #tpu.memory_space<vmem>>, vector<16xf32>,
      %parallel_loop3A_582 = arith.constant 0 : i32
      %parallel_loop3A_583 = arith.index_cast %parallel_loop3A_582 : i32 to index
      %parallel_loop3A_584 = arith.index_cast %parallel_loop3A_572 : i32 to index
      %parallel_loop3A_585 = arith.index_cast %parallel_loop3A_576 : i32 to index
      %parallel_loop3A_586 = tpu.vector_load %arg7[%parallel_loop3A_583, %parallel_loop3A_584, %parallel_loop3A_585] {strides = array<i32>} : memref<3x32x512xi32, #tpu.memory_space<vmem>>, vector<16xi32>,
      %parallel_loop3A_587 = arith.constant 0 : i32
      %parallel_loop3A_588 = vector.broadcast %parallel_loop3A_587 : i32 to vector<16xi32>
      %parallel_loop3A_589 = arith.cmpi sgt, %parallel_loop3A_586, %parallel_loop3A_588 : vector<16xi32>
      %parallel_loop3A_590 = vector.broadcast %parallel_loop3A_134 : f32 to vector<16xf32>
      %parallel_loop3A_591 = arith.mulf %parallel_loop3A_581, %parallel_loop3A_590 : vector<16xf32>
      %parallel_loop3A_592 = vector.broadcast %parallel_loop3A_135 : f32 to vector<16xf32>
      %parallel_loop3A_593 = arith.addf %parallel_loop3A_592, %parallel_loop3A_591 : vector<16xf32>
      %parallel_loop3A_594 = vector.broadcast %parallel_loop3A_135 : f32 to vector<16xf32>
      %parallel_loop3A_595 = arith.subf %parallel_loop3A_594, %parallel_loop3A_591 : vector<16xf32>
      %parallel_loop3A_596 = arith.select %parallel_loop3A_589, %parallel_loop3A_593, %parallel_loop3A_595 : vector<16xi1>, vector<16xf32>
      %parallel_loop3A_597 = vector.broadcast %parallel_loop3A_136 : f32 to vector<16xf32>
      %parallel_loop3A_598 = arith.maximumf %parallel_loop3A_596, %parallel_loop3A_597 : vector<16xf32>
      %parallel_loop3A_599 = vector.broadcast %parallel_loop3A_137 : f32 to vector<16xf32>
      %parallel_loop3A_600 = arith.minimumf %parallel_loop3A_598, %parallel_loop3A_599 : vector<16xf32>
      %parallel_loop3A_601 = vector.broadcast %parallel_loop3A_138 : f32 to vector<16xf32>
      %parallel_loop3A_602 = vector.broadcast %parallel_loop3A_136 : f32 to vector<16xf32>
      %parallel_loop3A_603 = arith.select %parallel_loop3A_589, %parallel_loop3A_601, %parallel_loop3A_602 : vector<16xi1>, vector<16xf32>
      %parallel_loop3A_604 = arith.addf %parallel_loop3A_600, %parallel_loop3A_603 : vector<16xf32>
      %parallel_loop3A_605 = arith.fptosi %parallel_loop3A_604 : vector<16xf32> to vector<16xi32>
      tpu.vector_store_idx %arg5[%parallel_loop3A_605], %broadcast_in_dim3A_5 {add = true} : memref<17408xf32, #tpu.memory_space<vmem>>[vector<16xi32>], vector<16xf32>,
    } {sc.loop_unroll_factor = 8 : i64, sc.parallel_access}
    %add3A_139 = arith.constant 96 : i32
    %add3A_140 = arith.addi %mul3A_0, %add3A_139 : i32
    %multiple_of3A_141 = tpu.assume_multiple %add3A_140, 32 : i32
    %dma_start3A_142 = arith.constant 0 : i32
    %dma_start3A_143 = arith.constant 0 : i32
    %dma_start3A_144 = arith.constant 0 : i32
    %dma_start3A_145 = tpu.memref_slice %arg6[%dma_start3A_142, %dma_start3A_143, %dma_start3A_144] : memref<3x32x512xf32, #tpu.memory_space<vmem>> -> memref<1x32x512xf32, #tpu.memory_space<vmem>>
    %dma_start3A_146 = tpu.memref_squeeze %dma_start3A_145 : memref<1x32x512xf32, #tpu.memory_space<vmem>> -> memref<32x512xf32, #tpu.memory_space<vmem>>
    %dma_start3A_147 = arith.constant 0 : i32
    %dma_start3A_148 = tpu.memref_slice %arg2[%arg1, %multiple_of3A_141, %dma_start3A_147] : memref<16x512x512xf32, #tpu.memory_space<hbm>> -> memref<1x32x512xf32, #tpu.memory_space<hbm>>
    %dma_start3A_149 = tpu.memref_squeeze %dma_start3A_148 : memref<1x32x512xf32, #tpu.memory_space<hbm>> -> memref<32x512xf32, #tpu.memory_space<hbm>>
    %dma_start3A_150 = arith.constant 0 : i32
    %dma_start3A_151 = arith.constant 0 : i32
    %dma_start3A_152 = tpu.memref_slice %arg6[%dma_start3A_142, %dma_start3A_150, %dma_start3A_151] : memref<3x32x512xf32, #tpu.memory_space<vmem>> -> memref<1x32x512xf32, #tpu.memory_space<vmem>>
    %dma_start3A_153 = tpu.memref_squeeze %dma_start3A_152 : memref<1x32x512xf32, #tpu.memory_space<vmem>> -> memref<32x512xf32, #tpu.memory_space<vmem>>
    %dma_start3A_154 = arith.constant 0 : i32
    %dma_start3A_155 = tpu.memref_slice %arg2[%arg1, %multiple_of3A_141, %dma_start3A_154] : memref<16x512x512xf32, #tpu.memory_space<hbm>> -> memref<1x32x512xf32, #tpu.memory_space<hbm>>
    %dma_start3A_156 = tpu.memref_squeeze %dma_start3A_155 : memref<1x32x512xf32, #tpu.memory_space<hbm>> -> memref<32x512xf32, #tpu.memory_space<hbm>>
    tpu.enqueue_dma source(%dma_start3A_156 : memref<32x512xf32, #tpu.memory_space<hbm>>) target(%dma_start3A_153 : memref<32x512xf32, #tpu.memory_space<vmem>>) target_semaphore(%arg8 : memref<!tpu.dma_semaphore, #tpu.memory_space<semaphore_mem>>)
    %dma_start3A_157 = arith.constant 0 : i32
    %dma_start3A_158 = arith.constant 0 : i32
    %dma_start3A_159 = arith.constant 0 : i32
    %dma_start3A_160 = tpu.memref_slice %arg7[%dma_start3A_157, %dma_start3A_158, %dma_start3A_159] : memref<3x32x512xi32, #tpu.memory_space<vmem>> -> memref<1x32x512xi32, #tpu.memory_space<vmem>>
    %dma_start3A_161 = tpu.memref_squeeze %dma_start3A_160 : memref<1x32x512xi32, #tpu.memory_space<vmem>> -> memref<32x512xi32, #tpu.memory_space<vmem>>
    %dma_start3A_162 = arith.constant 0 : i32
    %dma_start3A_163 = tpu.memref_slice %arg3[%arg1, %multiple_of3A_141, %dma_start3A_162] : memref<16x512x512xi32, #tpu.memory_space<hbm>> -> memref<1x32x512xi32, #tpu.memory_space<hbm>>
    %dma_start3A_164 = tpu.memref_squeeze %dma_start3A_163 : memref<1x32x512xi32, #tpu.memory_space<hbm>> -> memref<32x512xi32, #tpu.memory_space<hbm>>
    %dma_start3A_165 = arith.constant 0 : i32
    %dma_start3A_166 = arith.constant 0 : i32
    %dma_start3A_167 = tpu.memref_slice %arg7[%dma_start3A_157, %dma_start3A_165, %dma_start3A_166] : memref<3x32x512xi32, #tpu.memory_space<vmem>> -> memref<1x32x512xi32, #tpu.memory_space<vmem>>
    %dma_start3A_168 = tpu.memref_squeeze %dma_start3A_167 : memref<1x32x512xi32, #tpu.memory_space<vmem>> -> memref<32x512xi32, #tpu.memory_space<vmem>>
    %dma_start3A_169 = arith.constant 0 : i32
    %dma_start3A_170 = tpu.memref_slice %arg3[%arg1, %multiple_of3A_141, %dma_start3A_169] : memref<16x512x512xi32, #tpu.memory_space<hbm>> -> memref<1x32x512xi32, #tpu.memory_space<hbm>>
    %dma_start3A_171 = tpu.memref_squeeze %dma_start3A_170 : memref<1x32x512xi32, #tpu.memory_space<hbm>> -> memref<32x512xi32, #tpu.memory_space<hbm>>
    tpu.enqueue_dma source(%dma_start3A_171 : memref<32x512xi32, #tpu.memory_space<hbm>>) target(%dma_start3A_168 : memref<32x512xi32, #tpu.memory_space<vmem>>) target_semaphore(%arg11 : memref<!tpu.dma_semaphore, #tpu.memory_space<semaphore_mem>>)
    %dma_wait3A_172 = arith.constant 1 : i32
    %dma_wait3A_173 = arith.constant 0 : i32
    %dma_wait3A_174 = arith.constant 0 : i32
    %dma_wait3A_175 = tpu.memref_slice %arg6[%dma_wait3A_172, %dma_wait3A_173, %dma_wait3A_174] : memref<3x32x512xf32, #tpu.memory_space<vmem>> -> memref<1x32x512xf32, #tpu.memory_space<vmem>>
    %dma_wait3A_176 = tpu.memref_squeeze %dma_wait3A_175 : memref<1x32x512xf32, #tpu.memory_space<vmem>> -> memref<32x512xf32, #tpu.memory_space<vmem>>
    %dma_wait3A_177 = arith.constant 0 : i32
    %dma_wait3A_178 = tpu.memref_slice %arg2[%arg1, %multiple_of3A_38, %dma_wait3A_177] : memref<16x512x512xf32, #tpu.memory_space<hbm>> -> memref<1x32x512xf32, #tpu.memory_space<hbm>>
    %dma_wait3A_179 = tpu.memref_squeeze %dma_wait3A_178 : memref<1x32x512xf32, #tpu.memory_space<hbm>> -> memref<32x512xf32, #tpu.memory_space<hbm>>
    %dma_wait3A_180 = arith.constant 0 : i32
    %dma_wait3A_181 = arith.constant 0 : i32
    %dma_wait3A_182 = tpu.memref_slice %arg6[%dma_wait3A_172, %dma_wait3A_180, %dma_wait3A_181] : memref<3x32x512xf32, #tpu.memory_space<vmem>> -> memref<1x32x512xf32, #tpu.memory_space<vmem>>
    %dma_wait3A_183 = tpu.memref_squeeze %dma_wait3A_182 : memref<1x32x512xf32, #tpu.memory_space<vmem>> -> memref<32x512xf32, #tpu.memory_space<vmem>>
    %dma_wait3A_184 = arith.constant 0 : i32
    %dma_wait3A_185 = tpu.memref_slice %arg2[%arg1, %multiple_of3A_38, %dma_wait3A_184] : memref<16x512x512xf32, #tpu.memory_space<hbm>> -> memref<1x32x512xf32, #tpu.memory_space<hbm>>
    %dma_wait3A_186 = tpu.memref_squeeze %dma_wait3A_185 : memref<1x32x512xf32, #tpu.memory_space<hbm>> -> memref<32x512xf32, #tpu.memory_space<hbm>>
    tpu.wait_dma2 semaphore(%arg9 : memref<!tpu.dma_semaphore, #tpu.memory_space<semaphore_mem>>) src(%dma_wait3A_186 : memref<32x512xf32, #tpu.memory_space<hbm>>) dst(%dma_wait3A_183 : memref<32x512xf32, #tpu.memory_space<vmem>>)
    %dma_wait3A_187 = arith.constant 1 : i32
    %dma_wait3A_188 = arith.constant 0 : i32
    %dma_wait3A_189 = arith.constant 0 : i32
    %dma_wait3A_190 = tpu.memref_slice %arg7[%dma_wait3A_187, %dma_wait3A_188, %dma_wait3A_189] : memref<3x32x512xi32, #tpu.memory_space<vmem>> -> memref<1x32x512xi32, #tpu.memory_space<vmem>>
    %dma_wait3A_191 = tpu.memref_squeeze %dma_wait3A_190 : memref<1x32x512xi32, #tpu.memory_space<vmem>> -> memref<32x512xi32, #tpu.memory_space<vmem>>
    %dma_wait3A_192 = arith.constant 0 : i32
    %dma_wait3A_193 = tpu.memref_slice %arg3[%arg1, %multiple_of3A_38, %dma_wait3A_192] : memref<16x512x512xi32, #tpu.memory_space<hbm>> -> memref<1x32x512xi32, #tpu.memory_space<hbm>>
    %dma_wait3A_194 = tpu.memref_squeeze %dma_wait3A_193 : memref<1x32x512xi32, #tpu.memory_space<hbm>> -> memref<32x512xi32, #tpu.memory_space<hbm>>
    %dma_wait3A_195 = arith.constant 0 : i32
    %dma_wait3A_196 = arith.constant 0 : i32
    %dma_wait3A_197 = tpu.memref_slice %arg7[%dma_wait3A_187, %dma_wait3A_195, %dma_wait3A_196] : memref<3x32x512xi32, #tpu.memory_space<vmem>> -> memref<1x32x512xi32, #tpu.memory_space<vmem>>
    %dma_wait3A_198 = tpu.memref_squeeze %dma_wait3A_197 : memref<1x32x512xi32, #tpu.memory_space<vmem>> -> memref<32x512xi32, #tpu.memory_space<vmem>>
    %dma_wait3A_199 = arith.constant 0 : i32
    %dma_wait3A_200 = tpu.memref_slice %arg3[%arg1, %multiple_of3A_38, %dma_wait3A_199] : memref<16x512x512xi32, #tpu.memory_space<hbm>> -> memref<1x32x512xi32, #tpu.memory_space<hbm>>
    %dma_wait3A_201 = tpu.memref_squeeze %dma_wait3A_200 : memref<1x32x512xi32, #tpu.memory_space<hbm>> -> memref<32x512xi32, #tpu.memory_space<hbm>>
    tpu.wait_dma2 semaphore(%arg12 : memref<!tpu.dma_semaphore, #tpu.memory_space<semaphore_mem>>) src(%dma_wait3A_201 : memref<32x512xi32, #tpu.memory_space<hbm>>) dst(%dma_wait3A_198 : memref<32x512xi32, #tpu.memory_space<vmem>>)
    %parallel_loop3A_202 = arith.constant 0 : i32
    %parallel_loop3A_203 = arith.constant 1024 : i32
    %parallel_loop3A_204 = arith.constant 1 : i32
    %parallel_loop3A_205 = arith.constant 8.192000e+02 : f32
    %parallel_loop3A_206 = arith.constant 7372.7998 : f32
    %parallel_loop3A_207 = arith.constant 0.000000e+00 : f32
    %parallel_loop3A_208 = arith.constant 8.192000e+03 : f32
    %parallel_loop3A_209 = arith.constant 8.704000e+03 : f32
    scf.for %parallel_loop3A_570 = %parallel_loop3A_202 to %parallel_loop3A_203 step %parallel_loop3A_204  : i32 {
      %parallel_loop3A_571 = arith.constant 5 : i32
      %parallel_loop3A_572 = arith.shrsi %parallel_loop3A_570, %parallel_loop3A_571 : i32
      %parallel_loop3A_573 = arith.constant 31 : i32
      %parallel_loop3A_574 = arith.andi %parallel_loop3A_570, %parallel_loop3A_573 : i32
      %parallel_loop3A_575 = arith.constant 16 : i32
      %parallel_loop3A_576 = arith.muli %parallel_loop3A_574, %parallel_loop3A_575 : i32
      %parallel_loop3A_577 = arith.constant 1 : i32
      %parallel_loop3A_578 = arith.index_cast %parallel_loop3A_577 : i32 to index
      %parallel_loop3A_579 = arith.index_cast %parallel_loop3A_572 : i32 to index
      %parallel_loop3A_580 = arith.index_cast %parallel_loop3A_576 : i32 to index
      %parallel_loop3A_581 = tpu.vector_load %arg6[%parallel_loop3A_578, %parallel_loop3A_579, %parallel_loop3A_580] {strides = array<i32>} : memref<3x32x512xf32, #tpu.memory_space<vmem>>, vector<16xf32>,
      %parallel_loop3A_582 = arith.constant 1 : i32
      %parallel_loop3A_583 = arith.index_cast %parallel_loop3A_582 : i32 to index
      %parallel_loop3A_584 = arith.index_cast %parallel_loop3A_572 : i32 to index
      %parallel_loop3A_585 = arith.index_cast %parallel_loop3A_576 : i32 to index
      %parallel_loop3A_586 = tpu.vector_load %arg7[%parallel_loop3A_583, %parallel_loop3A_584, %parallel_loop3A_585] {strides = array<i32>} : memref<3x32x512xi32, #tpu.memory_space<vmem>>, vector<16xi32>,
      %parallel_loop3A_587 = arith.constant 0 : i32
      %parallel_loop3A_588 = vector.broadcast %parallel_loop3A_587 : i32 to vector<16xi32>
      %parallel_loop3A_589 = arith.cmpi sgt, %parallel_loop3A_586, %parallel_loop3A_588 : vector<16xi32>
      %parallel_loop3A_590 = vector.broadcast %parallel_loop3A_205 : f32 to vector<16xf32>
      %parallel_loop3A_591 = arith.mulf %parallel_loop3A_581, %parallel_loop3A_590 : vector<16xf32>
      %parallel_loop3A_592 = vector.broadcast %parallel_loop3A_206 : f32 to vector<16xf32>
      %parallel_loop3A_593 = arith.addf %parallel_loop3A_592, %parallel_loop3A_591 : vector<16xf32>
      %parallel_loop3A_594 = vector.broadcast %parallel_loop3A_206 : f32 to vector<16xf32>
      %parallel_loop3A_595 = arith.subf %parallel_loop3A_594, %parallel_loop3A_591 : vector<16xf32>
      %parallel_loop3A_596 = arith.select %parallel_loop3A_589, %parallel_loop3A_593, %parallel_loop3A_595 : vector<16xi1>, vector<16xf32>
      %parallel_loop3A_597 = vector.broadcast %parallel_loop3A_207 : f32 to vector<16xf32>
      %parallel_loop3A_598 = arith.maximumf %parallel_loop3A_596, %parallel_loop3A_597 : vector<16xf32>
      %parallel_loop3A_599 = vector.broadcast %parallel_loop3A_208 : f32 to vector<16xf32>
      %parallel_loop3A_600 = arith.minimumf %parallel_loop3A_598, %parallel_loop3A_599 : vector<16xf32>
      %parallel_loop3A_601 = vector.broadcast %parallel_loop3A_209 : f32 to vector<16xf32>
      %parallel_loop3A_602 = vector.broadcast %parallel_loop3A_207 : f32 to vector<16xf32>
      %parallel_loop3A_603 = arith.select %parallel_loop3A_589, %parallel_loop3A_601, %parallel_loop3A_602 : vector<16xi1>, vector<16xf32>
      %parallel_loop3A_604 = arith.addf %parallel_loop3A_600, %parallel_loop3A_603 : vector<16xf32>
      %parallel_loop3A_605 = arith.fptosi %parallel_loop3A_604 : vector<16xf32> to vector<16xi32>
      tpu.vector_store_idx %arg5[%parallel_loop3A_605], %broadcast_in_dim3A_5 {add = true} : memref<17408xf32, #tpu.memory_space<vmem>>[vector<16xi32>], vector<16xf32>,
    } {sc.loop_unroll_factor = 8 : i64, sc.parallel_access}
    %add3A_210 = arith.constant 128 : i32
    %add3A_211 = arith.addi %mul3A_0, %add3A_210 : i32
    %multiple_of3A_212 = tpu.assume_multiple %add3A_211, 32 : i32
    %dma_start3A_213 = arith.constant 1 : i32
    %dma_start3A_214 = arith.constant 0 : i32
    %dma_start3A_215 = arith.constant 0 : i32
    %dma_start3A_216 = tpu.memref_slice %arg6[%dma_start3A_213, %dma_start3A_214, %dma_start3A_215] : memref<3x32x512xf32, #tpu.memory_space<vmem>> -> memref<1x32x512xf32, #tpu.memory_space<vmem>>
    %dma_start3A_217 = tpu.memref_squeeze %dma_start3A_216 : memref<1x32x512xf32, #tpu.memory_space<vmem>> -> memref<32x512xf32, #tpu.memory_space<vmem>>
    %dma_start3A_218 = arith.constant 0 : i32
    %dma_start3A_219 = tpu.memref_slice %arg2[%arg1, %multiple_of3A_212, %dma_start3A_218] : memref<16x512x512xf32, #tpu.memory_space<hbm>> -> memref<1x32x512xf32, #tpu.memory_space<hbm>>
    %dma_start3A_220 = tpu.memref_squeeze %dma_start3A_219 : memref<1x32x512xf32, #tpu.memory_space<hbm>> -> memref<32x512xf32, #tpu.memory_space<hbm>>
    %dma_start3A_221 = arith.constant 0 : i32
    %dma_start3A_222 = arith.constant 0 : i32
    %dma_start3A_223 = tpu.memref_slice %arg6[%dma_start3A_213, %dma_start3A_221, %dma_start3A_222] : memref<3x32x512xf32, #tpu.memory_space<vmem>> -> memref<1x32x512xf32, #tpu.memory_space<vmem>>
    %dma_start3A_224 = tpu.memref_squeeze %dma_start3A_223 : memref<1x32x512xf32, #tpu.memory_space<vmem>> -> memref<32x512xf32, #tpu.memory_space<vmem>>
    %dma_start3A_225 = arith.constant 0 : i32
    %dma_start3A_226 = tpu.memref_slice %arg2[%arg1, %multiple_of3A_212, %dma_start3A_225] : memref<16x512x512xf32, #tpu.memory_space<hbm>> -> memref<1x32x512xf32, #tpu.memory_space<hbm>>
    %dma_start3A_227 = tpu.memref_squeeze %dma_start3A_226 : memref<1x32x512xf32, #tpu.memory_space<hbm>> -> memref<32x512xf32, #tpu.memory_space<hbm>>
    tpu.enqueue_dma source(%dma_start3A_227 : memref<32x512xf32, #tpu.memory_space<hbm>>) target(%dma_start3A_224 : memref<32x512xf32, #tpu.memory_space<vmem>>) target_semaphore(%arg9 : memref<!tpu.dma_semaphore, #tpu.memory_space<semaphore_mem>>)
    %dma_start3A_228 = arith.constant 1 : i32
    %dma_start3A_229 = arith.constant 0 : i32
    %dma_start3A_230 = arith.constant 0 : i32
    %dma_start3A_231 = tpu.memref_slice %arg7[%dma_start3A_228, %dma_start3A_229, %dma_start3A_230] : memref<3x32x512xi32, #tpu.memory_space<vmem>> -> memref<1x32x512xi32, #tpu.memory_space<vmem>>
    %dma_start3A_232 = tpu.memref_squeeze %dma_start3A_231 : memref<1x32x512xi32, #tpu.memory_space<vmem>> -> memref<32x512xi32, #tpu.memory_space<vmem>>
    %dma_start3A_233 = arith.constant 0 : i32
    %dma_start3A_234 = tpu.memref_slice %arg3[%arg1, %multiple_of3A_212, %dma_start3A_233] : memref<16x512x512xi32, #tpu.memory_space<hbm>> -> memref<1x32x512xi32, #tpu.memory_space<hbm>>
    %dma_start3A_235 = tpu.memref_squeeze %dma_start3A_234 : memref<1x32x512xi32, #tpu.memory_space<hbm>> -> memref<32x512xi32, #tpu.memory_space<hbm>>
    %dma_start3A_236 = arith.constant 0 : i32
    %dma_start3A_237 = arith.constant 0 : i32
    %dma_start3A_238 = tpu.memref_slice %arg7[%dma_start3A_228, %dma_start3A_236, %dma_start3A_237] : memref<3x32x512xi32, #tpu.memory_space<vmem>> -> memref<1x32x512xi32, #tpu.memory_space<vmem>>
    %dma_start3A_239 = tpu.memref_squeeze %dma_start3A_238 : memref<1x32x512xi32, #tpu.memory_space<vmem>> -> memref<32x512xi32, #tpu.memory_space<vmem>>
    %dma_start3A_240 = arith.constant 0 : i32
    %dma_start3A_241 = tpu.memref_slice %arg3[%arg1, %multiple_of3A_212, %dma_start3A_240] : memref<16x512x512xi32, #tpu.memory_space<hbm>> -> memref<1x32x512xi32, #tpu.memory_space<hbm>>
    %dma_start3A_242 = tpu.memref_squeeze %dma_start3A_241 : memref<1x32x512xi32, #tpu.memory_space<hbm>> -> memref<32x512xi32, #tpu.memory_space<hbm>>
    tpu.enqueue_dma source(%dma_start3A_242 : memref<32x512xi32, #tpu.memory_space<hbm>>) target(%dma_start3A_239 : memref<32x512xi32, #tpu.memory_space<vmem>>) target_semaphore(%arg12 : memref<!tpu.dma_semaphore, #tpu.memory_space<semaphore_mem>>)
    %dma_wait3A_243 = arith.constant 2 : i32
    %dma_wait3A_244 = arith.constant 0 : i32
    %dma_wait3A_245 = arith.constant 0 : i32
    %dma_wait3A_246 = tpu.memref_slice %arg6[%dma_wait3A_243, %dma_wait3A_244, %dma_wait3A_245] : memref<3x32x512xf32, #tpu.memory_space<vmem>> -> memref<1x32x512xf32, #tpu.memory_space<vmem>>
    %dma_wait3A_247 = tpu.memref_squeeze %dma_wait3A_246 : memref<1x32x512xf32, #tpu.memory_space<vmem>> -> memref<32x512xf32, #tpu.memory_space<vmem>>
    %dma_wait3A_248 = arith.constant 0 : i32
    %dma_wait3A_249 = tpu.memref_slice %arg2[%arg1, %multiple_of3A_71, %dma_wait3A_248] : memref<16x512x512xf32, #tpu.memory_space<hbm>> -> memref<1x32x512xf32, #tpu.memory_space<hbm>>
    %dma_wait3A_250 = tpu.memref_squeeze %dma_wait3A_249 : memref<1x32x512xf32, #tpu.memory_space<hbm>> -> memref<32x512xf32, #tpu.memory_space<hbm>>
    %dma_wait3A_251 = arith.constant 0 : i32
    %dma_wait3A_252 = arith.constant 0 : i32
    %dma_wait3A_253 = tpu.memref_slice %arg6[%dma_wait3A_243, %dma_wait3A_251, %dma_wait3A_252] : memref<3x32x512xf32, #tpu.memory_space<vmem>> -> memref<1x32x512xf32, #tpu.memory_space<vmem>>
    %dma_wait3A_254 = tpu.memref_squeeze %dma_wait3A_253 : memref<1x32x512xf32, #tpu.memory_space<vmem>> -> memref<32x512xf32, #tpu.memory_space<vmem>>
    %dma_wait3A_255 = arith.constant 0 : i32
    %dma_wait3A_256 = tpu.memref_slice %arg2[%arg1, %multiple_of3A_71, %dma_wait3A_255] : memref<16x512x512xf32, #tpu.memory_space<hbm>> -> memref<1x32x512xf32, #tpu.memory_space<hbm>>
    %dma_wait3A_257 = tpu.memref_squeeze %dma_wait3A_256 : memref<1x32x512xf32, #tpu.memory_space<hbm>> -> memref<32x512xf32, #tpu.memory_space<hbm>>
    tpu.wait_dma2 semaphore(%arg10 : memref<!tpu.dma_semaphore, #tpu.memory_space<semaphore_mem>>) src(%dma_wait3A_257 : memref<32x512xf32, #tpu.memory_space<hbm>>) dst(%dma_wait3A_254 : memref<32x512xf32, #tpu.memory_space<vmem>>)
    %dma_wait3A_258 = arith.constant 2 : i32
    %dma_wait3A_259 = arith.constant 0 : i32
    %dma_wait3A_260 = arith.constant 0 : i32
    %dma_wait3A_261 = tpu.memref_slice %arg7[%dma_wait3A_258, %dma_wait3A_259, %dma_wait3A_260] : memref<3x32x512xi32, #tpu.memory_space<vmem>> -> memref<1x32x512xi32, #tpu.memory_space<vmem>>
    %dma_wait3A_262 = tpu.memref_squeeze %dma_wait3A_261 : memref<1x32x512xi32, #tpu.memory_space<vmem>> -> memref<32x512xi32, #tpu.memory_space<vmem>>
    %dma_wait3A_263 = arith.constant 0 : i32
    %dma_wait3A_264 = tpu.memref_slice %arg3[%arg1, %multiple_of3A_71, %dma_wait3A_263] : memref<16x512x512xi32, #tpu.memory_space<hbm>> -> memref<1x32x512xi32, #tpu.memory_space<hbm>>
    %dma_wait3A_265 = tpu.memref_squeeze %dma_wait3A_264 : memref<1x32x512xi32, #tpu.memory_space<hbm>> -> memref<32x512xi32, #tpu.memory_space<hbm>>
    %dma_wait3A_266 = arith.constant 0 : i32
    %dma_wait3A_267 = arith.constant 0 : i32
    %dma_wait3A_268 = tpu.memref_slice %arg7[%dma_wait3A_258, %dma_wait3A_266, %dma_wait3A_267] : memref<3x32x512xi32, #tpu.memory_space<vmem>> -> memref<1x32x512xi32, #tpu.memory_space<vmem>>
    %dma_wait3A_269 = tpu.memref_squeeze %dma_wait3A_268 : memref<1x32x512xi32, #tpu.memory_space<vmem>> -> memref<32x512xi32, #tpu.memory_space<vmem>>
    %dma_wait3A_270 = arith.constant 0 : i32
    %dma_wait3A_271 = tpu.memref_slice %arg3[%arg1, %multiple_of3A_71, %dma_wait3A_270] : memref<16x512x512xi32, #tpu.memory_space<hbm>> -> memref<1x32x512xi32, #tpu.memory_space<hbm>>
    %dma_wait3A_272 = tpu.memref_squeeze %dma_wait3A_271 : memref<1x32x512xi32, #tpu.memory_space<hbm>> -> memref<32x512xi32, #tpu.memory_space<hbm>>
    tpu.wait_dma2 semaphore(%arg13 : memref<!tpu.dma_semaphore, #tpu.memory_space<semaphore_mem>>) src(%dma_wait3A_272 : memref<32x512xi32, #tpu.memory_space<hbm>>) dst(%dma_wait3A_269 : memref<32x512xi32, #tpu.memory_space<vmem>>)
    %parallel_loop3A_273 = arith.constant 0 : i32
    %parallel_loop3A_274 = arith.constant 1024 : i32
    %parallel_loop3A_275 = arith.constant 1 : i32
    %parallel_loop3A_276 = arith.constant 8.192000e+02 : f32
    %parallel_loop3A_277 = arith.constant 7372.7998 : f32
    %parallel_loop3A_278 = arith.constant 0.000000e+00 : f32
    %parallel_loop3A_279 = arith.constant 8.192000e+03 : f32
    %parallel_loop3A_280 = arith.constant 8.704000e+03 : f32
    scf.for %parallel_loop3A_570 = %parallel_loop3A_273 to %parallel_loop3A_274 step %parallel_loop3A_275  : i32 {
      %parallel_loop3A_571 = arith.constant 5 : i32
      %parallel_loop3A_572 = arith.shrsi %parallel_loop3A_570, %parallel_loop3A_571 : i32
      %parallel_loop3A_573 = arith.constant 31 : i32
      %parallel_loop3A_574 = arith.andi %parallel_loop3A_570, %parallel_loop3A_573 : i32
      %parallel_loop3A_575 = arith.constant 16 : i32
      %parallel_loop3A_576 = arith.muli %parallel_loop3A_574, %parallel_loop3A_575 : i32
      %parallel_loop3A_577 = arith.constant 2 : i32
      %parallel_loop3A_578 = arith.index_cast %parallel_loop3A_577 : i32 to index
      %parallel_loop3A_579 = arith.index_cast %parallel_loop3A_572 : i32 to index
      %parallel_loop3A_580 = arith.index_cast %parallel_loop3A_576 : i32 to index
      %parallel_loop3A_581 = tpu.vector_load %arg6[%parallel_loop3A_578, %parallel_loop3A_579, %parallel_loop3A_580] {strides = array<i32>} : memref<3x32x512xf32, #tpu.memory_space<vmem>>, vector<16xf32>,
      %parallel_loop3A_582 = arith.constant 2 : i32
      %parallel_loop3A_583 = arith.index_cast %parallel_loop3A_582 : i32 to index
      %parallel_loop3A_584 = arith.index_cast %parallel_loop3A_572 : i32 to index
      %parallel_loop3A_585 = arith.index_cast %parallel_loop3A_576 : i32 to index
      %parallel_loop3A_586 = tpu.vector_load %arg7[%parallel_loop3A_583, %parallel_loop3A_584, %parallel_loop3A_585] {strides = array<i32>} : memref<3x32x512xi32, #tpu.memory_space<vmem>>, vector<16xi32>,
      %parallel_loop3A_587 = arith.constant 0 : i32
      %parallel_loop3A_588 = vector.broadcast %parallel_loop3A_587 : i32 to vector<16xi32>
      %parallel_loop3A_589 = arith.cmpi sgt, %parallel_loop3A_586, %parallel_loop3A_588 : vector<16xi32>
      %parallel_loop3A_590 = vector.broadcast %parallel_loop3A_276 : f32 to vector<16xf32>
      %parallel_loop3A_591 = arith.mulf %parallel_loop3A_581, %parallel_loop3A_590 : vector<16xf32>
      %parallel_loop3A_592 = vector.broadcast %parallel_loop3A_277 : f32 to vector<16xf32>
      %parallel_loop3A_593 = arith.addf %parallel_loop3A_592, %parallel_loop3A_591 : vector<16xf32>
      %parallel_loop3A_594 = vector.broadcast %parallel_loop3A_277 : f32 to vector<16xf32>
      %parallel_loop3A_595 = arith.subf %parallel_loop3A_594, %parallel_loop3A_591 : vector<16xf32>
      %parallel_loop3A_596 = arith.select %parallel_loop3A_589, %parallel_loop3A_593, %parallel_loop3A_595 : vector<16xi1>, vector<16xf32>
      %parallel_loop3A_597 = vector.broadcast %parallel_loop3A_278 : f32 to vector<16xf32>
      %parallel_loop3A_598 = arith.maximumf %parallel_loop3A_596, %parallel_loop3A_597 : vector<16xf32>
      %parallel_loop3A_599 = vector.broadcast %parallel_loop3A_279 : f32 to vector<16xf32>
      %parallel_loop3A_600 = arith.minimumf %parallel_loop3A_598, %parallel_loop3A_599 : vector<16xf32>
      %parallel_loop3A_601 = vector.broadcast %parallel_loop3A_280 : f32 to vector<16xf32>
      %parallel_loop3A_602 = vector.broadcast %parallel_loop3A_278 : f32 to vector<16xf32>
      %parallel_loop3A_603 = arith.select %parallel_loop3A_589, %parallel_loop3A_601, %parallel_loop3A_602 : vector<16xi1>, vector<16xf32>
      %parallel_loop3A_604 = arith.addf %parallel_loop3A_600, %parallel_loop3A_603 : vector<16xf32>
      %parallel_loop3A_605 = arith.fptosi %parallel_loop3A_604 : vector<16xf32> to vector<16xi32>
      tpu.vector_store_idx %arg5[%parallel_loop3A_605], %broadcast_in_dim3A_5 {add = true} : memref<17408xf32, #tpu.memory_space<vmem>>[vector<16xi32>], vector<16xf32>,
    } {sc.loop_unroll_factor = 8 : i64, sc.parallel_access}
    %add3A_281 = arith.constant 160 : i32
    %add3A_282 = arith.addi %mul3A_0, %add3A_281 : i32
    %multiple_of3A_283 = tpu.assume_multiple %add3A_282, 32 : i32
    %dma_start3A_284 = arith.constant 2 : i32
    %dma_start3A_285 = arith.constant 0 : i32
    %dma_start3A_286 = arith.constant 0 : i32
    %dma_start3A_287 = tpu.memref_slice %arg6[%dma_start3A_284, %dma_start3A_285, %dma_start3A_286] : memref<3x32x512xf32, #tpu.memory_space<vmem>> -> memref<1x32x512xf32, #tpu.memory_space<vmem>>
    %dma_start3A_288 = tpu.memref_squeeze %dma_start3A_287 : memref<1x32x512xf32, #tpu.memory_space<vmem>> -> memref<32x512xf32, #tpu.memory_space<vmem>>
    %dma_start3A_289 = arith.constant 0 : i32
    %dma_start3A_290 = tpu.memref_slice %arg2[%arg1, %multiple_of3A_283, %dma_start3A_289] : memref<16x512x512xf32, #tpu.memory_space<hbm>> -> memref<1x32x512xf32, #tpu.memory_space<hbm>>
    %dma_start3A_291 = tpu.memref_squeeze %dma_start3A_290 : memref<1x32x512xf32, #tpu.memory_space<hbm>> -> memref<32x512xf32, #tpu.memory_space<hbm>>
    %dma_start3A_292 = arith.constant 0 : i32
    %dma_start3A_293 = arith.constant 0 : i32
    %dma_start3A_294 = tpu.memref_slice %arg6[%dma_start3A_284, %dma_start3A_292, %dma_start3A_293] : memref<3x32x512xf32, #tpu.memory_space<vmem>> -> memref<1x32x512xf32, #tpu.memory_space<vmem>>
    %dma_start3A_295 = tpu.memref_squeeze %dma_start3A_294 : memref<1x32x512xf32, #tpu.memory_space<vmem>> -> memref<32x512xf32, #tpu.memory_space<vmem>>
    %dma_start3A_296 = arith.constant 0 : i32
    %dma_start3A_297 = tpu.memref_slice %arg2[%arg1, %multiple_of3A_283, %dma_start3A_296] : memref<16x512x512xf32, #tpu.memory_space<hbm>> -> memref<1x32x512xf32, #tpu.memory_space<hbm>>
    %dma_start3A_298 = tpu.memref_squeeze %dma_start3A_297 : memref<1x32x512xf32, #tpu.memory_space<hbm>> -> memref<32x512xf32, #tpu.memory_space<hbm>>
    tpu.enqueue_dma source(%dma_start3A_298 : memref<32x512xf32, #tpu.memory_space<hbm>>) target(%dma_start3A_295 : memref<32x512xf32, #tpu.memory_space<vmem>>) target_semaphore(%arg10 : memref<!tpu.dma_semaphore, #tpu.memory_space<semaphore_mem>>)
    %dma_start3A_299 = arith.constant 2 : i32
    %dma_start3A_300 = arith.constant 0 : i32
    %dma_start3A_301 = arith.constant 0 : i32
    %dma_start3A_302 = tpu.memref_slice %arg7[%dma_start3A_299, %dma_start3A_300, %dma_start3A_301] : memref<3x32x512xi32, #tpu.memory_space<vmem>> -> memref<1x32x512xi32, #tpu.memory_space<vmem>>
    %dma_start3A_303 = tpu.memref_squeeze %dma_start3A_302 : memref<1x32x512xi32, #tpu.memory_space<vmem>> -> memref<32x512xi32, #tpu.memory_space<vmem>>
    %dma_start3A_304 = arith.constant 0 : i32
    %dma_start3A_305 = tpu.memref_slice %arg3[%arg1, %multiple_of3A_283, %dma_start3A_304] : memref<16x512x512xi32, #tpu.memory_space<hbm>> -> memref<1x32x512xi32, #tpu.memory_space<hbm>>
    %dma_start3A_306 = tpu.memref_squeeze %dma_start3A_305 : memref<1x32x512xi32, #tpu.memory_space<hbm>> -> memref<32x512xi32, #tpu.memory_space<hbm>>
    %dma_start3A_307 = arith.constant 0 : i32
    %dma_start3A_308 = arith.constant 0 : i32
    %dma_start3A_309 = tpu.memref_slice %arg7[%dma_start3A_299, %dma_start3A_307, %dma_start3A_308] : memref<3x32x512xi32, #tpu.memory_space<vmem>> -> memref<1x32x512xi32, #tpu.memory_space<vmem>>
    %dma_start3A_310 = tpu.memref_squeeze %dma_start3A_309 : memref<1x32x512xi32, #tpu.memory_space<vmem>> -> memref<32x512xi32, #tpu.memory_space<vmem>>
    %dma_start3A_311 = arith.constant 0 : i32
    %dma_start3A_312 = tpu.memref_slice %arg3[%arg1, %multiple_of3A_283, %dma_start3A_311] : memref<16x512x512xi32, #tpu.memory_space<hbm>> -> memref<1x32x512xi32, #tpu.memory_space<hbm>>
    %dma_start3A_313 = tpu.memref_squeeze %dma_start3A_312 : memref<1x32x512xi32, #tpu.memory_space<hbm>> -> memref<32x512xi32, #tpu.memory_space<hbm>>
    tpu.enqueue_dma source(%dma_start3A_313 : memref<32x512xi32, #tpu.memory_space<hbm>>) target(%dma_start3A_310 : memref<32x512xi32, #tpu.memory_space<vmem>>) target_semaphore(%arg13 : memref<!tpu.dma_semaphore, #tpu.memory_space<semaphore_mem>>)
    %dma_wait3A_314 = arith.constant 0 : i32
    %dma_wait3A_315 = arith.constant 0 : i32
    %dma_wait3A_316 = arith.constant 0 : i32
    %dma_wait3A_317 = tpu.memref_slice %arg6[%dma_wait3A_314, %dma_wait3A_315, %dma_wait3A_316] : memref<3x32x512xf32, #tpu.memory_space<vmem>> -> memref<1x32x512xf32, #tpu.memory_space<vmem>>
    %dma_wait3A_318 = tpu.memref_squeeze %dma_wait3A_317 : memref<1x32x512xf32, #tpu.memory_space<vmem>> -> memref<32x512xf32, #tpu.memory_space<vmem>>
    %dma_wait3A_319 = arith.constant 0 : i32
    %dma_wait3A_320 = tpu.memref_slice %arg2[%arg1, %multiple_of3A_141, %dma_wait3A_319] : memref<16x512x512xf32, #tpu.memory_space<hbm>> -> memref<1x32x512xf32, #tpu.memory_space<hbm>>
    %dma_wait3A_321 = tpu.memref_squeeze %dma_wait3A_320 : memref<1x32x512xf32, #tpu.memory_space<hbm>> -> memref<32x512xf32, #tpu.memory_space<hbm>>
    %dma_wait3A_322 = arith.constant 0 : i32
    %dma_wait3A_323 = arith.constant 0 : i32
    %dma_wait3A_324 = tpu.memref_slice %arg6[%dma_wait3A_314, %dma_wait3A_322, %dma_wait3A_323] : memref<3x32x512xf32, #tpu.memory_space<vmem>> -> memref<1x32x512xf32, #tpu.memory_space<vmem>>
    %dma_wait3A_325 = tpu.memref_squeeze %dma_wait3A_324 : memref<1x32x512xf32, #tpu.memory_space<vmem>> -> memref<32x512xf32, #tpu.memory_space<vmem>>
    %dma_wait3A_326 = arith.constant 0 : i32
    %dma_wait3A_327 = tpu.memref_slice %arg2[%arg1, %multiple_of3A_141, %dma_wait3A_326] : memref<16x512x512xf32, #tpu.memory_space<hbm>> -> memref<1x32x512xf32, #tpu.memory_space<hbm>>
    %dma_wait3A_328 = tpu.memref_squeeze %dma_wait3A_327 : memref<1x32x512xf32, #tpu.memory_space<hbm>> -> memref<32x512xf32, #tpu.memory_space<hbm>>
    tpu.wait_dma2 semaphore(%arg8 : memref<!tpu.dma_semaphore, #tpu.memory_space<semaphore_mem>>) src(%dma_wait3A_328 : memref<32x512xf32, #tpu.memory_space<hbm>>) dst(%dma_wait3A_325 : memref<32x512xf32, #tpu.memory_space<vmem>>)
    %dma_wait3A_329 = arith.constant 0 : i32
    %dma_wait3A_330 = arith.constant 0 : i32
    %dma_wait3A_331 = arith.constant 0 : i32
    %dma_wait3A_332 = tpu.memref_slice %arg7[%dma_wait3A_329, %dma_wait3A_330, %dma_wait3A_331] : memref<3x32x512xi32, #tpu.memory_space<vmem>> -> memref<1x32x512xi32, #tpu.memory_space<vmem>>
    %dma_wait3A_333 = tpu.memref_squeeze %dma_wait3A_332 : memref<1x32x512xi32, #tpu.memory_space<vmem>> -> memref<32x512xi32, #tpu.memory_space<vmem>>
    %dma_wait3A_334 = arith.constant 0 : i32
    %dma_wait3A_335 = tpu.memref_slice %arg3[%arg1, %multiple_of3A_141, %dma_wait3A_334] : memref<16x512x512xi32, #tpu.memory_space<hbm>> -> memref<1x32x512xi32, #tpu.memory_space<hbm>>
    %dma_wait3A_336 = tpu.memref_squeeze %dma_wait3A_335 : memref<1x32x512xi32, #tpu.memory_space<hbm>> -> memref<32x512xi32, #tpu.memory_space<hbm>>
    %dma_wait3A_337 = arith.constant 0 : i32
    %dma_wait3A_338 = arith.constant 0 : i32
    %dma_wait3A_339 = tpu.memref_slice %arg7[%dma_wait3A_329, %dma_wait3A_337, %dma_wait3A_338] : memref<3x32x512xi32, #tpu.memory_space<vmem>> -> memref<1x32x512xi32, #tpu.memory_space<vmem>>
    %dma_wait3A_340 = tpu.memref_squeeze %dma_wait3A_339 : memref<1x32x512xi32, #tpu.memory_space<vmem>> -> memref<32x512xi32, #tpu.memory_space<vmem>>
    %dma_wait3A_341 = arith.constant 0 : i32
    %dma_wait3A_342 = tpu.memref_slice %arg3[%arg1, %multiple_of3A_141, %dma_wait3A_341] : memref<16x512x512xi32, #tpu.memory_space<hbm>> -> memref<1x32x512xi32, #tpu.memory_space<hbm>>
    %dma_wait3A_343 = tpu.memref_squeeze %dma_wait3A_342 : memref<1x32x512xi32, #tpu.memory_space<hbm>> -> memref<32x512xi32, #tpu.memory_space<hbm>>
    tpu.wait_dma2 semaphore(%arg11 : memref<!tpu.dma_semaphore, #tpu.memory_space<semaphore_mem>>) src(%dma_wait3A_343 : memref<32x512xi32, #tpu.memory_space<hbm>>) dst(%dma_wait3A_340 : memref<32x512xi32, #tpu.memory_space<vmem>>)
    %parallel_loop3A_344 = arith.constant 0 : i32
    %parallel_loop3A_345 = arith.constant 1024 : i32
    %parallel_loop3A_346 = arith.constant 1 : i32
    %parallel_loop3A_347 = arith.constant 8.192000e+02 : f32
    %parallel_loop3A_348 = arith.constant 7372.7998 : f32
    %parallel_loop3A_349 = arith.constant 0.000000e+00 : f32
    %parallel_loop3A_350 = arith.constant 8.192000e+03 : f32
    %parallel_loop3A_351 = arith.constant 8.704000e+03 : f32
    scf.for %parallel_loop3A_570 = %parallel_loop3A_344 to %parallel_loop3A_345 step %parallel_loop3A_346  : i32 {
      %parallel_loop3A_571 = arith.constant 5 : i32
      %parallel_loop3A_572 = arith.shrsi %parallel_loop3A_570, %parallel_loop3A_571 : i32
      %parallel_loop3A_573 = arith.constant 31 : i32
      %parallel_loop3A_574 = arith.andi %parallel_loop3A_570, %parallel_loop3A_573 : i32
      %parallel_loop3A_575 = arith.constant 16 : i32
      %parallel_loop3A_576 = arith.muli %parallel_loop3A_574, %parallel_loop3A_575 : i32
      %parallel_loop3A_577 = arith.constant 0 : i32
      %parallel_loop3A_578 = arith.index_cast %parallel_loop3A_577 : i32 to index
      %parallel_loop3A_579 = arith.index_cast %parallel_loop3A_572 : i32 to index
      %parallel_loop3A_580 = arith.index_cast %parallel_loop3A_576 : i32 to index
      %parallel_loop3A_581 = tpu.vector_load %arg6[%parallel_loop3A_578, %parallel_loop3A_579, %parallel_loop3A_580] {strides = array<i32>} : memref<3x32x512xf32, #tpu.memory_space<vmem>>, vector<16xf32>,
      %parallel_loop3A_582 = arith.constant 0 : i32
      %parallel_loop3A_583 = arith.index_cast %parallel_loop3A_582 : i32 to index
      %parallel_loop3A_584 = arith.index_cast %parallel_loop3A_572 : i32 to index
      %parallel_loop3A_585 = arith.index_cast %parallel_loop3A_576 : i32 to index
      %parallel_loop3A_586 = tpu.vector_load %arg7[%parallel_loop3A_583, %parallel_loop3A_584, %parallel_loop3A_585] {strides = array<i32>} : memref<3x32x512xi32, #tpu.memory_space<vmem>>, vector<16xi32>,
      %parallel_loop3A_587 = arith.constant 0 : i32
      %parallel_loop3A_588 = vector.broadcast %parallel_loop3A_587 : i32 to vector<16xi32>
      %parallel_loop3A_589 = arith.cmpi sgt, %parallel_loop3A_586, %parallel_loop3A_588 : vector<16xi32>
      %parallel_loop3A_590 = vector.broadcast %parallel_loop3A_347 : f32 to vector<16xf32>
      %parallel_loop3A_591 = arith.mulf %parallel_loop3A_581, %parallel_loop3A_590 : vector<16xf32>
      %parallel_loop3A_592 = vector.broadcast %parallel_loop3A_348 : f32 to vector<16xf32>
      %parallel_loop3A_593 = arith.addf %parallel_loop3A_592, %parallel_loop3A_591 : vector<16xf32>
      %parallel_loop3A_594 = vector.broadcast %parallel_loop3A_348 : f32 to vector<16xf32>
      %parallel_loop3A_595 = arith.subf %parallel_loop3A_594, %parallel_loop3A_591 : vector<16xf32>
      %parallel_loop3A_596 = arith.select %parallel_loop3A_589, %parallel_loop3A_593, %parallel_loop3A_595 : vector<16xi1>, vector<16xf32>
      %parallel_loop3A_597 = vector.broadcast %parallel_loop3A_349 : f32 to vector<16xf32>
      %parallel_loop3A_598 = arith.maximumf %parallel_loop3A_596, %parallel_loop3A_597 : vector<16xf32>
      %parallel_loop3A_599 = vector.broadcast %parallel_loop3A_350 : f32 to vector<16xf32>
      %parallel_loop3A_600 = arith.minimumf %parallel_loop3A_598, %parallel_loop3A_599 : vector<16xf32>
      %parallel_loop3A_601 = vector.broadcast %parallel_loop3A_351 : f32 to vector<16xf32>
      %parallel_loop3A_602 = vector.broadcast %parallel_loop3A_349 : f32 to vector<16xf32>
      %parallel_loop3A_603 = arith.select %parallel_loop3A_589, %parallel_loop3A_601, %parallel_loop3A_602 : vector<16xi1>, vector<16xf32>
      %parallel_loop3A_604 = arith.addf %parallel_loop3A_600, %parallel_loop3A_603 : vector<16xf32>
      %parallel_loop3A_605 = arith.fptosi %parallel_loop3A_604 : vector<16xf32> to vector<16xi32>
      tpu.vector_store_idx %arg5[%parallel_loop3A_605], %broadcast_in_dim3A_5 {add = true} : memref<17408xf32, #tpu.memory_space<vmem>>[vector<16xi32>], vector<16xf32>,
    } {sc.loop_unroll_factor = 8 : i64, sc.parallel_access}
    %add3A_352 = arith.constant 192 : i32
    %add3A_353 = arith.addi %mul3A_0, %add3A_352 : i32
    %multiple_of3A_354 = tpu.assume_multiple %add3A_353, 32 : i32
    %dma_start3A_355 = arith.constant 0 : i32
    %dma_start3A_356 = arith.constant 0 : i32
    %dma_start3A_357 = arith.constant 0 : i32
    %dma_start3A_358 = tpu.memref_slice %arg6[%dma_start3A_355, %dma_start3A_356, %dma_start3A_357] : memref<3x32x512xf32, #tpu.memory_space<vmem>> -> memref<1x32x512xf32, #tpu.memory_space<vmem>>
    %dma_start3A_359 = tpu.memref_squeeze %dma_start3A_358 : memref<1x32x512xf32, #tpu.memory_space<vmem>> -> memref<32x512xf32, #tpu.memory_space<vmem>>
    %dma_start3A_360 = arith.constant 0 : i32
    %dma_start3A_361 = tpu.memref_slice %arg2[%arg1, %multiple_of3A_354, %dma_start3A_360] : memref<16x512x512xf32, #tpu.memory_space<hbm>> -> memref<1x32x512xf32, #tpu.memory_space<hbm>>
    %dma_start3A_362 = tpu.memref_squeeze %dma_start3A_361 : memref<1x32x512xf32, #tpu.memory_space<hbm>> -> memref<32x512xf32, #tpu.memory_space<hbm>>
    %dma_start3A_363 = arith.constant 0 : i32
    %dma_start3A_364 = arith.constant 0 : i32
    %dma_start3A_365 = tpu.memref_slice %arg6[%dma_start3A_355, %dma_start3A_363, %dma_start3A_364] : memref<3x32x512xf32, #tpu.memory_space<vmem>> -> memref<1x32x512xf32, #tpu.memory_space<vmem>>
    %dma_start3A_366 = tpu.memref_squeeze %dma_start3A_365 : memref<1x32x512xf32, #tpu.memory_space<vmem>> -> memref<32x512xf32, #tpu.memory_space<vmem>>
    %dma_start3A_367 = arith.constant 0 : i32
    %dma_start3A_368 = tpu.memref_slice %arg2[%arg1, %multiple_of3A_354, %dma_start3A_367] : memref<16x512x512xf32, #tpu.memory_space<hbm>> -> memref<1x32x512xf32, #tpu.memory_space<hbm>>
    %dma_start3A_369 = tpu.memref_squeeze %dma_start3A_368 : memref<1x32x512xf32, #tpu.memory_space<hbm>> -> memref<32x512xf32, #tpu.memory_space<hbm>>
    tpu.enqueue_dma source(%dma_start3A_369 : memref<32x512xf32, #tpu.memory_space<hbm>>) target(%dma_start3A_366 : memref<32x512xf32, #tpu.memory_space<vmem>>) target_semaphore(%arg8 : memref<!tpu.dma_semaphore, #tpu.memory_space<semaphore_mem>>)
    %dma_start3A_370 = arith.constant 0 : i32
    %dma_start3A_371 = arith.constant 0 : i32
    %dma_start3A_372 = arith.constant 0 : i32
    %dma_start3A_373 = tpu.memref_slice %arg7[%dma_start3A_370, %dma_start3A_371, %dma_start3A_372] : memref<3x32x512xi32, #tpu.memory_space<vmem>> -> memref<1x32x512xi32, #tpu.memory_space<vmem>>
    %dma_start3A_374 = tpu.memref_squeeze %dma_start3A_373 : memref<1x32x512xi32, #tpu.memory_space<vmem>> -> memref<32x512xi32, #tpu.memory_space<vmem>>
    %dma_start3A_375 = arith.constant 0 : i32
    %dma_start3A_376 = tpu.memref_slice %arg3[%arg1, %multiple_of3A_354, %dma_start3A_375] : memref<16x512x512xi32, #tpu.memory_space<hbm>> -> memref<1x32x512xi32, #tpu.memory_space<hbm>>
    %dma_start3A_377 = tpu.memref_squeeze %dma_start3A_376 : memref<1x32x512xi32, #tpu.memory_space<hbm>> -> memref<32x512xi32, #tpu.memory_space<hbm>>
    %dma_start3A_378 = arith.constant 0 : i32
    %dma_start3A_379 = arith.constant 0 : i32
    %dma_start3A_380 = tpu.memref_slice %arg7[%dma_start3A_370, %dma_start3A_378, %dma_start3A_379] : memref<3x32x512xi32, #tpu.memory_space<vmem>> -> memref<1x32x512xi32, #tpu.memory_space<vmem>>
    %dma_start3A_381 = tpu.memref_squeeze %dma_start3A_380 : memref<1x32x512xi32, #tpu.memory_space<vmem>> -> memref<32x512xi32, #tpu.memory_space<vmem>>
    %dma_start3A_382 = arith.constant 0 : i32
    %dma_start3A_383 = tpu.memref_slice %arg3[%arg1, %multiple_of3A_354, %dma_start3A_382] : memref<16x512x512xi32, #tpu.memory_space<hbm>> -> memref<1x32x512xi32, #tpu.memory_space<hbm>>
    %dma_start3A_384 = tpu.memref_squeeze %dma_start3A_383 : memref<1x32x512xi32, #tpu.memory_space<hbm>> -> memref<32x512xi32, #tpu.memory_space<hbm>>
    tpu.enqueue_dma source(%dma_start3A_384 : memref<32x512xi32, #tpu.memory_space<hbm>>) target(%dma_start3A_381 : memref<32x512xi32, #tpu.memory_space<vmem>>) target_semaphore(%arg11 : memref<!tpu.dma_semaphore, #tpu.memory_space<semaphore_mem>>)
    %dma_wait3A_385 = arith.constant 1 : i32
    %dma_wait3A_386 = arith.constant 0 : i32
    %dma_wait3A_387 = arith.constant 0 : i32
    %dma_wait3A_388 = tpu.memref_slice %arg6[%dma_wait3A_385, %dma_wait3A_386, %dma_wait3A_387] : memref<3x32x512xf32, #tpu.memory_space<vmem>> -> memref<1x32x512xf32, #tpu.memory_space<vmem>>
    %dma_wait3A_389 = tpu.memref_squeeze %dma_wait3A_388 : memref<1x32x512xf32, #tpu.memory_space<vmem>> -> memref<32x512xf32, #tpu.memory_space<vmem>>
    %dma_wait3A_390 = arith.constant 0 : i32
    %dma_wait3A_391 = tpu.memref_slice %arg2[%arg1, %multiple_of3A_212, %dma_wait3A_390] : memref<16x512x512xf32, #tpu.memory_space<hbm>> -> memref<1x32x512xf32, #tpu.memory_space<hbm>>
    %dma_wait3A_392 = tpu.memref_squeeze %dma_wait3A_391 : memref<1x32x512xf32, #tpu.memory_space<hbm>> -> memref<32x512xf32, #tpu.memory_space<hbm>>
    %dma_wait3A_393 = arith.constant 0 : i32
    %dma_wait3A_394 = arith.constant 0 : i32
    %dma_wait3A_395 = tpu.memref_slice %arg6[%dma_wait3A_385, %dma_wait3A_393, %dma_wait3A_394] : memref<3x32x512xf32, #tpu.memory_space<vmem>> -> memref<1x32x512xf32, #tpu.memory_space<vmem>>
    %dma_wait3A_396 = tpu.memref_squeeze %dma_wait3A_395 : memref<1x32x512xf32, #tpu.memory_space<vmem>> -> memref<32x512xf32, #tpu.memory_space<vmem>>
    %dma_wait3A_397 = arith.constant 0 : i32
    %dma_wait3A_398 = tpu.memref_slice %arg2[%arg1, %multiple_of3A_212, %dma_wait3A_397] : memref<16x512x512xf32, #tpu.memory_space<hbm>> -> memref<1x32x512xf32, #tpu.memory_space<hbm>>
    %dma_wait3A_399 = tpu.memref_squeeze %dma_wait3A_398 : memref<1x32x512xf32, #tpu.memory_space<hbm>> -> memref<32x512xf32, #tpu.memory_space<hbm>>
    tpu.wait_dma2 semaphore(%arg9 : memref<!tpu.dma_semaphore, #tpu.memory_space<semaphore_mem>>) src(%dma_wait3A_399 : memref<32x512xf32, #tpu.memory_space<hbm>>) dst(%dma_wait3A_396 : memref<32x512xf32, #tpu.memory_space<vmem>>)
    %dma_wait3A_400 = arith.constant 1 : i32
    %dma_wait3A_401 = arith.constant 0 : i32
    %dma_wait3A_402 = arith.constant 0 : i32
    %dma_wait3A_403 = tpu.memref_slice %arg7[%dma_wait3A_400, %dma_wait3A_401, %dma_wait3A_402] : memref<3x32x512xi32, #tpu.memory_space<vmem>> -> memref<1x32x512xi32, #tpu.memory_space<vmem>>
    %dma_wait3A_404 = tpu.memref_squeeze %dma_wait3A_403 : memref<1x32x512xi32, #tpu.memory_space<vmem>> -> memref<32x512xi32, #tpu.memory_space<vmem>>
    %dma_wait3A_405 = arith.constant 0 : i32
    %dma_wait3A_406 = tpu.memref_slice %arg3[%arg1, %multiple_of3A_212, %dma_wait3A_405] : memref<16x512x512xi32, #tpu.memory_space<hbm>> -> memref<1x32x512xi32, #tpu.memory_space<hbm>>
    %dma_wait3A_407 = tpu.memref_squeeze %dma_wait3A_406 : memref<1x32x512xi32, #tpu.memory_space<hbm>> -> memref<32x512xi32, #tpu.memory_space<hbm>>
    %dma_wait3A_408 = arith.constant 0 : i32
    %dma_wait3A_409 = arith.constant 0 : i32
    %dma_wait3A_410 = tpu.memref_slice %arg7[%dma_wait3A_400, %dma_wait3A_408, %dma_wait3A_409] : memref<3x32x512xi32, #tpu.memory_space<vmem>> -> memref<1x32x512xi32, #tpu.memory_space<vmem>>
    %dma_wait3A_411 = tpu.memref_squeeze %dma_wait3A_410 : memref<1x32x512xi32, #tpu.memory_space<vmem>> -> memref<32x512xi32, #tpu.memory_space<vmem>>
    %dma_wait3A_412 = arith.constant 0 : i32
    %dma_wait3A_413 = tpu.memref_slice %arg3[%arg1, %multiple_of3A_212, %dma_wait3A_412] : memref<16x512x512xi32, #tpu.memory_space<hbm>> -> memref<1x32x512xi32, #tpu.memory_space<hbm>>
    %dma_wait3A_414 = tpu.memref_squeeze %dma_wait3A_413 : memref<1x32x512xi32, #tpu.memory_space<hbm>> -> memref<32x512xi32, #tpu.memory_space<hbm>>
    tpu.wait_dma2 semaphore(%arg12 : memref<!tpu.dma_semaphore, #tpu.memory_space<semaphore_mem>>) src(%dma_wait3A_414 : memref<32x512xi32, #tpu.memory_space<hbm>>) dst(%dma_wait3A_411 : memref<32x512xi32, #tpu.memory_space<vmem>>)
    %parallel_loop3A_415 = arith.constant 0 : i32
    %parallel_loop3A_416 = arith.constant 1024 : i32
    %parallel_loop3A_417 = arith.constant 1 : i32
    %parallel_loop3A_418 = arith.constant 8.192000e+02 : f32
    %parallel_loop3A_419 = arith.constant 7372.7998 : f32
    %parallel_loop3A_420 = arith.constant 0.000000e+00 : f32
    %parallel_loop3A_421 = arith.constant 8.192000e+03 : f32
    %parallel_loop3A_422 = arith.constant 8.704000e+03 : f32
    scf.for %parallel_loop3A_570 = %parallel_loop3A_415 to %parallel_loop3A_416 step %parallel_loop3A_417  : i32 {
      %parallel_loop3A_571 = arith.constant 5 : i32
      %parallel_loop3A_572 = arith.shrsi %parallel_loop3A_570, %parallel_loop3A_571 : i32
      %parallel_loop3A_573 = arith.constant 31 : i32
      %parallel_loop3A_574 = arith.andi %parallel_loop3A_570, %parallel_loop3A_573 : i32
      %parallel_loop3A_575 = arith.constant 16 : i32
      %parallel_loop3A_576 = arith.muli %parallel_loop3A_574, %parallel_loop3A_575 : i32
      %parallel_loop3A_577 = arith.constant 1 : i32
      %parallel_loop3A_578 = arith.index_cast %parallel_loop3A_577 : i32 to index
      %parallel_loop3A_579 = arith.index_cast %parallel_loop3A_572 : i32 to index
      %parallel_loop3A_580 = arith.index_cast %parallel_loop3A_576 : i32 to index
      %parallel_loop3A_581 = tpu.vector_load %arg6[%parallel_loop3A_578, %parallel_loop3A_579, %parallel_loop3A_580] {strides = array<i32>} : memref<3x32x512xf32, #tpu.memory_space<vmem>>, vector<16xf32>,
      %parallel_loop3A_582 = arith.constant 1 : i32
      %parallel_loop3A_583 = arith.index_cast %parallel_loop3A_582 : i32 to index
      %parallel_loop3A_584 = arith.index_cast %parallel_loop3A_572 : i32 to index
      %parallel_loop3A_585 = arith.index_cast %parallel_loop3A_576 : i32 to index
      %parallel_loop3A_586 = tpu.vector_load %arg7[%parallel_loop3A_583, %parallel_loop3A_584, %parallel_loop3A_585] {strides = array<i32>} : memref<3x32x512xi32, #tpu.memory_space<vmem>>, vector<16xi32>,
      %parallel_loop3A_587 = arith.constant 0 : i32
      %parallel_loop3A_588 = vector.broadcast %parallel_loop3A_587 : i32 to vector<16xi32>
      %parallel_loop3A_589 = arith.cmpi sgt, %parallel_loop3A_586, %parallel_loop3A_588 : vector<16xi32>
      %parallel_loop3A_590 = vector.broadcast %parallel_loop3A_418 : f32 to vector<16xf32>
      %parallel_loop3A_591 = arith.mulf %parallel_loop3A_581, %parallel_loop3A_590 : vector<16xf32>
      %parallel_loop3A_592 = vector.broadcast %parallel_loop3A_419 : f32 to vector<16xf32>
      %parallel_loop3A_593 = arith.addf %parallel_loop3A_592, %parallel_loop3A_591 : vector<16xf32>
      %parallel_loop3A_594 = vector.broadcast %parallel_loop3A_419 : f32 to vector<16xf32>
      %parallel_loop3A_595 = arith.subf %parallel_loop3A_594, %parallel_loop3A_591 : vector<16xf32>
      %parallel_loop3A_596 = arith.select %parallel_loop3A_589, %parallel_loop3A_593, %parallel_loop3A_595 : vector<16xi1>, vector<16xf32>
      %parallel_loop3A_597 = vector.broadcast %parallel_loop3A_420 : f32 to vector<16xf32>
      %parallel_loop3A_598 = arith.maximumf %parallel_loop3A_596, %parallel_loop3A_597 : vector<16xf32>
      %parallel_loop3A_599 = vector.broadcast %parallel_loop3A_421 : f32 to vector<16xf32>
      %parallel_loop3A_600 = arith.minimumf %parallel_loop3A_598, %parallel_loop3A_599 : vector<16xf32>
      %parallel_loop3A_601 = vector.broadcast %parallel_loop3A_422 : f32 to vector<16xf32>
      %parallel_loop3A_602 = vector.broadcast %parallel_loop3A_420 : f32 to vector<16xf32>
      %parallel_loop3A_603 = arith.select %parallel_loop3A_589, %parallel_loop3A_601, %parallel_loop3A_602 : vector<16xi1>, vector<16xf32>
      %parallel_loop3A_604 = arith.addf %parallel_loop3A_600, %parallel_loop3A_603 : vector<16xf32>
      %parallel_loop3A_605 = arith.fptosi %parallel_loop3A_604 : vector<16xf32> to vector<16xi32>
      tpu.vector_store_idx %arg5[%parallel_loop3A_605], %broadcast_in_dim3A_5 {add = true} : memref<17408xf32, #tpu.memory_space<vmem>>[vector<16xi32>], vector<16xf32>,
    } {sc.loop_unroll_factor = 8 : i64, sc.parallel_access}
    %add3A_423 = arith.constant 224 : i32
    %add3A_424 = arith.addi %mul3A_0, %add3A_423 : i32
    %multiple_of3A_425 = tpu.assume_multiple %add3A_424, 32 : i32
    %dma_start3A_426 = arith.constant 1 : i32
    %dma_start3A_427 = arith.constant 0 : i32
    %dma_start3A_428 = arith.constant 0 : i32
    %dma_start3A_429 = tpu.memref_slice %arg6[%dma_start3A_426, %dma_start3A_427, %dma_start3A_428] : memref<3x32x512xf32, #tpu.memory_space<vmem>> -> memref<1x32x512xf32, #tpu.memory_space<vmem>>
    %dma_start3A_430 = tpu.memref_squeeze %dma_start3A_429 : memref<1x32x512xf32, #tpu.memory_space<vmem>> -> memref<32x512xf32, #tpu.memory_space<vmem>>
    %dma_start3A_431 = arith.constant 0 : i32
    %dma_start3A_432 = tpu.memref_slice %arg2[%arg1, %multiple_of3A_425, %dma_start3A_431] : memref<16x512x512xf32, #tpu.memory_space<hbm>> -> memref<1x32x512xf32, #tpu.memory_space<hbm>>
    %dma_start3A_433 = tpu.memref_squeeze %dma_start3A_432 : memref<1x32x512xf32, #tpu.memory_space<hbm>> -> memref<32x512xf32, #tpu.memory_space<hbm>>
    %dma_start3A_434 = arith.constant 0 : i32
    %dma_start3A_435 = arith.constant 0 : i32
    %dma_start3A_436 = tpu.memref_slice %arg6[%dma_start3A_426, %dma_start3A_434, %dma_start3A_435] : memref<3x32x512xf32, #tpu.memory_space<vmem>> -> memref<1x32x512xf32, #tpu.memory_space<vmem>>
    %dma_start3A_437 = tpu.memref_squeeze %dma_start3A_436 : memref<1x32x512xf32, #tpu.memory_space<vmem>> -> memref<32x512xf32, #tpu.memory_space<vmem>>
    %dma_start3A_438 = arith.constant 0 : i32
    %dma_start3A_439 = tpu.memref_slice %arg2[%arg1, %multiple_of3A_425, %dma_start3A_438] : memref<16x512x512xf32, #tpu.memory_space<hbm>> -> memref<1x32x512xf32, #tpu.memory_space<hbm>>
    %dma_start3A_440 = tpu.memref_squeeze %dma_start3A_439 : memref<1x32x512xf32, #tpu.memory_space<hbm>> -> memref<32x512xf32, #tpu.memory_space<hbm>>
    tpu.enqueue_dma source(%dma_start3A_440 : memref<32x512xf32, #tpu.memory_space<hbm>>) target(%dma_start3A_437 : memref<32x512xf32, #tpu.memory_space<vmem>>) target_semaphore(%arg9 : memref<!tpu.dma_semaphore, #tpu.memory_space<semaphore_mem>>)
    %dma_start3A_441 = arith.constant 1 : i32
    %dma_start3A_442 = arith.constant 0 : i32
    %dma_start3A_443 = arith.constant 0 : i32
    %dma_start3A_444 = tpu.memref_slice %arg7[%dma_start3A_441, %dma_start3A_442, %dma_start3A_443] : memref<3x32x512xi32, #tpu.memory_space<vmem>> -> memref<1x32x512xi32, #tpu.memory_space<vmem>>
    %dma_start3A_445 = tpu.memref_squeeze %dma_start3A_444 : memref<1x32x512xi32, #tpu.memory_space<vmem>> -> memref<32x512xi32, #tpu.memory_space<vmem>>
    %dma_start3A_446 = arith.constant 0 : i32
    %dma_start3A_447 = tpu.memref_slice %arg3[%arg1, %multiple_of3A_425, %dma_start3A_446] : memref<16x512x512xi32, #tpu.memory_space<hbm>> -> memref<1x32x512xi32, #tpu.memory_space<hbm>>
    %dma_start3A_448 = tpu.memref_squeeze %dma_start3A_447 : memref<1x32x512xi32, #tpu.memory_space<hbm>> -> memref<32x512xi32, #tpu.memory_space<hbm>>
    %dma_start3A_449 = arith.constant 0 : i32
    %dma_start3A_450 = arith.constant 0 : i32
    %dma_start3A_451 = tpu.memref_slice %arg7[%dma_start3A_441, %dma_start3A_449, %dma_start3A_450] : memref<3x32x512xi32, #tpu.memory_space<vmem>> -> memref<1x32x512xi32, #tpu.memory_space<vmem>>
    %dma_start3A_452 = tpu.memref_squeeze %dma_start3A_451 : memref<1x32x512xi32, #tpu.memory_space<vmem>> -> memref<32x512xi32, #tpu.memory_space<vmem>>
    %dma_start3A_453 = arith.constant 0 : i32
    %dma_start3A_454 = tpu.memref_slice %arg3[%arg1, %multiple_of3A_425, %dma_start3A_453] : memref<16x512x512xi32, #tpu.memory_space<hbm>> -> memref<1x32x512xi32, #tpu.memory_space<hbm>>
    %dma_start3A_455 = tpu.memref_squeeze %dma_start3A_454 : memref<1x32x512xi32, #tpu.memory_space<hbm>> -> memref<32x512xi32, #tpu.memory_space<hbm>>
    tpu.enqueue_dma source(%dma_start3A_455 : memref<32x512xi32, #tpu.memory_space<hbm>>) target(%dma_start3A_452 : memref<32x512xi32, #tpu.memory_space<vmem>>) target_semaphore(%arg12 : memref<!tpu.dma_semaphore, #tpu.memory_space<semaphore_mem>>)
    %dma_wait3A_456 = arith.constant 2 : i32
    %dma_wait3A_457 = arith.constant 0 : i32
    %dma_wait3A_458 = arith.constant 0 : i32
    %dma_wait3A_459 = tpu.memref_slice %arg6[%dma_wait3A_456, %dma_wait3A_457, %dma_wait3A_458] : memref<3x32x512xf32, #tpu.memory_space<vmem>> -> memref<1x32x512xf32, #tpu.memory_space<vmem>>
    %dma_wait3A_460 = tpu.memref_squeeze %dma_wait3A_459 : memref<1x32x512xf32, #tpu.memory_space<vmem>> -> memref<32x512xf32, #tpu.memory_space<vmem>>
    %dma_wait3A_461 = arith.constant 0 : i32
    %dma_wait3A_462 = tpu.memref_slice %arg2[%arg1, %multiple_of3A_283, %dma_wait3A_461] : memref<16x512x512xf32, #tpu.memory_space<hbm>> -> memref<1x32x512xf32, #tpu.memory_space<hbm>>
    %dma_wait3A_463 = tpu.memref_squeeze %dma_wait3A_462 : memref<1x32x512xf32, #tpu.memory_space<hbm>> -> memref<32x512xf32, #tpu.memory_space<hbm>>
    %dma_wait3A_464 = arith.constant 0 : i32
    %dma_wait3A_465 = arith.constant 0 : i32
    %dma_wait3A_466 = tpu.memref_slice %arg6[%dma_wait3A_456, %dma_wait3A_464, %dma_wait3A_465] : memref<3x32x512xf32, #tpu.memory_space<vmem>> -> memref<1x32x512xf32, #tpu.memory_space<vmem>>
    %dma_wait3A_467 = tpu.memref_squeeze %dma_wait3A_466 : memref<1x32x512xf32, #tpu.memory_space<vmem>> -> memref<32x512xf32, #tpu.memory_space<vmem>>
    %dma_wait3A_468 = arith.constant 0 : i32
    %dma_wait3A_469 = tpu.memref_slice %arg2[%arg1, %multiple_of3A_283, %dma_wait3A_468] : memref<16x512x512xf32, #tpu.memory_space<hbm>> -> memref<1x32x512xf32, #tpu.memory_space<hbm>>
    %dma_wait3A_470 = tpu.memref_squeeze %dma_wait3A_469 : memref<1x32x512xf32, #tpu.memory_space<hbm>> -> memref<32x512xf32, #tpu.memory_space<hbm>>
    tpu.wait_dma2 semaphore(%arg10 : memref<!tpu.dma_semaphore, #tpu.memory_space<semaphore_mem>>) src(%dma_wait3A_470 : memref<32x512xf32, #tpu.memory_space<hbm>>) dst(%dma_wait3A_467 : memref<32x512xf32, #tpu.memory_space<vmem>>)
    %dma_wait3A_471 = arith.constant 2 : i32
    %dma_wait3A_472 = arith.constant 0 : i32
    %dma_wait3A_473 = arith.constant 0 : i32
    %dma_wait3A_474 = tpu.memref_slice %arg7[%dma_wait3A_471, %dma_wait3A_472, %dma_wait3A_473] : memref<3x32x512xi32, #tpu.memory_space<vmem>> -> memref<1x32x512xi32, #tpu.memory_space<vmem>>
    %dma_wait3A_475 = tpu.memref_squeeze %dma_wait3A_474 : memref<1x32x512xi32, #tpu.memory_space<vmem>> -> memref<32x512xi32, #tpu.memory_space<vmem>>
    %dma_wait3A_476 = arith.constant 0 : i32
    %dma_wait3A_477 = tpu.memref_slice %arg3[%arg1, %multiple_of3A_283, %dma_wait3A_476] : memref<16x512x512xi32, #tpu.memory_space<hbm>> -> memref<1x32x512xi32, #tpu.memory_space<hbm>>
    %dma_wait3A_478 = tpu.memref_squeeze %dma_wait3A_477 : memref<1x32x512xi32, #tpu.memory_space<hbm>> -> memref<32x512xi32, #tpu.memory_space<hbm>>
    %dma_wait3A_479 = arith.constant 0 : i32
    %dma_wait3A_480 = arith.constant 0 : i32
    %dma_wait3A_481 = tpu.memref_slice %arg7[%dma_wait3A_471, %dma_wait3A_479, %dma_wait3A_480] : memref<3x32x512xi32, #tpu.memory_space<vmem>> -> memref<1x32x512xi32, #tpu.memory_space<vmem>>
    %dma_wait3A_482 = tpu.memref_squeeze %dma_wait3A_481 : memref<1x32x512xi32, #tpu.memory_space<vmem>> -> memref<32x512xi32, #tpu.memory_space<vmem>>
    %dma_wait3A_483 = arith.constant 0 : i32
    %dma_wait3A_484 = tpu.memref_slice %arg3[%arg1, %multiple_of3A_283, %dma_wait3A_483] : memref<16x512x512xi32, #tpu.memory_space<hbm>> -> memref<1x32x512xi32, #tpu.memory_space<hbm>>
    %dma_wait3A_485 = tpu.memref_squeeze %dma_wait3A_484 : memref<1x32x512xi32, #tpu.memory_space<hbm>> -> memref<32x512xi32, #tpu.memory_space<hbm>>
    tpu.wait_dma2 semaphore(%arg13 : memref<!tpu.dma_semaphore, #tpu.memory_space<semaphore_mem>>) src(%dma_wait3A_485 : memref<32x512xi32, #tpu.memory_space<hbm>>) dst(%dma_wait3A_482 : memref<32x512xi32, #tpu.memory_space<vmem>>)
    %parallel_loop3A_486 = arith.constant 0 : i32
    %parallel_loop3A_487 = arith.constant 1024 : i32
    %parallel_loop3A_488 = arith.constant 1 : i32
    %parallel_loop3A_489 = arith.constant 8.192000e+02 : f32
    %parallel_loop3A_490 = arith.constant 7372.7998 : f32
    %parallel_loop3A_491 = arith.constant 0.000000e+00 : f32
    %parallel_loop3A_492 = arith.constant 8.192000e+03 : f32
    %parallel_loop3A_493 = arith.constant 8.704000e+03 : f32
    scf.for %parallel_loop3A_570 = %parallel_loop3A_486 to %parallel_loop3A_487 step %parallel_loop3A_488  : i32 {
      %parallel_loop3A_571 = arith.constant 5 : i32
      %parallel_loop3A_572 = arith.shrsi %parallel_loop3A_570, %parallel_loop3A_571 : i32
      %parallel_loop3A_573 = arith.constant 31 : i32
      %parallel_loop3A_574 = arith.andi %parallel_loop3A_570, %parallel_loop3A_573 : i32
      %parallel_loop3A_575 = arith.constant 16 : i32
      %parallel_loop3A_576 = arith.muli %parallel_loop3A_574, %parallel_loop3A_575 : i32
      %parallel_loop3A_577 = arith.constant 2 : i32
      %parallel_loop3A_578 = arith.index_cast %parallel_loop3A_577 : i32 to index
      %parallel_loop3A_579 = arith.index_cast %parallel_loop3A_572 : i32 to index
      %parallel_loop3A_580 = arith.index_cast %parallel_loop3A_576 : i32 to index
      %parallel_loop3A_581 = tpu.vector_load %arg6[%parallel_loop3A_578, %parallel_loop3A_579, %parallel_loop3A_580] {strides = array<i32>} : memref<3x32x512xf32, #tpu.memory_space<vmem>>, vector<16xf32>,
      %parallel_loop3A_582 = arith.constant 2 : i32
      %parallel_loop3A_583 = arith.index_cast %parallel_loop3A_582 : i32 to index
      %parallel_loop3A_584 = arith.index_cast %parallel_loop3A_572 : i32 to index
      %parallel_loop3A_585 = arith.index_cast %parallel_loop3A_576 : i32 to index
      %parallel_loop3A_586 = tpu.vector_load %arg7[%parallel_loop3A_583, %parallel_loop3A_584, %parallel_loop3A_585] {strides = array<i32>} : memref<3x32x512xi32, #tpu.memory_space<vmem>>, vector<16xi32>,
      %parallel_loop3A_587 = arith.constant 0 : i32
      %parallel_loop3A_588 = vector.broadcast %parallel_loop3A_587 : i32 to vector<16xi32>
      %parallel_loop3A_589 = arith.cmpi sgt, %parallel_loop3A_586, %parallel_loop3A_588 : vector<16xi32>
      %parallel_loop3A_590 = vector.broadcast %parallel_loop3A_489 : f32 to vector<16xf32>
      %parallel_loop3A_591 = arith.mulf %parallel_loop3A_581, %parallel_loop3A_590 : vector<16xf32>
      %parallel_loop3A_592 = vector.broadcast %parallel_loop3A_490 : f32 to vector<16xf32>
      %parallel_loop3A_593 = arith.addf %parallel_loop3A_592, %parallel_loop3A_591 : vector<16xf32>
      %parallel_loop3A_594 = vector.broadcast %parallel_loop3A_490 : f32 to vector<16xf32>
      %parallel_loop3A_595 = arith.subf %parallel_loop3A_594, %parallel_loop3A_591 : vector<16xf32>
      %parallel_loop3A_596 = arith.select %parallel_loop3A_589, %parallel_loop3A_593, %parallel_loop3A_595 : vector<16xi1>, vector<16xf32>
      %parallel_loop3A_597 = vector.broadcast %parallel_loop3A_491 : f32 to vector<16xf32>
      %parallel_loop3A_598 = arith.maximumf %parallel_loop3A_596, %parallel_loop3A_597 : vector<16xf32>
      %parallel_loop3A_599 = vector.broadcast %parallel_loop3A_492 : f32 to vector<16xf32>
      %parallel_loop3A_600 = arith.minimumf %parallel_loop3A_598, %parallel_loop3A_599 : vector<16xf32>
      %parallel_loop3A_601 = vector.broadcast %parallel_loop3A_493 : f32 to vector<16xf32>
      %parallel_loop3A_602 = vector.broadcast %parallel_loop3A_491 : f32 to vector<16xf32>
      %parallel_loop3A_603 = arith.select %parallel_loop3A_589, %parallel_loop3A_601, %parallel_loop3A_602 : vector<16xi1>, vector<16xf32>
      %parallel_loop3A_604 = arith.addf %parallel_loop3A_600, %parallel_loop3A_603 : vector<16xf32>
      %parallel_loop3A_605 = arith.fptosi %parallel_loop3A_604 : vector<16xf32> to vector<16xi32>
      tpu.vector_store_idx %arg5[%parallel_loop3A_605], %broadcast_in_dim3A_5 {add = true} : memref<17408xf32, #tpu.memory_space<vmem>>[vector<16xi32>], vector<16xf32>,
    } {sc.loop_unroll_factor = 8 : i64, sc.parallel_access}
    %dma_wait3A_494 = arith.constant 0 : i32
    %dma_wait3A_495 = arith.constant 0 : i32
    %dma_wait3A_496 = arith.constant 0 : i32
    %dma_wait3A_497 = tpu.memref_slice %arg6[%dma_wait3A_494, %dma_wait3A_495, %dma_wait3A_496] : memref<3x32x512xf32, #tpu.memory_space<vmem>> -> memref<1x32x512xf32, #tpu.memory_space<vmem>>
    %dma_wait3A_498 = tpu.memref_squeeze %dma_wait3A_497 : memref<1x32x512xf32, #tpu.memory_space<vmem>> -> memref<32x512xf32, #tpu.memory_space<vmem>>
    %dma_wait3A_499 = arith.constant 0 : i32
    %dma_wait3A_500 = tpu.memref_slice %arg2[%arg1, %multiple_of3A_354, %dma_wait3A_499] : memref<16x512x512xf32, #tpu.memory_space<hbm>> -> memref<1x32x512xf32, #tpu.memory_space<hbm>>
    %dma_wait3A_501 = tpu.memref_squeeze %dma_wait3A_500 : memref<1x32x512xf32, #tpu.memory_space<hbm>> -> memref<32x512xf32, #tpu.memory_space<hbm>>
    %dma_wait3A_502 = arith.constant 0 : i32
    %dma_wait3A_503 = arith.constant 0 : i32
    %dma_wait3A_504 = tpu.memref_slice %arg6[%dma_wait3A_494, %dma_wait3A_502, %dma_wait3A_503] : memref<3x32x512xf32, #tpu.memory_space<vmem>> -> memref<1x32x512xf32, #tpu.memory_space<vmem>>
    %dma_wait3A_505 = tpu.memref_squeeze %dma_wait3A_504 : memref<1x32x512xf32, #tpu.memory_space<vmem>> -> memref<32x512xf32, #tpu.memory_space<vmem>>
    %dma_wait3A_506 = arith.constant 0 : i32
    %dma_wait3A_507 = tpu.memref_slice %arg2[%arg1, %multiple_of3A_354, %dma_wait3A_506] : memref<16x512x512xf32, #tpu.memory_space<hbm>> -> memref<1x32x512xf32, #tpu.memory_space<hbm>>
    %dma_wait3A_508 = tpu.memref_squeeze %dma_wait3A_507 : memref<1x32x512xf32, #tpu.memory_space<hbm>> -> memref<32x512xf32, #tpu.memory_space<hbm>>
    tpu.wait_dma2 semaphore(%arg8 : memref<!tpu.dma_semaphore, #tpu.memory_space<semaphore_mem>>) src(%dma_wait3A_508 : memref<32x512xf32, #tpu.memory_space<hbm>>) dst(%dma_wait3A_505 : memref<32x512xf32, #tpu.memory_space<vmem>>)
    %dma_wait3A_509 = arith.constant 0 : i32
    %dma_wait3A_510 = arith.constant 0 : i32
    %dma_wait3A_511 = arith.constant 0 : i32
    %dma_wait3A_512 = tpu.memref_slice %arg7[%dma_wait3A_509, %dma_wait3A_510, %dma_wait3A_511] : memref<3x32x512xi32, #tpu.memory_space<vmem>> -> memref<1x32x512xi32, #tpu.memory_space<vmem>>
    %dma_wait3A_513 = tpu.memref_squeeze %dma_wait3A_512 : memref<1x32x512xi32, #tpu.memory_space<vmem>> -> memref<32x512xi32, #tpu.memory_space<vmem>>
    %dma_wait3A_514 = arith.constant 0 : i32
    %dma_wait3A_515 = tpu.memref_slice %arg3[%arg1, %multiple_of3A_354, %dma_wait3A_514] : memref<16x512x512xi32, #tpu.memory_space<hbm>> -> memref<1x32x512xi32, #tpu.memory_space<hbm>>
    %dma_wait3A_516 = tpu.memref_squeeze %dma_wait3A_515 : memref<1x32x512xi32, #tpu.memory_space<hbm>> -> memref<32x512xi32, #tpu.memory_space<hbm>>
    %dma_wait3A_517 = arith.constant 0 : i32
    %dma_wait3A_518 = arith.constant 0 : i32
    %dma_wait3A_519 = tpu.memref_slice %arg7[%dma_wait3A_509, %dma_wait3A_517, %dma_wait3A_518] : memref<3x32x512xi32, #tpu.memory_space<vmem>> -> memref<1x32x512xi32, #tpu.memory_space<vmem>>
    %dma_wait3A_520 = tpu.memref_squeeze %dma_wait3A_519 : memref<1x32x512xi32, #tpu.memory_space<vmem>> -> memref<32x512xi32, #tpu.memory_space<vmem>>
    %dma_wait3A_521 = arith.constant 0 : i32
    %dma_wait3A_522 = tpu.memref_slice %arg3[%arg1, %multiple_of3A_354, %dma_wait3A_521] : memref<16x512x512xi32, #tpu.memory_space<hbm>> -> memref<1x32x512xi32, #tpu.memory_space<hbm>>
    %dma_wait3A_523 = tpu.memref_squeeze %dma_wait3A_522 : memref<1x32x512xi32, #tpu.memory_space<hbm>> -> memref<32x512xi32, #tpu.memory_space<hbm>>
    tpu.wait_dma2 semaphore(%arg11 : memref<!tpu.dma_semaphore, #tpu.memory_space<semaphore_mem>>) src(%dma_wait3A_523 : memref<32x512xi32, #tpu.memory_space<hbm>>) dst(%dma_wait3A_520 : memref<32x512xi32, #tpu.memory_space<vmem>>)
    %parallel_loop3A_524 = arith.constant 0 : i32
    %parallel_loop3A_525 = arith.constant 1024 : i32
    %parallel_loop3A_526 = arith.constant 1 : i32
    %parallel_loop3A_527 = arith.constant 8.192000e+02 : f32
    %parallel_loop3A_528 = arith.constant 7372.7998 : f32
    %parallel_loop3A_529 = arith.constant 0.000000e+00 : f32
    %parallel_loop3A_530 = arith.constant 8.192000e+03 : f32
    %parallel_loop3A_531 = arith.constant 8.704000e+03 : f32
    scf.for %parallel_loop3A_570 = %parallel_loop3A_524 to %parallel_loop3A_525 step %parallel_loop3A_526  : i32 {
      %parallel_loop3A_571 = arith.constant 5 : i32
      %parallel_loop3A_572 = arith.shrsi %parallel_loop3A_570, %parallel_loop3A_571 : i32
      %parallel_loop3A_573 = arith.constant 31 : i32
      %parallel_loop3A_574 = arith.andi %parallel_loop3A_570, %parallel_loop3A_573 : i32
      %parallel_loop3A_575 = arith.constant 16 : i32
      %parallel_loop3A_576 = arith.muli %parallel_loop3A_574, %parallel_loop3A_575 : i32
      %parallel_loop3A_577 = arith.constant 0 : i32
      %parallel_loop3A_578 = arith.index_cast %parallel_loop3A_577 : i32 to index
      %parallel_loop3A_579 = arith.index_cast %parallel_loop3A_572 : i32 to index
      %parallel_loop3A_580 = arith.index_cast %parallel_loop3A_576 : i32 to index
      %parallel_loop3A_581 = tpu.vector_load %arg6[%parallel_loop3A_578, %parallel_loop3A_579, %parallel_loop3A_580] {strides = array<i32>} : memref<3x32x512xf32, #tpu.memory_space<vmem>>, vector<16xf32>,
      %parallel_loop3A_582 = arith.constant 0 : i32
      %parallel_loop3A_583 = arith.index_cast %parallel_loop3A_582 : i32 to index
      %parallel_loop3A_584 = arith.index_cast %parallel_loop3A_572 : i32 to index
      %parallel_loop3A_585 = arith.index_cast %parallel_loop3A_576 : i32 to index
      %parallel_loop3A_586 = tpu.vector_load %arg7[%parallel_loop3A_583, %parallel_loop3A_584, %parallel_loop3A_585] {strides = array<i32>} : memref<3x32x512xi32, #tpu.memory_space<vmem>>, vector<16xi32>,
      %parallel_loop3A_587 = arith.constant 0 : i32
      %parallel_loop3A_588 = vector.broadcast %parallel_loop3A_587 : i32 to vector<16xi32>
      %parallel_loop3A_589 = arith.cmpi sgt, %parallel_loop3A_586, %parallel_loop3A_588 : vector<16xi32>
      %parallel_loop3A_590 = vector.broadcast %parallel_loop3A_527 : f32 to vector<16xf32>
      %parallel_loop3A_591 = arith.mulf %parallel_loop3A_581, %parallel_loop3A_590 : vector<16xf32>
      %parallel_loop3A_592 = vector.broadcast %parallel_loop3A_528 : f32 to vector<16xf32>
      %parallel_loop3A_593 = arith.addf %parallel_loop3A_592, %parallel_loop3A_591 : vector<16xf32>
      %parallel_loop3A_594 = vector.broadcast %parallel_loop3A_528 : f32 to vector<16xf32>
      %parallel_loop3A_595 = arith.subf %parallel_loop3A_594, %parallel_loop3A_591 : vector<16xf32>
      %parallel_loop3A_596 = arith.select %parallel_loop3A_589, %parallel_loop3A_593, %parallel_loop3A_595 : vector<16xi1>, vector<16xf32>
      %parallel_loop3A_597 = vector.broadcast %parallel_loop3A_529 : f32 to vector<16xf32>
      %parallel_loop3A_598 = arith.maximumf %parallel_loop3A_596, %parallel_loop3A_597 : vector<16xf32>
      %parallel_loop3A_599 = vector.broadcast %parallel_loop3A_530 : f32 to vector<16xf32>
      %parallel_loop3A_600 = arith.minimumf %parallel_loop3A_598, %parallel_loop3A_599 : vector<16xf32>
      %parallel_loop3A_601 = vector.broadcast %parallel_loop3A_531 : f32 to vector<16xf32>
      %parallel_loop3A_602 = vector.broadcast %parallel_loop3A_529 : f32 to vector<16xf32>
      %parallel_loop3A_603 = arith.select %parallel_loop3A_589, %parallel_loop3A_601, %parallel_loop3A_602 : vector<16xi1>, vector<16xf32>
      %parallel_loop3A_604 = arith.addf %parallel_loop3A_600, %parallel_loop3A_603 : vector<16xf32>
      %parallel_loop3A_605 = arith.fptosi %parallel_loop3A_604 : vector<16xf32> to vector<16xi32>
      tpu.vector_store_idx %arg5[%parallel_loop3A_605], %broadcast_in_dim3A_5 {add = true} : memref<17408xf32, #tpu.memory_space<vmem>>[vector<16xi32>], vector<16xf32>,
    } {sc.loop_unroll_factor = 8 : i64, sc.parallel_access}
    %dma_wait3A_532 = arith.constant 1 : i32
    %dma_wait3A_533 = arith.constant 0 : i32
    %dma_wait3A_534 = arith.constant 0 : i32
    %dma_wait3A_535 = tpu.memref_slice %arg6[%dma_wait3A_532, %dma_wait3A_533, %dma_wait3A_534] : memref<3x32x512xf32, #tpu.memory_space<vmem>> -> memref<1x32x512xf32, #tpu.memory_space<vmem>>
    %dma_wait3A_536 = tpu.memref_squeeze %dma_wait3A_535 : memref<1x32x512xf32, #tpu.memory_space<vmem>> -> memref<32x512xf32, #tpu.memory_space<vmem>>
    %dma_wait3A_537 = arith.constant 0 : i32
    %dma_wait3A_538 = tpu.memref_slice %arg2[%arg1, %multiple_of3A_425, %dma_wait3A_537] : memref<16x512x512xf32, #tpu.memory_space<hbm>> -> memref<1x32x512xf32, #tpu.memory_space<hbm>>
    %dma_wait3A_539 = tpu.memref_squeeze %dma_wait3A_538 : memref<1x32x512xf32, #tpu.memory_space<hbm>> -> memref<32x512xf32, #tpu.memory_space<hbm>>
    %dma_wait3A_540 = arith.constant 0 : i32
    %dma_wait3A_541 = arith.constant 0 : i32
    %dma_wait3A_542 = tpu.memref_slice %arg6[%dma_wait3A_532, %dma_wait3A_540, %dma_wait3A_541] : memref<3x32x512xf32, #tpu.memory_space<vmem>> -> memref<1x32x512xf32, #tpu.memory_space<vmem>>
    %dma_wait3A_543 = tpu.memref_squeeze %dma_wait3A_542 : memref<1x32x512xf32, #tpu.memory_space<vmem>> -> memref<32x512xf32, #tpu.memory_space<vmem>>
    %dma_wait3A_544 = arith.constant 0 : i32
    %dma_wait3A_545 = tpu.memref_slice %arg2[%arg1, %multiple_of3A_425, %dma_wait3A_544] : memref<16x512x512xf32, #tpu.memory_space<hbm>> -> memref<1x32x512xf32, #tpu.memory_space<hbm>>
    %dma_wait3A_546 = tpu.memref_squeeze %dma_wait3A_545 : memref<1x32x512xf32, #tpu.memory_space<hbm>> -> memref<32x512xf32, #tpu.memory_space<hbm>>
    tpu.wait_dma2 semaphore(%arg9 : memref<!tpu.dma_semaphore, #tpu.memory_space<semaphore_mem>>) src(%dma_wait3A_546 : memref<32x512xf32, #tpu.memory_space<hbm>>) dst(%dma_wait3A_543 : memref<32x512xf32, #tpu.memory_space<vmem>>)
    %dma_wait3A_547 = arith.constant 1 : i32
    %dma_wait3A_548 = arith.constant 0 : i32
    %dma_wait3A_549 = arith.constant 0 : i32
    %dma_wait3A_550 = tpu.memref_slice %arg7[%dma_wait3A_547, %dma_wait3A_548, %dma_wait3A_549] : memref<3x32x512xi32, #tpu.memory_space<vmem>> -> memref<1x32x512xi32, #tpu.memory_space<vmem>>
    %dma_wait3A_551 = tpu.memref_squeeze %dma_wait3A_550 : memref<1x32x512xi32, #tpu.memory_space<vmem>> -> memref<32x512xi32, #tpu.memory_space<vmem>>
    %dma_wait3A_552 = arith.constant 0 : i32
    %dma_wait3A_553 = tpu.memref_slice %arg3[%arg1, %multiple_of3A_425, %dma_wait3A_552] : memref<16x512x512xi32, #tpu.memory_space<hbm>> -> memref<1x32x512xi32, #tpu.memory_space<hbm>>
    %dma_wait3A_554 = tpu.memref_squeeze %dma_wait3A_553 : memref<1x32x512xi32, #tpu.memory_space<hbm>> -> memref<32x512xi32, #tpu.memory_space<hbm>>
    %dma_wait3A_555 = arith.constant 0 : i32
    %dma_wait3A_556 = arith.constant 0 : i32
    %dma_wait3A_557 = tpu.memref_slice %arg7[%dma_wait3A_547, %dma_wait3A_555, %dma_wait3A_556] : memref<3x32x512xi32, #tpu.memory_space<vmem>> -> memref<1x32x512xi32, #tpu.memory_space<vmem>>
    %dma_wait3A_558 = tpu.memref_squeeze %dma_wait3A_557 : memref<1x32x512xi32, #tpu.memory_space<vmem>> -> memref<32x512xi32, #tpu.memory_space<vmem>>
    %dma_wait3A_559 = arith.constant 0 : i32
    %dma_wait3A_560 = tpu.memref_slice %arg3[%arg1, %multiple_of3A_425, %dma_wait3A_559] : memref<16x512x512xi32, #tpu.memory_space<hbm>> -> memref<1x32x512xi32, #tpu.memory_space<hbm>>
    %dma_wait3A_561 = tpu.memref_squeeze %dma_wait3A_560 : memref<1x32x512xi32, #tpu.memory_space<hbm>> -> memref<32x512xi32, #tpu.memory_space<hbm>>
    tpu.wait_dma2 semaphore(%arg12 : memref<!tpu.dma_semaphore, #tpu.memory_space<semaphore_mem>>) src(%dma_wait3A_561 : memref<32x512xi32, #tpu.memory_space<hbm>>) dst(%dma_wait3A_558 : memref<32x512xi32, #tpu.memory_space<vmem>>)
    %parallel_loop3A_562 = arith.constant 0 : i32
    %parallel_loop3A_563 = arith.constant 1024 : i32
    %parallel_loop3A_564 = arith.constant 1 : i32
    %parallel_loop3A_565 = arith.constant 8.192000e+02 : f32
    %parallel_loop3A_566 = arith.constant 7372.7998 : f32
    %parallel_loop3A_567 = arith.constant 0.000000e+00 : f32
    %parallel_loop3A_568 = arith.constant 8.192000e+03 : f32
    %parallel_loop3A_569 = arith.constant 8.704000e+03 : f32
    scf.for %parallel_loop3A_570 = %parallel_loop3A_562 to %parallel_loop3A_563 step %parallel_loop3A_564  : i32 {
      %parallel_loop3A_571 = arith.constant 5 : i32
      %parallel_loop3A_572 = arith.shrsi %parallel_loop3A_570, %parallel_loop3A_571 : i32
      %parallel_loop3A_573 = arith.constant 31 : i32
      %parallel_loop3A_574 = arith.andi %parallel_loop3A_570, %parallel_loop3A_573 : i32
      %parallel_loop3A_575 = arith.constant 16 : i32
      %parallel_loop3A_576 = arith.muli %parallel_loop3A_574, %parallel_loop3A_575 : i32
      %parallel_loop3A_577 = arith.constant 1 : i32
      %parallel_loop3A_578 = arith.index_cast %parallel_loop3A_577 : i32 to index
      %parallel_loop3A_579 = arith.index_cast %parallel_loop3A_572 : i32 to index
      %parallel_loop3A_580 = arith.index_cast %parallel_loop3A_576 : i32 to index
      %parallel_loop3A_581 = tpu.vector_load %arg6[%parallel_loop3A_578, %parallel_loop3A_579, %parallel_loop3A_580] {strides = array<i32>} : memref<3x32x512xf32, #tpu.memory_space<vmem>>, vector<16xf32>,
      %parallel_loop3A_582 = arith.constant 1 : i32
      %parallel_loop3A_583 = arith.index_cast %parallel_loop3A_582 : i32 to index
      %parallel_loop3A_584 = arith.index_cast %parallel_loop3A_572 : i32 to index
      %parallel_loop3A_585 = arith.index_cast %parallel_loop3A_576 : i32 to index
      %parallel_loop3A_586 = tpu.vector_load %arg7[%parallel_loop3A_583, %parallel_loop3A_584, %parallel_loop3A_585] {strides = array<i32>} : memref<3x32x512xi32, #tpu.memory_space<vmem>>, vector<16xi32>,
      %parallel_loop3A_587 = arith.constant 0 : i32
      %parallel_loop3A_588 = vector.broadcast %parallel_loop3A_587 : i32 to vector<16xi32>
      %parallel_loop3A_589 = arith.cmpi sgt, %parallel_loop3A_586, %parallel_loop3A_588 : vector<16xi32>
      %parallel_loop3A_590 = vector.broadcast %parallel_loop3A_565 : f32 to vector<16xf32>
      %parallel_loop3A_591 = arith.mulf %parallel_loop3A_581, %parallel_loop3A_590 : vector<16xf32>
      %parallel_loop3A_592 = vector.broadcast %parallel_loop3A_566 : f32 to vector<16xf32>
      %parallel_loop3A_593 = arith.addf %parallel_loop3A_592, %parallel_loop3A_591 : vector<16xf32>
      %parallel_loop3A_594 = vector.broadcast %parallel_loop3A_566 : f32 to vector<16xf32>
      %parallel_loop3A_595 = arith.subf %parallel_loop3A_594, %parallel_loop3A_591 : vector<16xf32>
      %parallel_loop3A_596 = arith.select %parallel_loop3A_589, %parallel_loop3A_593, %parallel_loop3A_595 : vector<16xi1>, vector<16xf32>
      %parallel_loop3A_597 = vector.broadcast %parallel_loop3A_567 : f32 to vector<16xf32>
      %parallel_loop3A_598 = arith.maximumf %parallel_loop3A_596, %parallel_loop3A_597 : vector<16xf32>
      %parallel_loop3A_599 = vector.broadcast %parallel_loop3A_568 : f32 to vector<16xf32>
      %parallel_loop3A_600 = arith.minimumf %parallel_loop3A_598, %parallel_loop3A_599 : vector<16xf32>
      %parallel_loop3A_601 = vector.broadcast %parallel_loop3A_569 : f32 to vector<16xf32>
      %parallel_loop3A_602 = vector.broadcast %parallel_loop3A_567 : f32 to vector<16xf32>
      %parallel_loop3A_603 = arith.select %parallel_loop3A_589, %parallel_loop3A_601, %parallel_loop3A_602 : vector<16xi1>, vector<16xf32>
      %parallel_loop3A_604 = arith.addf %parallel_loop3A_600, %parallel_loop3A_603 : vector<16xf32>
      %parallel_loop3A_605 = arith.fptosi %parallel_loop3A_604 : vector<16xf32> to vector<16xi32>
      tpu.vector_store_idx %arg5[%parallel_loop3A_605], %broadcast_in_dim3A_5 {add = true} : memref<17408xf32, #tpu.memory_space<vmem>>[vector<16xi32>], vector<16xf32>,
    } {sc.loop_unroll_factor = 8 : i64, sc.parallel_access}
    "tpu.region"() ({
      %run_scoped3A = tpu.sem_alloc : memref<!tpu.dma_semaphore, #tpu.memory_space<semaphore_mem>>
      %dma_start3A_570 = arith.constant 0 : i32
      %dma_start3A_571 = tpu.memref_slice %arg4[%arg0, %arg1, %dma_start3A_570] : memref<2x16x17408xf32, #tpu.memory_space<hbm>> -> memref<1x1x17408xf32, #tpu.memory_space<hbm>>
      %dma_start3A_572 = tpu.memref_squeeze %dma_start3A_571 : memref<1x1x17408xf32, #tpu.memory_space<hbm>> -> memref<17408xf32, #tpu.memory_space<hbm>>
      %dma_start3A_573 = arith.constant 0 : i32
      %dma_start3A_574 = tpu.memref_slice %arg4[%arg0, %arg1, %dma_start3A_573] : memref<2x16x17408xf32, #tpu.memory_space<hbm>> -> memref<1x1x17408xf32, #tpu.memory_space<hbm>>
      %dma_start3A_575 = tpu.memref_squeeze %dma_start3A_574 : memref<1x1x17408xf32, #tpu.memory_space<hbm>> -> memref<17408xf32, #tpu.memory_space<hbm>>
      tpu.enqueue_dma source(%arg5 : memref<17408xf32, #tpu.memory_space<vmem>>) target(%dma_start3A_575 : memref<17408xf32, #tpu.memory_space<hbm>>) target_semaphore(%run_scoped3A : memref<!tpu.dma_semaphore, #tpu.memory_space<semaphore_mem>>)
      %dma_wait3A_576 = arith.constant 0 : i32
      %dma_wait3A_577 = tpu.memref_slice %arg4[%arg0, %arg1, %dma_wait3A_576] : memref<2x16x17408xf32, #tpu.memory_space<hbm>> -> memref<1x1x17408xf32, #tpu.memory_space<hbm>>
      %dma_wait3A_578 = tpu.memref_squeeze %dma_wait3A_577 : memref<1x1x17408xf32, #tpu.memory_space<hbm>> -> memref<17408xf32, #tpu.memory_space<hbm>>
      %dma_wait3A_579 = arith.constant 0 : i32
      %dma_wait3A_580 = tpu.memref_slice %arg4[%arg0, %arg1, %dma_wait3A_579] : memref<2x16x17408xf32, #tpu.memory_space<hbm>> -> memref<1x1x17408xf32, #tpu.memory_space<hbm>>
      %dma_wait3A_581 = tpu.memref_squeeze %dma_wait3A_580 : memref<1x1x17408xf32, #tpu.memory_space<hbm>> -> memref<17408xf32, #tpu.memory_space<hbm>>
      tpu.wait_dma2 semaphore(%run_scoped3A : memref<!tpu.dma_semaphore, #tpu.memory_space<semaphore_mem>>) src(%arg5 : memref<17408xf32, #tpu.memory_space<vmem>>) dst(%dma_wait3A_581 : memref<17408xf32, #tpu.memory_space<hbm>>)
      tpu.yield
    }) : () -> ()
    return
  }
}

module attributes {stable_mosaic.version = 14 : i64} {
  func.func @_epi_body(%arg0: memref<2x16x17408xf32, #tpu.memory_space<vmem>>, %arg1: memref<1x1xf32, #tpu.memory_space<vmem>>) attributes {dimension_semantics = [], scalar_prefetch = 0 : i64, scratch_operands = 0 : i64, tpu.core_type = #tpu.core_type<tc>} {
    %get3A = arith.constant 0 : index
    %get3A_0 = arith.constant 0 : index
    %get3A_1 = arith.constant 0 : index
    %get3A_2 = vector.load %arg0[%get3A, %get3A_0, %get3A_1] : memref<2x16x17408xf32, #tpu.memory_space<vmem>>, vector<1x16x17408xf32>
    %get3A_3 = vector.shape_cast %get3A_2 : vector<1x16x17408xf32> to vector<16x17408xf32>
    %get3A_4 = arith.constant 1 : index
    %get3A_5 = arith.constant 0 : index
    %get3A_6 = arith.constant 0 : index
    %get3A_7 = vector.load %arg0[%get3A_4, %get3A_5, %get3A_6] : memref<2x16x17408xf32, #tpu.memory_space<vmem>>, vector<1x16x17408xf32>
    %get3A_8 = vector.shape_cast %get3A_7 : vector<1x16x17408xf32> to vector<16x17408xf32>
    %add3A = arith.addf %get3A_3, %get3A_8 : vector<16x17408xf32>
    %slice3A = vector.extract_strided_slice %add3A {offsets = [0, 0], sizes = [16, 8192], strides = [1, 1]} : vector<16x17408xf32> to vector<16x8192xf32>
    %slice3A_9 = vector.extract_strided_slice %add3A {offsets = [0, 8704], sizes = [16, 8192], strides = [1, 1]} : vector<16x17408xf32> to vector<16x8192xf32>
    %reduce_sum3A = arith.constant dense<0.000000e+00> : vector<16xf32>
    %reduce_sum3A_10 = vector.multi_reduction <add>, %slice3A_9, %reduce_sum3A [1] : vector<16x8192xf32> to vector<16xf32>
    %broadcast_in_dim3A = vector.shape_cast %reduce_sum3A_10 : vector<16xf32> to vector<16x1xf32>
    %slice3A_11 = vector.extract_strided_slice %add3A {offsets = [0, 16896], sizes = [16, 1], strides = [1, 1]} : vector<16x17408xf32> to vector<16x1xf32>
    %add3A_12 = arith.addf %broadcast_in_dim3A, %slice3A_11 : vector<16x1xf32>
    %broadcast_in_dim3A_13 = arith.constant 0.000000e+00 : f32
    %broadcast_in_dim3A_14 = vector.broadcast %broadcast_in_dim3A_13 : f32 to vector<16x1xf32>
    %slice3A_15 = vector.extract_strided_slice %slice3A_9 {offsets = [0, 0], sizes = [16, 8191], strides = [1, 1]} : vector<16x8192xf32> to vector<16x8191xf32>
    %concatenate3A = tpu.concatenate %broadcast_in_dim3A_14, %slice3A_15 in 1 : vector<16x1xf32>, vector<16x8191xf32> -> vector<16x8192xf32>
    %add3A_16 = arith.addf %slice3A_9, %concatenate3A : vector<16x8192xf32>
    %broadcast_in_dim3A_17 = arith.constant 0.000000e+00 : f32
    %broadcast_in_dim3A_18 = vector.broadcast %broadcast_in_dim3A_17 : f32 to vector<16x2xf32>
    %slice3A_19 = vector.extract_strided_slice %add3A_16 {offsets = [0, 0], sizes = [16, 8190], strides = [1, 1]} : vector<16x8192xf32> to vector<16x8190xf32>
    %concatenate3A_20 = tpu.concatenate %broadcast_in_dim3A_18, %slice3A_19 in 1 : vector<16x2xf32>, vector<16x8190xf32> -> vector<16x8192xf32>
    %add3A_21 = arith.addf %add3A_16, %concatenate3A_20 : vector<16x8192xf32>
    %broadcast_in_dim3A_22 = arith.constant 0.000000e+00 : f32
    %broadcast_in_dim3A_23 = vector.broadcast %broadcast_in_dim3A_22 : f32 to vector<16x4xf32>
    %slice3A_24 = vector.extract_strided_slice %add3A_21 {offsets = [0, 0], sizes = [16, 8188], strides = [1, 1]} : vector<16x8192xf32> to vector<16x8188xf32>
    %concatenate3A_25 = tpu.concatenate %broadcast_in_dim3A_23, %slice3A_24 in 1 : vector<16x4xf32>, vector<16x8188xf32> -> vector<16x8192xf32>
    %add3A_26 = arith.addf %add3A_21, %concatenate3A_25 : vector<16x8192xf32>
    %broadcast_in_dim3A_27 = arith.constant 0.000000e+00 : f32
    %broadcast_in_dim3A_28 = vector.broadcast %broadcast_in_dim3A_27 : f32 to vector<16x8xf32>
    %slice3A_29 = vector.extract_strided_slice %add3A_26 {offsets = [0, 0], sizes = [16, 8184], strides = [1, 1]} : vector<16x8192xf32> to vector<16x8184xf32>
    %concatenate3A_30 = tpu.concatenate %broadcast_in_dim3A_28, %slice3A_29 in 1 : vector<16x8xf32>, vector<16x8184xf32> -> vector<16x8192xf32>
    %add3A_31 = arith.addf %add3A_26, %concatenate3A_30 : vector<16x8192xf32>
    %broadcast_in_dim3A_32 = arith.constant 0.000000e+00 : f32
    %broadcast_in_dim3A_33 = vector.broadcast %broadcast_in_dim3A_32 : f32 to vector<16x16xf32>
    %slice3A_34 = vector.extract_strided_slice %add3A_31 {offsets = [0, 0], sizes = [16, 8176], strides = [1, 1]} : vector<16x8192xf32> to vector<16x8176xf32>
    %concatenate3A_35 = tpu.concatenate %broadcast_in_dim3A_33, %slice3A_34 in 1 : vector<16x16xf32>, vector<16x8176xf32> -> vector<16x8192xf32>
    %add3A_36 = arith.addf %add3A_31, %concatenate3A_35 : vector<16x8192xf32>
    %broadcast_in_dim3A_37 = arith.constant 0.000000e+00 : f32
    %broadcast_in_dim3A_38 = vector.broadcast %broadcast_in_dim3A_37 : f32 to vector<16x32xf32>
    %slice3A_39 = vector.extract_strided_slice %add3A_36 {offsets = [0, 0], sizes = [16, 8160], strides = [1, 1]} : vector<16x8192xf32> to vector<16x8160xf32>
    %concatenate3A_40 = tpu.concatenate %broadcast_in_dim3A_38, %slice3A_39 in 1 : vector<16x32xf32>, vector<16x8160xf32> -> vector<16x8192xf32>
    %add3A_41 = arith.addf %add3A_36, %concatenate3A_40 : vector<16x8192xf32>
    %broadcast_in_dim3A_42 = arith.constant 0.000000e+00 : f32
    %broadcast_in_dim3A_43 = vector.broadcast %broadcast_in_dim3A_42 : f32 to vector<16x64xf32>
    %slice3A_44 = vector.extract_strided_slice %add3A_41 {offsets = [0, 0], sizes = [16, 8128], strides = [1, 1]} : vector<16x8192xf32> to vector<16x8128xf32>
    %concatenate3A_45 = tpu.concatenate %broadcast_in_dim3A_43, %slice3A_44 in 1 : vector<16x64xf32>, vector<16x8128xf32> -> vector<16x8192xf32>
    %add3A_46 = arith.addf %add3A_41, %concatenate3A_45 : vector<16x8192xf32>
    %broadcast_in_dim3A_47 = arith.constant 0.000000e+00 : f32
    %broadcast_in_dim3A_48 = vector.broadcast %broadcast_in_dim3A_47 : f32 to vector<16x128xf32>
    %slice3A_49 = vector.extract_strided_slice %add3A_46 {offsets = [0, 0], sizes = [16, 8064], strides = [1, 1]} : vector<16x8192xf32> to vector<16x8064xf32>
    %concatenate3A_50 = tpu.concatenate %broadcast_in_dim3A_48, %slice3A_49 in 1 : vector<16x128xf32>, vector<16x8064xf32> -> vector<16x8192xf32>
    %add3A_51 = arith.addf %add3A_46, %concatenate3A_50 : vector<16x8192xf32>
    %broadcast_in_dim3A_52 = arith.constant 0.000000e+00 : f32
    %broadcast_in_dim3A_53 = vector.broadcast %broadcast_in_dim3A_52 : f32 to vector<16x256xf32>
    %slice3A_54 = vector.extract_strided_slice %add3A_51 {offsets = [0, 0], sizes = [16, 7936], strides = [1, 1]} : vector<16x8192xf32> to vector<16x7936xf32>
    %concatenate3A_55 = tpu.concatenate %broadcast_in_dim3A_53, %slice3A_54 in 1 : vector<16x256xf32>, vector<16x7936xf32> -> vector<16x8192xf32>
    %add3A_56 = arith.addf %add3A_51, %concatenate3A_55 : vector<16x8192xf32>
    %broadcast_in_dim3A_57 = arith.constant 0.000000e+00 : f32
    %broadcast_in_dim3A_58 = vector.broadcast %broadcast_in_dim3A_57 : f32 to vector<16x512xf32>
    %slice3A_59 = vector.extract_strided_slice %add3A_56 {offsets = [0, 0], sizes = [16, 7680], strides = [1, 1]} : vector<16x8192xf32> to vector<16x7680xf32>
    %concatenate3A_60 = tpu.concatenate %broadcast_in_dim3A_58, %slice3A_59 in 1 : vector<16x512xf32>, vector<16x7680xf32> -> vector<16x8192xf32>
    %add3A_61 = arith.addf %add3A_56, %concatenate3A_60 : vector<16x8192xf32>
    %broadcast_in_dim3A_62 = arith.constant 0.000000e+00 : f32
    %broadcast_in_dim3A_63 = vector.broadcast %broadcast_in_dim3A_62 : f32 to vector<16x1024xf32>
    %slice3A_64 = vector.extract_strided_slice %add3A_61 {offsets = [0, 0], sizes = [16, 7168], strides = [1, 1]} : vector<16x8192xf32> to vector<16x7168xf32>
    %concatenate3A_65 = tpu.concatenate %broadcast_in_dim3A_63, %slice3A_64 in 1 : vector<16x1024xf32>, vector<16x7168xf32> -> vector<16x8192xf32>
    %add3A_66 = arith.addf %add3A_61, %concatenate3A_65 : vector<16x8192xf32>
    %broadcast_in_dim3A_67 = arith.constant 0.000000e+00 : f32
    %broadcast_in_dim3A_68 = vector.broadcast %broadcast_in_dim3A_67 : f32 to vector<16x2048xf32>
    %slice3A_69 = vector.extract_strided_slice %add3A_66 {offsets = [0, 0], sizes = [16, 6144], strides = [1, 1]} : vector<16x8192xf32> to vector<16x6144xf32>
    %concatenate3A_70 = tpu.concatenate %broadcast_in_dim3A_68, %slice3A_69 in 1 : vector<16x2048xf32>, vector<16x6144xf32> -> vector<16x8192xf32>
    %add3A_71 = arith.addf %add3A_66, %concatenate3A_70 : vector<16x8192xf32>
    %broadcast_in_dim3A_72 = arith.constant 0.000000e+00 : f32
    %broadcast_in_dim3A_73 = vector.broadcast %broadcast_in_dim3A_72 : f32 to vector<16x4096xf32>
    %slice3A_74 = vector.extract_strided_slice %add3A_71 {offsets = [0, 0], sizes = [16, 4096], strides = [1, 1]} : vector<16x8192xf32> to vector<16x4096xf32>
    %concatenate3A_75 = tpu.concatenate %broadcast_in_dim3A_73, %slice3A_74 in 1 : vector<16x4096xf32>, vector<16x4096xf32> -> vector<16x8192xf32>
    %add3A_76 = arith.addf %add3A_71, %concatenate3A_75 : vector<16x8192xf32>
    %broadcast_in_dim3A_77 = arith.constant 0.000000e+00 : f32
    %broadcast_in_dim3A_78 = vector.broadcast %broadcast_in_dim3A_77 : f32 to vector<16x1xf32>
    %slice3A_79 = vector.extract_strided_slice %slice3A {offsets = [0, 0], sizes = [16, 8191], strides = [1, 1]} : vector<16x8192xf32> to vector<16x8191xf32>
    %concatenate3A_80 = tpu.concatenate %broadcast_in_dim3A_78, %slice3A_79 in 1 : vector<16x1xf32>, vector<16x8191xf32> -> vector<16x8192xf32>
    %add3A_81 = arith.addf %slice3A, %concatenate3A_80 : vector<16x8192xf32>
    %broadcast_in_dim3A_82 = arith.constant 0.000000e+00 : f32
    %broadcast_in_dim3A_83 = vector.broadcast %broadcast_in_dim3A_82 : f32 to vector<16x2xf32>
    %slice3A_84 = vector.extract_strided_slice %add3A_81 {offsets = [0, 0], sizes = [16, 8190], strides = [1, 1]} : vector<16x8192xf32> to vector<16x8190xf32>
    %concatenate3A_85 = tpu.concatenate %broadcast_in_dim3A_83, %slice3A_84 in 1 : vector<16x2xf32>, vector<16x8190xf32> -> vector<16x8192xf32>
    %add3A_86 = arith.addf %add3A_81, %concatenate3A_85 : vector<16x8192xf32>
    %broadcast_in_dim3A_87 = arith.constant 0.000000e+00 : f32
    %broadcast_in_dim3A_88 = vector.broadcast %broadcast_in_dim3A_87 : f32 to vector<16x4xf32>
    %slice3A_89 = vector.extract_strided_slice %add3A_86 {offsets = [0, 0], sizes = [16, 8188], strides = [1, 1]} : vector<16x8192xf32> to vector<16x8188xf32>
    %concatenate3A_90 = tpu.concatenate %broadcast_in_dim3A_88, %slice3A_89 in 1 : vector<16x4xf32>, vector<16x8188xf32> -> vector<16x8192xf32>
    %add3A_91 = arith.addf %add3A_86, %concatenate3A_90 : vector<16x8192xf32>
    %broadcast_in_dim3A_92 = arith.constant 0.000000e+00 : f32
    %broadcast_in_dim3A_93 = vector.broadcast %broadcast_in_dim3A_92 : f32 to vector<16x8xf32>
    %slice3A_94 = vector.extract_strided_slice %add3A_91 {offsets = [0, 0], sizes = [16, 8184], strides = [1, 1]} : vector<16x8192xf32> to vector<16x8184xf32>
    %concatenate3A_95 = tpu.concatenate %broadcast_in_dim3A_93, %slice3A_94 in 1 : vector<16x8xf32>, vector<16x8184xf32> -> vector<16x8192xf32>
    %add3A_96 = arith.addf %add3A_91, %concatenate3A_95 : vector<16x8192xf32>
    %broadcast_in_dim3A_97 = arith.constant 0.000000e+00 : f32
    %broadcast_in_dim3A_98 = vector.broadcast %broadcast_in_dim3A_97 : f32 to vector<16x16xf32>
    %slice3A_99 = vector.extract_strided_slice %add3A_96 {offsets = [0, 0], sizes = [16, 8176], strides = [1, 1]} : vector<16x8192xf32> to vector<16x8176xf32>
    %concatenate3A_100 = tpu.concatenate %broadcast_in_dim3A_98, %slice3A_99 in 1 : vector<16x16xf32>, vector<16x8176xf32> -> vector<16x8192xf32>
    %add3A_101 = arith.addf %add3A_96, %concatenate3A_100 : vector<16x8192xf32>
    %broadcast_in_dim3A_102 = arith.constant 0.000000e+00 : f32
    %broadcast_in_dim3A_103 = vector.broadcast %broadcast_in_dim3A_102 : f32 to vector<16x32xf32>
    %slice3A_104 = vector.extract_strided_slice %add3A_101 {offsets = [0, 0], sizes = [16, 8160], strides = [1, 1]} : vector<16x8192xf32> to vector<16x8160xf32>
    %concatenate3A_105 = tpu.concatenate %broadcast_in_dim3A_103, %slice3A_104 in 1 : vector<16x32xf32>, vector<16x8160xf32> -> vector<16x8192xf32>
    %add3A_106 = arith.addf %add3A_101, %concatenate3A_105 : vector<16x8192xf32>
    %broadcast_in_dim3A_107 = arith.constant 0.000000e+00 : f32
    %broadcast_in_dim3A_108 = vector.broadcast %broadcast_in_dim3A_107 : f32 to vector<16x64xf32>
    %slice3A_109 = vector.extract_strided_slice %add3A_106 {offsets = [0, 0], sizes = [16, 8128], strides = [1, 1]} : vector<16x8192xf32> to vector<16x8128xf32>
    %concatenate3A_110 = tpu.concatenate %broadcast_in_dim3A_108, %slice3A_109 in 1 : vector<16x64xf32>, vector<16x8128xf32> -> vector<16x8192xf32>
    %add3A_111 = arith.addf %add3A_106, %concatenate3A_110 : vector<16x8192xf32>
    %broadcast_in_dim3A_112 = arith.constant 0.000000e+00 : f32
    %broadcast_in_dim3A_113 = vector.broadcast %broadcast_in_dim3A_112 : f32 to vector<16x128xf32>
    %slice3A_114 = vector.extract_strided_slice %add3A_111 {offsets = [0, 0], sizes = [16, 8064], strides = [1, 1]} : vector<16x8192xf32> to vector<16x8064xf32>
    %concatenate3A_115 = tpu.concatenate %broadcast_in_dim3A_113, %slice3A_114 in 1 : vector<16x128xf32>, vector<16x8064xf32> -> vector<16x8192xf32>
    %add3A_116 = arith.addf %add3A_111, %concatenate3A_115 : vector<16x8192xf32>
    %broadcast_in_dim3A_117 = arith.constant 0.000000e+00 : f32
    %broadcast_in_dim3A_118 = vector.broadcast %broadcast_in_dim3A_117 : f32 to vector<16x256xf32>
    %slice3A_119 = vector.extract_strided_slice %add3A_116 {offsets = [0, 0], sizes = [16, 7936], strides = [1, 1]} : vector<16x8192xf32> to vector<16x7936xf32>
    %concatenate3A_120 = tpu.concatenate %broadcast_in_dim3A_118, %slice3A_119 in 1 : vector<16x256xf32>, vector<16x7936xf32> -> vector<16x8192xf32>
    %add3A_121 = arith.addf %add3A_116, %concatenate3A_120 : vector<16x8192xf32>
    %broadcast_in_dim3A_122 = arith.constant 0.000000e+00 : f32
    %broadcast_in_dim3A_123 = vector.broadcast %broadcast_in_dim3A_122 : f32 to vector<16x512xf32>
    %slice3A_124 = vector.extract_strided_slice %add3A_121 {offsets = [0, 0], sizes = [16, 7680], strides = [1, 1]} : vector<16x8192xf32> to vector<16x7680xf32>
    %concatenate3A_125 = tpu.concatenate %broadcast_in_dim3A_123, %slice3A_124 in 1 : vector<16x512xf32>, vector<16x7680xf32> -> vector<16x8192xf32>
    %add3A_126 = arith.addf %add3A_121, %concatenate3A_125 : vector<16x8192xf32>
    %broadcast_in_dim3A_127 = arith.constant 0.000000e+00 : f32
    %broadcast_in_dim3A_128 = vector.broadcast %broadcast_in_dim3A_127 : f32 to vector<16x1024xf32>
    %slice3A_129 = vector.extract_strided_slice %add3A_126 {offsets = [0, 0], sizes = [16, 7168], strides = [1, 1]} : vector<16x8192xf32> to vector<16x7168xf32>
    %concatenate3A_130 = tpu.concatenate %broadcast_in_dim3A_128, %slice3A_129 in 1 : vector<16x1024xf32>, vector<16x7168xf32> -> vector<16x8192xf32>
    %add3A_131 = arith.addf %add3A_126, %concatenate3A_130 : vector<16x8192xf32>
    %broadcast_in_dim3A_132 = arith.constant 0.000000e+00 : f32
    %broadcast_in_dim3A_133 = vector.broadcast %broadcast_in_dim3A_132 : f32 to vector<16x2048xf32>
    %slice3A_134 = vector.extract_strided_slice %add3A_131 {offsets = [0, 0], sizes = [16, 6144], strides = [1, 1]} : vector<16x8192xf32> to vector<16x6144xf32>
    %concatenate3A_135 = tpu.concatenate %broadcast_in_dim3A_133, %slice3A_134 in 1 : vector<16x2048xf32>, vector<16x6144xf32> -> vector<16x8192xf32>
    %add3A_136 = arith.addf %add3A_131, %concatenate3A_135 : vector<16x8192xf32>
    %broadcast_in_dim3A_137 = arith.constant 0.000000e+00 : f32
    %broadcast_in_dim3A_138 = vector.broadcast %broadcast_in_dim3A_137 : f32 to vector<16x4096xf32>
    %slice3A_139 = vector.extract_strided_slice %add3A_136 {offsets = [0, 0], sizes = [16, 4096], strides = [1, 1]} : vector<16x8192xf32> to vector<16x4096xf32>
    %concatenate3A_140 = tpu.concatenate %broadcast_in_dim3A_138, %slice3A_139 in 1 : vector<16x4096xf32>, vector<16x4096xf32> -> vector<16x8192xf32>
    %add3A_141 = arith.addf %add3A_136, %concatenate3A_140 : vector<16x8192xf32>
    %add3A_142 = vector.broadcast %add3A_12 : vector<16x1xf32> to vector<16x8192xf32>
    %add3A_143 = arith.addf %add3A_142, %add3A_141 : vector<16x8192xf32>
    %gt3A = arith.constant 0.000000e+00 : f32
    %gt3A_144 = vector.broadcast %gt3A : f32 to vector<16x8192xf32>
    %gt3A_145 = arith.cmpf ogt, %add3A_143, %gt3A_144 : vector<16x8192xf32>
    %sub3A = vector.broadcast %add3A_12 : vector<16x1xf32> to vector<16x8192xf32>
    %sub3A_146 = arith.subf %sub3A, %add3A_76 : vector<16x8192xf32>
    %max3A = arith.constant 1.000000e-30 : f32
    %max3A_147 = vector.broadcast %max3A : f32 to vector<16x8192xf32>
    %max3A_148 = arith.maximumf %add3A_143, %max3A_147 : vector<16x8192xf32>
    %div3A = arith.divf %sub3A_146, %max3A_148 : vector<16x8192xf32>
    %sub3A_149 = arith.constant 1.000000e+00 : f32
    %sub3A_150 = vector.broadcast %sub3A_149 : f32 to vector<16x8192xf32>
    %sub3A_151 = arith.subf %sub3A_150, %div3A : vector<16x8192xf32>
    %jit3A = arith.constant 0.000000e+00 : f32
    %broadcast_in_dim3A_152 = vector.broadcast %jit3A : f32 to vector<16x8192xf32>
    %select_n3A = arith.select %gt3A_145, %sub3A_151, %broadcast_in_dim3A_152 : vector<16x8192xi1>, vector<16x8192xf32>
    %reduce_sum3A_153 = arith.constant dense<0.000000e+00> : vector<16xf32>
    %reduce_sum3A_154 = vector.multi_reduction <add>, %select_n3A, %reduce_sum3A_153 [1] : vector<16x8192xf32> to vector<16xf32>
    %broadcast_in_dim3A_155 = vector.shape_cast %reduce_sum3A_154 : vector<16xf32> to vector<16x1xf32>
    %slice3A_156 = vector.extract_strided_slice %select_n3A {offsets = [0, 8191], sizes = [16, 1], strides = [1, 1]} : vector<16x8192xf32> to vector<16x1xf32>
    %mul3A = arith.constant 0.00122070313 : f32
    %mul3A_157 = vector.broadcast %mul3A : f32 to vector<16x1xf32>
    %mul3A_158 = arith.mulf %mul3A_157, %broadcast_in_dim3A_155 : vector<16x1xf32>
    %mul3A_159 = arith.constant 6.10351563E-4 : f32
    %mul3A_160 = vector.broadcast %mul3A_159 : f32 to vector<16x1xf32>
    %mul3A_161 = arith.mulf %mul3A_160, %slice3A_156 : vector<16x1xf32>
    %sub3A_162 = arith.subf %mul3A_158, %mul3A_161 : vector<16x1xf32>
    %reduce_sum3A_163 = vector.shape_cast %sub3A_162 : vector<16x1xf32> to vector<1x16x1xf32>
    %reduce_sum3A_164 = arith.constant dense<0.000000e+00> : vector<1xf32>
    %reduce_sum3A_165 = vector.multi_reduction <add>, %reduce_sum3A_163, %reduce_sum3A_164 [1, 2] : vector<1x16x1xf32> to vector<1xf32>
    %reduce_sum3A_166 = vector.shape_cast %reduce_sum3A_165 : vector<1xf32> to vector<1x1x1xf32>
    %reduce_sum3A_167 = vector.extract %reduce_sum3A_166[0, 0, 0] : f32 from vector<1x1x1xf32>
    %div3A_168 = arith.constant 1.600000e+01 : f32
    %div3A_169 = arith.divf %reduce_sum3A_167, %div3A_168 : f32
    %reshape3A = vector.broadcast %div3A_169 : f32 to vector<1x1xf32>
    %swap3A = arith.constant 0 : index
    %swap3A_170 = arith.constant 0 : index
    %swap3A_171 = vector.load %arg1[%swap3A, %swap3A_170] : memref<1x1xf32, #tpu.memory_space<vmem>>, vector<1x1xf32>
    tpu.vector_store %arg1[%swap3A, %swap3A_170], %reshape3A {strides = array<i32>} : memref<1x1xf32, #tpu.memory_space<vmem>>, vector<1x1xf32>,
    return
  }
}

</mosaic_0001>

<sc_bundles>
// kernel: kernel.4.cloned.1.call-start
scs
__scs_entry_jumppad:
0x0: {  	(pc) =	sbr.rel $0x88, $3  }
0x1: {  	(tag) =	ssettag $0x0;
	lr =	simm.s32 $0x1  }
0x2: {  	[smem:$0x3F9F] =	sst lr;
	_ =	strace $0xD0000000  }
0x3: {  	_ = 	snop  }
0x4: {  	_ = 	snop  }
0x5: {  	_ = 	snop  }
0x6: {  	_ = 	snop  }
0x7: {  	_ = 	snop  }
__scs_overlays_trampoline_lowered:
0x8: {  	[smem:$0x3FAE] =	sst s0  }
0x9: {  	[smem:$0x3FAF] =	sst s1  }
0xa: {  	[smem:$0x3FB0] =	sst s2  }
0xb: {  	[smem:$0x3FB1] =	sst s3  }
0xc: {  	[smem:$0x3FB2] =	sst s4  }
0xd: {  	[smem:$0x3FB3] =	sst s5  }
0xe: {  	[smem:$0x3FB4] =	sst s6  }
0xf: {  	[smem:$0x3FB5] =	sst s7  }
0x10: {  	[smem:$0x3FB6] =	sst s8  }
0x11: {  	[smem:$0x3FB7] =	sst s9;
	s0 =	simm.s32 @!p0 $0x0  }
0x12: {  	s1 =	sld [smem:$0x3F9D];
	s0 =	simm.s32 @p0 $0x1  }
0x13: {  	[smem:$0x3FB8] =	sst s0;
	s0 =	simm.s32 @!p1 $0x0  }
0x14: {  	s2 =	sld [smem:$0x3F9C];
	s0 =	simm.s32 @p1 $0x1  }
0x15: {  	[smem:$0x3FB9] =	sst s0;
	s0 =	simm.s32 @!p2 $0x0  }
0x16: {  	s3 =	sld [smem:$0x3FDB];
	s0 =	simm.s32 @p2 $0x1  }
0x17: {  	s4 =	simm.s32 $0x1BF5;
	[smem:$0x3FBB] =	sst s0  }
0x18: {  	s0 =	sld [smem:$0x3F9E];
	_ =	swait.ge [sflag:s4], $0x0  }
0x19: {  	s7 =	sld [smem:$0x3F9F]  }
0x1a: {  	s8 =	sadd.s32 $0xFFFFE003, lr  }
0x1b: {  	s9 =	sadd.s32 $0xFFFFFEF7, lr;
	s5 =	simm.s32 $0xFFFFFFFF;
	p2 =	slt.u32 s8, $0xFFFFF086  }
0x1c: {  	p1 =	slt.u32 s9, $0xF7A;
	s5 =	simm.s32 @!p2 $0x0  }
0x1d: {  	s5 =	simm.s32 @p1 $0x1;
	p0 =	seq.s32 s7, s2  }
0x1e: {  	s7 =	smul.u32 @!p0 $0xF7A, s2;
	p2 =	seq.s32 @!p0 s5, $0x0  }
0x1f: {  	s9 =	smul.u32 $0xF7A, s1;
	s8 =	simm.s32 @!p0 $0x1BF5;
	p2 =	por !p2, p0  }
0x20: {  	[sflag:s8] =	ssyncset.s32 @!p0 $0xFFFFF086;
	s6 =	sadd.s32 @!p0 s3, s7;
	s7 =	simm.s32 @!p0 $0x108  }
0x21: {  	s3 =	sadd.s32 s3, s9;
	s6 =	sadd.s32 @!p0 $0x88, s6;
	s7 =	simm.s32 @p2 $0x1082  }
0x22: {  	[simem:s7], [sflag:s8] =	dma.local @!p0 [hbm:s6], $0xF7A  }
0x23: {  	s9 =	sor.u32 $0xD0000000, s2;
	s6 =	simm.s32 $0x108;
	_ =	swait.ge @!p0 [sflag:s8], $0x0  }
0x24: {  	s3 =	sadd.s32 $0x88, s3;
	s6 =	simm.s32 @!p1 $0x1082;
	[sflag:s4] =	ssyncset.s32 $0xFFFFF086  }
0x25: {  	[simem:s6], [sflag:s4] =	dma.local [hbm:s3], $0xF7A  }
0x26: {  	[smem:$0x3F9F] =	sst s1;
	(tag) =	ssettag s2;
	_ =	strace s9  }
0x27: {  	s1 =	sld [smem:$0x3FAF]  }
0x28: {  	s2 =	sld [smem:$0x3FB0]  }
0x29: {  	s4 =	sld [smem:$0x3FB2]  }
0x2a: {  	p0 =	seq.s32 s5, $0x0;
	s5 =	sld [smem:$0x3FB3]  }
0x2b: {  	s6 =	sld [smem:$0x3FB4]  }
0x2c: {  	s7 =	sld [smem:$0x3FB5]  }
0x2d: {  	s3 =	simm.s32 $0x108;
	s8 =	sld [smem:$0x3FB6]  }
0x2e: {  	s3 =	simm.s32 @!p0 $0x1082;
	s9 =	sld [smem:$0x3FB7]  }
0x2f: {  	lr =	sadd.s32 s0, s3;
	s0 =	sld [smem:$0x3FAE]  }
0x30: {  	s3 =	sld [smem:$0x3FB1]  }
0x31: {  	[smem:$0x3FBA] =	sst s10  }
0x32: {  	s10 =	sld [smem:$0x3FB8];
	_ =	sdelay $0x3  }
0x33: {  	p0 =	seq.s32 s10, $0x1;
	s10 =	sld [smem:$0x3FBA];
	_ =	sdelay $0x3  }
0x34: {  	[smem:$0x3FBA] =	sst s10  }
0x35: {  	s10 =	sld [smem:$0x3FB9];
	_ =	sdelay $0x3  }
0x36: {  	p1 =	seq.s32 s10, $0x1;
	s10 =	sld [smem:$0x3FBA];
	_ =	sdelay $0x3  }
0x37: {  	[smem:$0x3FBA] =	sst s10  }
0x38: {  	s10 =	sld [smem:$0x3FBB]  }
0x39: {  	_ = 	snop;
	(pc) =	sbr.ind lr, $3  }
0x3a: {  	_ = 	snop  }
0x3b: {  	_ = 	snop  }
0x3c: {  	p2 =	seq.s32 s10, $0x1;
	s10 =	sld [smem:$0x3FBA]  }
0x3d: {  	_ =	shalt  }
0x3e: {  	_ =	shalt  }
0x3f: {  	_ =	shalt  }
0x40: {  	_ =	shalt  }
0x41: {  	_ =	shalt  }
0x42: {  	_ =	shalt  }
0x43: {  	_ =	shalt  }
0x44: {  	_ =	shalt  }
0x45: {  	_ =	shalt  }
0x46: {  	_ =	shalt  }
0x47: {  	_ =	shalt  }
0x48: {  	_ =	shalt  }
0x49: {  	_ =	shalt  }
0x4a: {  	_ =	shalt  }
0x4b: {  	_ =	shalt  }
0x4c: {  	_ =	shalt  }
0x4d: {  	_ =	shalt  }
0x4e: {  	_ =	shalt  }
0x4f: {  	_ =	shalt  }
0x50: {  	_ =	shalt  }
0x51: {  	_ =	shalt  }
0x52: {  	_ =	shalt  }
0x53: {  	_ =	shalt  }
0x54: {  	_ =	shalt  }
0x55: {  	_ =	shalt  }
0x56: {  	_ =	shalt  }
0x57: {  	_ =	shalt  }
0x58: {  	_ =	shalt  }
0x59: {  	_ =	shalt  }
0x5a: {  	_ =	shalt  }
0x5b: {  	_ =	shalt  }
0x5c: {  	_ =	shalt  }
0x5d: {  	_ =	shalt  }
0x5e: {  	_ =	shalt  }
0x5f: {  	_ =	shalt  }
0x60: {  	_ =	shalt  }
0x61: {  	_ =	shalt  }
0x62: {  	_ =	shalt  }
0x63: {  	_ =	shalt  }
0x64: {  	_ =	shalt  }
0x65: {  	_ =	shalt  }
0x66: {  	_ =	shalt  }
0x67: {  	_ =	shalt  }
0x68: {  	_ =	shalt  }
0x69: {  	_ =	shalt  }
0x6a: {  	_ =	shalt  }
0x6b: {  	_ =	shalt  }
0x6c: {  	_ =	shalt  }
0x6d: {  	_ =	shalt  }
0x6e: {  	_ =	shalt  }
0x6f: {  	_ =	shalt  }
0x70: {  	_ =	shalt  }
0x71: {  	_ =	shalt  }
0x72: {  	_ =	shalt  }
0x73: {  	_ =	shalt  }
0x74: {  	_ =	shalt  }
0x75: {  	_ =	shalt  }
0x76: {  	_ =	shalt  }
0x77: {  	_ =	shalt  }
0x78: {  	_ =	shalt  }
0x79: {  	_ =	shalt  }
0x7a: {  	_ =	shalt  }
0x7b: {  	_ =	shalt  }
0x7c: {  	_ =	shalt  }
0x7d: {  	_ =	shalt  }
0x7e: {  	_ =	shalt  }
0x7f: {  	_ =	shalt  }
0x80: {  	_ =	shalt  }
0x81: {  	_ =	shalt  }
0x82: {  	_ =	shalt  }
0x83: {  	_ =	shalt  }
0x84: {  	_ =	shalt  }
0x85: {  	_ =	shalt  }
0x86: {  	_ =	shalt  }
0x87: {  	_ =	shalt  }
.Lfunc_end0:
.L_simem_size_0:
called_computation_lowered:
.L_overlay_start_0:
0x88: {  	s2 =	sld [smem:$0x3FD9]  }
0x89: {  	s3 =	sld [smem:$0x3FFE];
	_ =	sdelay $0x1  }
0x8a: {  	s1 =	srdreg.scid  }
0x8b: {  	s0 =	sand.u32 $0x1, s1  }
0x8c: {  	s17 =	sshll.u32 s0, $0xA;
	s2 =	sadd.s32 s3, s2  }
0x8d: {  	s2 =	sadd.s32 s2, s17  }
0x8e: {  	[smem:$0x3FC6] =	sst s2  }
0x8f: {  	_ = 	snop  }
0x90: {  	s2 =	sld [smem:$0x3FC9]  }
0x91: {  	s18 =	sld [smem:$0x3FC8];
	(tm) =	ssettm $0x1  }
0x92: {  	s4 =	sld [smem:$0x3FFB];
	_ =	sdelay $0x3  }
0x93: {  	_ =	strace s4  }
0x94: {  	s4 =	sld [smem:$0x3FFC];
	_ =	sdelay $0x3  }
0x95: {  	_ =	strace s4  }
0x96: {  	s4 =	sld [smem:$0x3FFD];
	_ =	sdelay $0x3  }
0x97: {  	_ =	strace s4  }
0x98: {  	_ =	strace $0x8FFFFFFF  }
0x99: {  	s19 =	sld [smem:$0x3FDB];
	_ =	sdelay $0x1  }
0x9a: {  	s5 =	simm.s32 $_scs_section_size  }
0x9b: {  	s6 =	simm.s32 $_size__tile_overlayer_lowered;
	s7 =	simm.s32 $_tile_overlayer_lowered  }
0x9c: {  	s22 =	simm.s32 $0x1BFF;
	s21 =	sshll.u32 s7, $0x1;
	s4 =	sadd.s32 s5, s19  }
0x9d: {  	s8 =	simm.s32 $0x0;
	s20 =	sshll.u32 s6, $0x1;
	s6 =	sadd.s32 s21, s4  }
0x9e: {  	[timem:s8], [sflag:s22] =	dma.local [hbm:s6], s20  }
0x9f: {  	_ =	swait.ge [sflag:s22], s20  }
0xa0: {  	s5 =	ssub.s32 $0x0, s20;
	[sflag:s22] =	ssyncset.done $0x0  }
0xa1: {  	[sflag:s22] =	ssyncadd.s32 s5;
	_ =	sdelay $0x1  }
0xa2: {  	s23 =	simm.s32 $0x1B8B  }
0xa3: {  	_ =	swait.ge [sflag:s23], $0x1  }
0xa4: {  	[sflag:s23] =	ssyncset.done $0x0  }
0xa5: {  	s25 =	simm.s32 $0x1B8E;
	s24 =	sld [smem:$0x3FFE];
	[sflag:s23] =	ssyncadd.s32 $0xFFFFFFFF  }
0xa6: {  	s26 =	simm.s32 $execute0_lowered;
	[smem:$0x3FD2] =	sst s25  }
0xa7: {  	s6 =	sshll.u32 s26, $0x1;
	_ =	strace $0x80000046;
	[dreg:$0x1] =	wrdreg $0xFFFFFFFF  }
0xa8: {  	s28 =	simm.s32 $_size_execute0_lowered;
	s4 =	sadd.s32 s4, s6;
	[dreg:$0x0] =	wrdreg $0x0  }
0xa9: {  	s6 =	sshll.u32 s28, $0x1;
	[dreg:$0x2] =	wrdreg s4  }
0xaa: {  	[dreg:$0x3] =	wrdreg s6  }
0xab: {  	[dreg:$0x4] =	wrdreg $0xC0  }
0xac: {  	_ =	task [dreg:s8], $0x5FFFF  }
0xad: {  	[dreg:$0x1] =	wrdreg $0xFFFFFFFF  }
0xae: {  	[dreg:$0x0] =	wrdreg $0x60  }
0xaf: {  	[dreg:$0x2] =	wrdreg s2  }
0xb0: {  	[dreg:$0x3] =	wrdreg s18  }
0xb1: {  	[dreg:$0x4] =	wrdreg s24  }
0xb2: {  	[dreg:$0x5] =	wrdreg $0x9  }
0xb3: {  	_ =	task.clear_ibuf [dreg:s8], $0x6FFFF;
	_ =	strace $0x90000046  }
0xb4: {  	s29 =	simm.s32 $0x9;
	_ =	strace $0x80000048  }
0xb5: {  	_ =	swait.ge [sflag:s29], $0x1  }
0xb6: {  	[sflag:s29] =	ssyncadd.s32 $0xFFFFFFFF  }
0xb7: {  	_ =	strace $0x90000048  }
0xb8: {  	_ =	sfence  }
0xb9: {  	s30 =	sld [smem:$0x0];
	_ =	sdelay $0x2  }
0xba: {  	s31 =	sshll.u32 s1, $0xD;
	s1 =	sshrl.u32 s1, $0x2  }
0xbb: {  	s3 =	sand.u32 $0x4000, s31;
	s1 =	sadd.s32 s1, s30  }
0xbc: {  	s0 =	sor.u32 s3, s0;
	s1 =	sshll.u32 s1, $0x11  }
0xbd: {  	s0 =	sor.u32 s1, s0  }
0xbe: {  	s0 =	sadd.s32 $0x8F2B, s0  }
0xbf: {  	[sflag:s0] =	ssyncadd.remote.s32 $0x1  }
0xc0: {  	_ =	sfence.sel $0xFFFF  }
0xc1: {  	[dreg:$0x0] =	wrdreg $0xFFFFFFFF;
	(pc) =	sbr.abs _section_cstart, $3  }
0xc2: {  	[dreg:$0x1] =	wrdreg $0xFFFFFFFF  }
0xc3: {  	_ =	task.clear_ibuf [dreg:s8], $0x2FFFF;
	_ =	strace $0x9FFFFFFF  }
0xc4: {  	(tm) =	ssettm $0x7FFFFFFF  }
0xc5: {  	_ =	shalt  }
tec
execute0_lowered:
.L_overlay_start_1:
0x0: {  	(tag) =	ssettag $0x1  }
0x1: {  	s1 =	rddreg [dreg:$0x0]  }
0x2: {  	s0 =	srdreg.scid;
	s3 =	rddreg [dreg:$0x1]  }
0x3: {  	s8 =	stileid.u32;
	s5 =	rddreg [dreg:$0x2];
	s28 =	simm.s32 $0x1  }
0x4: {  	s29 =	simm.s32 $0x4;
	s30 =	simm.s32 $0x2;
	s0 =	sand.u32 $0x1, s0  }
0x5: {  	s31 =	simm.s32 $0x5;
	s2 =	sshrl.u32 s8, $0x3;
	s4 =	smul.u32 $0x44000, s0  }
0x6: {  	s7 =	sshll.u32 s8, $0x7;
	s20 =	sshll.u32 s8, $0xF;
	s6 =	smul.u32 $0x22000, s2  }
0x7: {  	s2 =	simm.s32 $0x0;
	s18 =	sand.u32 $0x380, s7;
	s19 =	ssub.s32 $0x2, s0  }
0x8: {  	s0 =	sshll.u32 s0, $0xE;
	[smem:$0x7FF] =	sst s2;
	s21 =	sshrl.u32 s19, $0x1  }
0x9: {  	s0 =	sor.u32 s0, s20;
	s4 =	sadd.s32 s4, s6;
	_ =	strace $0x80000047  }
0xa: {  	s22 =	sadd.s32 s1, s0;
	s23 =	sor.u32 $0x800, s0;
	s7 =	sadd.s32 s3, s0  }
0xb: {  	s25 =	sor.u32 $0x1000, s0;
	s10 =	sor.u32 $0x1800, s0;
	s12 =	sor.u32 $0x2000, s0  }
0xc: {  	s14 =	sor.u32 $0x2800, s0;
	s16 =	sor.u32 $0x3000, s0;
	[dreg:$0x4] =	wrdreg s22  }
0xd: {  	s0 =	sor.u32 $0x3800, s0;
	s4 =	sor.u32 s18, s4;
	[dreg:$0x5] =	wrdreg s7  }
0xe: {  	s24 =	sadd.s32 s1, s23;
	s6 =	sadd.s32 s3, s23;
	s26 =	sadd.s32 s1, s25  }
0xf: {  	s8 =	sadd.s32 s3, s25;
	s9 =	sadd.s32 s1, s10;
	s10 =	sadd.s32 s3, s10  }
0x10: {  	s11 =	sadd.s32 s1, s12;
	s12 =	sadd.s32 s3, s12;
	s13 =	sadd.s32 s1, s14  }
0x11: {  	s14 =	sadd.s32 s3, s14;
	s15 =	sadd.s32 s1, s16;
	s16 =	sadd.s32 s3, s16  }
0x12: {  	s17 =	sadd.s32 s1, s0;
	s18 =	sadd.s32 s3, s0;
	s22 =	simm.s32 $0x10400  }
0x13: {  	s23 =	simm.s32 $0x8400;
	s1 =	simm.s32 $0x3;
	[dreg:$0x6] =	wrdreg s24  }
0x14: {  	s0 =	simm.s32 $0x6;
	s25 =	simm.s32 $0x7;
	[dreg:$0x7] =	wrdreg s6  }
0x15: {  	s4 =	sshrl.u32 s4, $0x3;
	[dreg:$0x8] =	wrdreg s26;
	s24 =	simm.s32 $0x14400  }
0x16: {  	s26 =	simm.s32 $0x0;
	s4 =	sadd.s32 s4, s5;
	s5 =	ssub.s32 s19, s21  }
0x17: {  	v0 =	vimm.f32 $0.0e+00;
	v1 =	vimm.f32 $1.000000000e+00;
	s21 =	simm.s32 $0x4400;
	s19 =	sadd.s32 $0x600, s4;
	s20 =	smax.u32 s5, $0x1  }
.LBB2_1:
0x18: {  	s3 =	simm.s32 $0x40  }
0x19: {  	[tilespmem:s3+$0xFFFFFFC0] =	vst v0  }
0x1a: {  	[tilespmem:s3+$0x30] =	vst v0  }
0x1b: {  	[tilespmem:s3+$0x20] =	vst v0  }
0x1c: {  	[tilespmem:s3+$0x10] =	vst v0  }
0x1d: {  	[tilespmem:s3+$0x0] =	vst v0  }
0x1e: {  	[tilespmem:s3+$0xFFFFFFF0] =	vst v0  }
0x1f: {  	s4 =	simm.s32 $0x0;
	[tilespmem:s3+$0xFFFFFFE0] =	vst v0  }
.LBB2_2:
0x20: {  	s4 =	sadd.s32 $0x8, s4;
	[tilespmem:s3+$0xFFFFFFD0] =	vst v0;
	s3 =	sadd.s32 $0x80, s3  }
0x21: {  	[tilespmem:s3+$0xFFFFFFC0] =	vst v0;
	p0 =	slt.u32 s4, $0x438  }
0x22: {  	[tilespmem:s3+$0x30] =	vst v0  }
.Ltmp0:
0x23: {  	[tilespmem:s3+$0x20] =	vst v0;
	(pc) =	sbr.rel @p0 .LBB2_2-.Ltmp0, $4  }
0x24: {  	[tilespmem:s3+$0x10] =	vst v0  }
0x25: {  	[tilespmem:s3+$0x0] =	vst v0  }
0x26: {  	[tilespmem:s3+$0xFFFFFFF0] =	vst v0  }
0x27: {  	[tilespmem:s3+$0xFFFFFFE0] =	vst v0  }
0x28: {  	[tilespmem:s3+$0xFFFFFFD0] =	vst v0  }
0x29: {  	s3 =	simm.s32 $0x0;
	s4 =	rddreg [dreg:$0x4]  }
0x2a: {  	[tilespmem:s21], [sflag:$0x1] =	stream.linear.gather [hbm4b:s4+s3], $0x4000, $0x38;
	[tilespmem:$0x1C400] =	vst v63  }
0x2b: {  	s6 =	rddreg [dreg:$0x5]  }
0x2c: {  	[tilespmem:s22], [sflag:$0x4] =	stream.linear.gather [hbm4b:s6+s3], $0x4000, $0x38;
	[tilespmem:$0x1C400] =	vst v63  }
0x2d: {  	s7 =	rddreg [dreg:$0x6]  }
0x2e: {  	[tilespmem:s23], [sflag:$0x2] =	stream.linear.gather [hbm4b:s7+s3], $0x4000, $0x38;
	[tilespmem:$0x1C400] =	vst v63  }
0x2f: {  	s5 =	rddreg [dreg:$0x7]  }
0x30: {  	[tilespmem:s24], [sflag:$0x5] =	stream.linear.gather [hbm4b:s5+s3], $0x4000, $0x38;
	[tilespmem:$0x1C400] =	vst v63  }
0x31: {  	s6 =	rddreg [dreg:$0x8];
	s5 =	simm.s32 $0xC400  }
0x32: {  	[tilespmem:s5], [sflag:$0x3] =	stream.linear.gather [hbm4b:s6+s3], $0x4000, $0x38;
	[tilespmem:$0x1C400] =	vst v63  }
0x33: {  	s7 =	simm.s32 $0x18400  }
0x34: {  	[tilespmem:s7], [sflag:$0x6] =	stream.linear.gather [hbm4b:s8+s3], $0x4000, $0x38;
	[tilespmem:$0x1C400] =	vst v63  }
0x35: {  	_ =	swait.ge [sflag:s28], $0x4000  }
0x36: {  	[sflag:s28] =	ssyncset.done $0x0  }
0x37: {  	s5 =	simm.s32 $0x0;
	s6 =	simm.s32 $0x0;
	[sflag:s28] =	ssyncadd.s32 $0xFFFFC000  }
0x38: {  	s4 =	sand.u32 $0x3000, s5;
	s3 =	sand.u32 $0xC00, s3;
	_ =	swait.ge [sflag:s29], $0x4000  }
0x39: {  	s5 =	sand.u32 $0x380, s6;
	s3 =	sor.u32 s3, s4;
	[sflag:s29] =	ssyncset.done $0x0  }
0x3a: {  	s4 =	sor.u32 s5, s3;
	[sflag:s29] =	ssyncadd.s32 $0xFFFFC000  }
0x3b: {  	v2 =	vld [tilespmem:s4+$0x10460]  }
0x3c: {  	v3 =	vld [tilespmem:s4+$0x10450]  }
0x3d: {  	v4 =	vld [tilespmem:s4+$0x4470]  }
0x3e: {  	v5 =	vld [tilespmem:s4+$0x10420]  }
0x3f: {  	v6 =	vld [tilespmem:s4+$0x10410]  }
0x40: {  	v7 =	vld [tilespmem:s4+$0x10440]  }
0x41: {  	v8 =	vld [tilespmem:s4+$0x4440]  }
0x42: {  	v9 =	vld [tilespmem:s4+$0x10470]  }
0x43: {  	v10 =	vld [tilespmem:s4+$0x4450]  }
0x44: {  	v11 =	vld [tilespmem:s4+$0x4400]  }
0x45: {  	v12 =	vld [tilespmem:s4+$0x4420]  }
0x46: {  	v13 =	vld [tilespmem:s4+$0x4460]  }
0x47: {  	v4 =	vmul.f32 $8.192000120e+02, v4  }
0x48: {  	vm1 =	vgt.s32 v3, $0x0;
	vm5 =	vgt.s32 v2, $0x0;
	vm3 =	vgt.s32 v5, $0x0  }
0x49: {  	vm0 =	vgt.s32 v9, $0x0;
	v5 =	vmul.f32 $8.192000120e+02, v8;
	vm4 =	vgt.s32 v6, $0x0  }
0x4a: {  	v3 =	vld [tilespmem:s4+$0x4410];
	v9 =	vmul.f32 $8.192000120e+02, v10;
	vm2 =	vgt.s32 v7, $0x0;
	v10 =	vmul.f32 $8.192000120e+02, v12  }
0x4b: {  	v8 =	vld [tilespmem:s4+$0x4430];
	v12 =	vmul.f32 $8.192000120e+02, v13;
	v11 =	vmul.f32 $8.192000120e+02, v11;
	vm1 =	vmmov vm1  }
0x4c: {  	v7 =	vsel vm5, $0x46080000, v0;
	v2 =	vxor.u32 $0x80000000, v4;
	v6 =	vxor.u32 $0x80000000, v5  }
0x4d: {  	v13 =	vxor.u32 $0x80000000, v10;
	v15 =	vxor.u32 $0x80000000, v11;
	v2 =	vsel vm0, v4, v2  }
0x4e: {  	v5 =	vsel vm2, v5, v6;
	v6 =	vxor.u32 $0x80000000, v9;
	v10 =	vsel vm3, v10, v13  }
0x4f: {  	s7 =	simm.s32 $0x80;
	s3 =	simm.s32 $0x400;
	v4 =	vld [tilespmem:s4+$0x10430];
	v5 =	vadd.f32 $7.372799800e+03, v5;
	v10 =	vadd.f32 $7.372799800e+03, v10;
	v6 =	vsel vm1, v9, v6  }
0x50: {  	s6 =	simm.s32 $0x20;
	s5 =	sand.u32 $0x3000, s7;
	s7 =	sand.u32 $0xC00, s3;
	v2 =	vadd.f32 $7.372799800e+03, v2;
	v3 =	vmul.f32 $8.192000120e+02, v3;
	v8 =	vmul.f32 $8.192000120e+02, v8  }
0x51: {  	s6 =	sand.u32 $0x380, s6;
	s5 =	sor.u32 s7, s5;
	v6 =	vadd.f32 $7.372799800e+03, v6;
	v5 =	vmax.f32 v5, $0.0e+00;
	v10 =	vmax.f32 v10, $0.0e+00  }
0x52: {  	s5 =	sor.u32 s6, s5;
	v2 =	vmax.f32 v2, $0.0e+00;
	v14 =	vxor.u32 $0x80000000, v8;
	v13 =	vxor.u32 $0x80000000, v3  }
0x53: {  	v17 =	vld [tilespmem:s5+$0x10410];
	v5 =	vmin.f32 v5, $8.192000000e+03;
	v10 =	vmin.f32 v10, $8.192000000e+03;
	v6 =	vmax.f32 v6, $0.0e+00  }
0x54: {  	v16 =	vld [tilespmem:s4+$0x10400];
	v2 =	vmin.f32 v2, $8.192000000e+03;
	vm6 =	vgt.s32 v4, $0x0;
	v4 =	vsel vm4, $0x46080000, v0  }
0x55: {  	v3 =	vsel vm4, v3, v13;
	v13 =	vsel vm2, $0x46080000, v0;
	v6 =	vmin.f32 v6, $8.192000000e+03  }
0x56: {  	v8 =	vsel vm6, v8, v14;
	v14 =	vxor.u32 $0x80000000, v12;
	v3 =	vadd.f32 $7.372799800e+03, v3  }
0x57: {  	v5 =	vadd.f32 v5, v13;
	v9 =	vsel vm5, v12, v14;
	v12 =	vsel vm3, $0x46080000, v0  }
0x58: {  	v21 =	vld [tilespmem:s5+$0x4420];
	v14 =	vsel vm6, $0x46080000, v0;
	v8 =	vadd.f32 $7.372799800e+03, v8;
	vm5 =	vgt.s32 v17, $0x0  }
0x59: {  	v13 =	vld [tilespmem:s5+$0x10460];
	vm6 =	vgt.s32 v16, $0x0;
	v10 =	vadd.f32 v10, v12;
	v9 =	vadd.f32 $7.372799800e+03, v9  }
0x5a: {  	v23 =	vld [tilespmem:s5+$0x4410];
	v3 =	vmax.f32 v3, $0.0e+00;
	v16 =	vsel vm6, $0x46080000, v0;
	v8 =	vmax.f32 v8, $0.0e+00  }
0x5b: {  	v12 =	vld [tilespmem:s5+$0x10450];
	v3 =	vmin.f32 v3, $8.192000000e+03;
	v8 =	vmin.f32 v8, $8.192000000e+03;
	v10 =	vtrunc.f32 v10  }
0x5c: {  	v24 =	vld [tilespmem:s5+$0x10430];
	v9 =	vmax.f32 v9, $0.0e+00;
	v3 =	vadd.f32 v3, v4;
	v4 =	vtrunc.f32 v5  }
0x5d: {  	v5 =	vld [tilespmem:s5+$0x10420];
	v8 =	vadd.f32 v8, v14;
	v9 =	vmin.f32 v9, $8.192000000e+03;
	v18 =	vcvt.f32.s32 v4  }
0x5e: {  	v14 =	vld [tilespmem:s5+$0x4470];
	v10 =	vcvt.f32.s32 v10;
	vm2 =	vgt.s32 v13, $0x0;
	v4 =	vadd.f32 v9, v7  }
0x5f: {  	v3 =	vtrunc.f32 v3;
	v7 =	vld [tilespmem:s5+$0x10440];
	v9 =	vsel vm1, $0x46080000, v0;
	v8 =	vtrunc.f32 v8  }
0x60: {  	vm4 =	vgt.s32 v12, $0x0;
	v3 =	vcvt.f32.s32 v3;
	v12 =	vld [tilespmem:s5+$0x4440];
	v6 =	vadd.f32 v6, v9  }
0x61: {  	v9 =	vld [tilespmem:s5+$0x4450];
	v19 =	vcvt.f32.s32 v8;
	v4 =	vtrunc.f32 v4;
	vm1 =	vmmov vm4  }
0x62: {  	v8 =	vld [tilespmem:s5+$0x10470];
	v20 =	vcvt.f32.s32 v4;
	v6 =	vtrunc.f32 v6;
	vm3 =	vgt.s32 v5, $0x0  }
0x63: {  	v13 =	vld [tilespmem:s5+$0x4400];
	v5 =	vsel vm2, $0x46080000, v0;
	v4 =	vmul.f32 $8.192000120e+02, v14;
	v14 =	vsel vm0, $0x46080000, v0  }
0x64: {  	v6 =	vcvt.f32.s32 v6;
	v2 =	vadd.f32 v2, v14;
	vm4 =	vgt.s32 v7, $0x0  }
0x65: {  	v7 =	vsel vm6, v11, v15;
	[tilespmem:v10+s2+$0x0] =	vst.idx.add.f32.msk $0xffff, v1;
	v10 =	vmul.f32 $8.192000120e+02, v21;
	vm6 =	vgt.s32 v24, $0x0  }
0x66: {  	v17 =	vld [tilespmem:s5+$0x4430];
	v12 =	vmul.f32 $8.192000120e+02, v12;
	v7 =	vadd.f32 $7.372799800e+03, v7;
	v2 =	vtrunc.f32 v2  }
0x67: {  	v14 =	vld [tilespmem:s5+$0x4460];
	vm0 =	vgt.s32 v8, $0x0;
	v8 =	vmul.f32 $8.192000120e+02, v9;
	v9 =	vmul.f32 $8.192000120e+02, v23  }
0x68: {  	v22 =	vxor.u32 $0x80000000, v4;
	[tilespmem:v3+s2+$0x0] =	vst.idx.add.f32.msk $0xffff, v1;
	v3 =	vmul.f32 $8.192000120e+02, v13;
	v62 =	vcvt.f32.s32 v2  }
0x69: {  	v4 =	vsel vm0, v4, v22;
	v25 =	vxor.u32 $0x80000000, v12;
	[tilespmem:v19+s2+$0x0] =	vst.idx.add.f32.msk $0xffff, v1;
	v19 =	vmax.f32 v7, $0.0e+00  }
0x6a: {  	[tilespmem:v18+s2+$0x0] =	vst.idx.add.f32.msk $0xffff, v1;
	v7 =	vsel vm5, $0x46080000, v0;
	v15 =	vsel vm4, v12, v25;
	v12 =	vxor.u32 $0x80000000, v8  }
0x6b: {  	v13 =	vxor.u32 $0x80000000, v9;
	v19 =	vmin.f32 v19, $8.192000000e+03;
	[tilespmem:v6+s2+$0x0] =	vst.idx.add.f32.msk $0xffff, v1;
	v6 =	vadd.f32 $7.372799800e+03, v15  }
0x6c: {  	v2 =	vld [tilespmem:s5+$0x10400];
	v11 =	vmul.f32 $8.192000120e+02, v14;
	v14 =	vmul.f32 $8.192000120e+02, v17;
	v17 =	vxor.u32 $0x80000000, v10  }
0x6d: {  	[tilespmem:v20+s2+$0x0] =	vst.idx.add.f32.msk $0xffff, v1;
	v16 =	vadd.f32 v19, v16;
	v17 =	vsel vm3, v10, v17;
	v63 =	vmax.f32 v6, $0.0e+00  }
0x6e: {  	s4 =	simm.s32 $0x8;
	v15 =	vxor.u32 $0x80000000, v14;
	v6 =	vxor.u32 $0x80000000, v3;
	v10 =	vmin.f32 v63, $8.192000000e+03;
	[tilespmem:v62+s2+$0x0] =	vst.idx.add.f32.msk $0xffff, v1  }
.LBB2_4:
0x6f: {  	s4 =	sadd.s32 $0x8, s4;
	v17 =	vadd.f32 $7.372799800e+03, v17;
	v14 =	vsel vm6, v14, v15;
	v15 =	vxor.u32 $0x80000000, v11;
	s3 =	sadd.s32 $0x400, s3  }
0x70: {  	v8 =	vsel vm1, v8, v12;
	s5 =	sshll.u32 s4, $0x4;
	s6 =	sshll.u32 s4, $0x2;
	p0 =	slt.u32 s4, $0x3F8;
	v11 =	vsel vm2, v11, v15;
	v12 =	vtrunc.f32 v16  }
0x71: {  	s7 =	sand.u32 $0xC00, s3;
	v16 =	vsel vm3, $0x46080000, v0;
	s5 =	sand.u32 $0x3000, s5;
	s6 =	sand.u32 $0x380, s6;
	v15 =	vmax.f32 v17, $0.0e+00;
	v12 =	vcvt.f32.s32 v12  }
0x72: {  	v8 =	vadd.f32 $7.372799800e+03, v8;
	v17 =	vsel vm6, $0x46080000, v0;
	s5 =	sor.u32 s7, s5;
	v15 =	vmin.f32 v15, $8.192000000e+03  }
0x73: {  	v9 =	vsel vm5, v9, v13;
	v14 =	vadd.f32 $7.372799800e+03, v14;
	s5 =	sor.u32 s6, s5;
	v13 =	vadd.f32 v15, v16  }
0x74: {  	v9 =	vadd.f32 $7.372799800e+03, v9;
	v11 =	vadd.f32 $7.372799800e+03, v11;
	v8 =	vmax.f32 v8, $0.0e+00;
	v15 =	vld [tilespmem:s5+$0x10460]  }
0x75: {  	v18 =	vsel vm4, $0x46080000, v0;
	v14 =	vmax.f32 v14, $0.0e+00;
	v16 =	vld [tilespmem:s5+$0x10450];
	v13 =	vtrunc.f32 v13  }
0x76: {  	v10 =	vadd.f32 v10, v18;
	v9 =	vmax.f32 v9, $0.0e+00;
	v14 =	vmin.f32 v14, $8.192000000e+03;
	v19 =	vld [tilespmem:s5+$0x4470]  }
0x77: {  	v9 =	vmin.f32 v9, $8.192000000e+03;
	v11 =	vmax.f32 v11, $0.0e+00;
	v14 =	vadd.f32 v14, v17;
	[tilespmem:v12+s2+$0x0] =	vst.idx.add.f32.msk $0xffff, v1  }
0x78: {  	v7 =	vadd.f32 v9, v7;
	v9 =	vtrunc.f32 v10;
	v10 =	vmin.f32 v11, $8.192000000e+03;
	v12 =	vld [tilespmem:s5+$0x10420]  }
0x79: {  	v18 =	vcvt.f32.s32 v9;
	v5 =	vadd.f32 v10, v5;
	v14 =	vtrunc.f32 v14;
	v11 =	vld [tilespmem:s5+$0x10410]  }
0x7a: {  	v4 =	vadd.f32 $7.372799800e+03, v4;
	v7 =	vtrunc.f32 v7;
	v9 =	vld [tilespmem:s5+$0x10440];
	vm4 =	vgt.s32 v16, $0x0  }
0x7b: {  	v7 =	vcvt.f32.s32 v7;
	v16 =	vcvt.f32.s32 v14;
	v10 =	vld [tilespmem:s5+$0x4440]  }
0x7c: {  	v8 =	vmin.f32 v8, $8.192000000e+03;
	v17 =	vsel vm1, $0x46080000, v0;
	v5 =	vtrunc.f32 v5;
	v14 =	vld [tilespmem:s5+$0x10470]  }
0x7d: {  	v8 =	vadd.f32 v8, v17;
	v13 =	vcvt.f32.s32 v13;
	v17 =	vcvt.f32.s32 v5;
	v20 =	vld [tilespmem:s5+$0x10400]  }
0x7e: {  	v4 =	vmax.f32 v4, $0.0e+00;
	vm2 =	vgt.s32 v15, $0x0;
	v5 =	vmul.f32 $8.192000120e+02, v19;
	v21 =	vld [tilespmem:s5+$0x4450]  }
0x7f: {  	v4 =	vmin.f32 v4, $8.192000000e+03;
	v8 =	vtrunc.f32 v8;
	v19 =	vsel vm0, $0x46080000, v0;
	v15 =	vld [tilespmem:s5+$0x4400]  }
0x80: {  	v24 =	vcvt.f32.s32 v8;
	v8 =	vadd.f32 v4, v19;
	v23 =	vxor.u32 $0x80000000, v5;
	v22 =	vld [tilespmem:s5+$0x4420]  }
0x81: {  	vm1 =	vmmov vm4;
	vm3 =	vgt.s32 v12, $0x0;
	v19 =	vld [tilespmem:s5+$0x4460];
	vm0 =	vgt.s32 v14, $0x0  }
0x82: {  	v8 =	vtrunc.f32 v8;
	v10 =	vmul.f32 $8.192000120e+02, v10;
	v12 =	vld [tilespmem:s5+$0x4410];
	v4 =	vsel vm0, v5, v23  }
0x83: {  	vm5 =	vgt.s32 v11, $0x0;
	v5 =	vsel vm2, $0x46080000, v0;
	v23 =	vcvt.f32.s32 v8;
	v14 =	vld [tilespmem:s5+$0x4430]  }
0x84: {  	vm6 =	vgt.s32 v2, $0x0;
	v11 =	vxor.u32 $0x80000000, v10;
	v2 =	vmovc v20;
	v8 =	vmul.f32 $8.192000120e+02, v21;
	v25 =	vld [tilespmem:s5+$0x10430]  }
0x85: {  	v3 =	vsel vm6, v3, v6;
	vm4 =	vgt.s32 v9, $0x0;
	v20 =	vsel vm6, $0x46080000, v0;
	[tilespmem:v13+s2+$0x0] =	vst.idx.add.f32.msk $0xffff, v1  }
0x86: {  	v10 =	vsel vm4, v10, v11;
	v6 =	vmul.f32 $8.192000120e+02, v22;
	v13 =	vadd.f32 $7.372799800e+03, v3;
	[tilespmem:v24+s2+$0x0] =	vst.idx.add.f32.msk $0xffff, v1  }
0x87: {  	v11 =	vmul.f32 $8.192000120e+02, v19;
	v9 =	vmul.f32 $8.192000120e+02, v12;
	v12 =	vxor.u32 $0x80000000, v8;
	[tilespmem:v7+s2+$0x0] =	vst.idx.add.f32.msk $0xffff, v1  }
.Ltmp1:
0x88: {  	v10 =	vadd.f32 $7.372799800e+03, v10;
	v3 =	vmul.f32 $8.192000120e+02, v15;
	v14 =	vmul.f32 $8.192000120e+02, v14;
	[tilespmem:v16+s2+$0x0] =	vst.idx.add.f32.msk $0xffff, v1;
	(pc) =	sbr.rel @p0 .LBB2_4-.Ltmp1, $4  }
0x89: {  	v19 =	vmax.f32 v13, $0.0e+00;
	v16 =	vxor.u32 $0x80000000, v6;
	vm6 =	vgt.s32 v25, $0x0;
	[tilespmem:v23+s2+$0x0] =	vst.idx.add.f32.msk $0xffff, v1  }
0x8a: {  	v10 =	vmax.f32 v10, $0.0e+00;
	v7 =	vsel vm5, $0x46080000, v0;
	v15 =	vxor.u32 $0x80000000, v14;
	[tilespmem:v17+s2+$0x0] =	vst.idx.add.f32.msk $0xffff, v1  }
0x8b: {  	v13 =	vxor.u32 $0x80000000, v9;
	v17 =	vsel vm3, v6, v16;
	v16 =	vmin.f32 v19, $8.192000000e+03;
	[tilespmem:v18+s2+$0x0] =	vst.idx.add.f32.msk $0xffff, v1  }
0x8c: {  	v10 =	vmin.f32 v10, $8.192000000e+03;
	v6 =	vxor.u32 $0x80000000, v3;
	v16 =	vadd.f32 v16, v20  }
0x8d: {  	v17 =	vadd.f32 $7.372799800e+03, v17  }
0x8e: {  	v14 =	vsel vm6, v14, v15;
	v15 =	vxor.u32 $0x80000000, v11;
	v8 =	vsel vm1, v8, v12  }
0x8f: {  	v9 =	vsel vm5, v9, v13;
	v4 =	vadd.f32 $7.372799800e+03, v4;
	v11 =	vsel vm2, v11, v15  }
0x90: {  	v12 =	vtrunc.f32 v16;
	v16 =	vsel vm3, $0x46080000, v0;
	v8 =	vadd.f32 $7.372799800e+03, v8  }
0x91: {  	v14 =	vadd.f32 $7.372799800e+03, v14;
	v9 =	vadd.f32 $7.372799800e+03, v9;
	v15 =	vmax.f32 v17, $0.0e+00  }
0x92: {  	v12 =	vcvt.f32.s32 v12;
	v11 =	vadd.f32 $7.372799800e+03, v11;
	v15 =	vmin.f32 v15, $8.192000000e+03  }
0x93: {  	v8 =	vmax.f32 v8, $0.0e+00;
	v14 =	vmax.f32 v14, $0.0e+00;
	v9 =	vmax.f32 v9, $0.0e+00  }
0x94: {  	v13 =	vadd.f32 v15, v16;
	v15 =	vsel vm6, $0x46080000, v0;
	v16 =	vsel vm4, $0x46080000, v0  }
0x95: {  	v14 =	vmin.f32 v14, $8.192000000e+03;
	v9 =	vmin.f32 v9, $8.192000000e+03;
	v11 =	vmax.f32 v11, $0.0e+00  }
0x96: {  	v8 =	vmin.f32 v8, $8.192000000e+03;
	v10 =	vadd.f32 v10, v16;
	v14 =	vadd.f32 v14, v15  }
0x97: {  	v7 =	vadd.f32 v9, v7;
	v9 =	vmin.f32 v11, $8.192000000e+03;
	v11 =	vsel vm1, $0x46080000, v0  }
0x98: {  	vm1 =	vgt.s32 v2, $0x0;
	v2 =	vmax.f32 v4, $0.0e+00;
	v13 =	vtrunc.f32 v13  }
0x99: {  	v8 =	vadd.f32 v8, v11;
	v5 =	vadd.f32 v9, v5;
	v3 =	vsel vm1, v3, v6  }
0x9a: {  	v2 =	vmin.f32 v2, $8.192000000e+03;
	v6 =	vsel vm0, $0x46080000, v0;
	v14 =	vtrunc.f32 v14  }
0x9b: {  	v9 =	vcvt.f32.s32 v13;
	v3 =	vadd.f32 $7.372799800e+03, v3;
	v7 =	vtrunc.f32 v7  }
0x9c: {  	v2 =	vadd.f32 v2, v6;
	v4 =	vtrunc.f32 v8;
	v6 =	vcvt.f32.s32 v7  }
0x9d: {  	v7 =	vcvt.f32.s32 v14;
	v8 =	vsel vm1, $0x46080000, v0;
	v3 =	vmax.f32 v3, $0.0e+00  }
0x9e: {  	v5 =	vtrunc.f32 v5;
	v4 =	vcvt.f32.s32 v4;
	v3 =	vmin.f32 v3, $8.192000000e+03  }
0x9f: {  	v2 =	vtrunc.f32 v2;
	v5 =	vcvt.f32.s32 v5;
	v3 =	vadd.f32 v3, v8  }
0xa0: {  	[tilespmem:v12+s2+$0x0] =	vst.idx.add.f32.msk $0xffff, v1;
	v2 =	vcvt.f32.s32 v2;
	v8 =	vtrunc.f32 v10  }
0xa1: {  	v8 =	vcvt.f32.s32 v8;
	[tilespmem:v9+s2+$0x0] =	vst.idx.add.f32.msk $0xffff, v1;
	v3 =	vtrunc.f32 v3  }
0xa2: {  	v3 =	vcvt.f32.s32 v3;
	[tilespmem:v6+s2+$0x0] =	vst.idx.add.f32.msk $0xffff, v1  }
0xa3: {  	[tilespmem:v7+s2+$0x0] =	vst.idx.add.f32.msk $0xffff, v1  }
0xa4: {  	[tilespmem:v4+s2+$0x0] =	vst.idx.add.f32.msk $0xffff, v1  }
0xa5: {  	[tilespmem:v5+s2+$0x0] =	vst.idx.add.f32.msk $0xffff, v1  }
0xa6: {  	[tilespmem:v2+s2+$0x0] =	vst.idx.add.f32.msk $0xffff, v1  }
0xa7: {  	[tilespmem:v8+s2+$0x0] =	vst.idx.add.f32.msk $0xffff, v1  }
0xa8: {  	s3 =	simm.s32 $0x0;
	[tilespmem:v3+s2+$0x0] =	vst.idx.add.f32.msk $0xffff, v1  }
0xa9: {  	[tilespmem:s21], [sflag:$0x1] =	stream.linear.gather [hbm4b:s9+s3], $0x4000, $0x38;
	[tilespmem:$0x1C400] =	vst v63  }
0xaa: {  	_ = 	snop  }
0xab: {  	[tilespmem:s22], [sflag:$0x4] =	stream.linear.gather [hbm4b:s10+s3], $0x4000, $0x38;
	[tilespmem:$0x1C400] =	vst v63  }
0xac: {  	_ =	swait.ge [sflag:s30], $0x4000  }
0xad: {  	[sflag:s30] =	ssyncset.done $0x0  }
0xae: {  	s4 =	simm.s32 $0x0;
	s5 =	simm.s32 $0x0;
	[sflag:s30] =	ssyncadd.s32 $0xFFFFC000  }
0xaf: {  	s4 =	sand.u32 $0x3000, s4;
	s3 =	sand.u32 $0xC00, s3;
	_ =	swait.ge [sflag:s31], $0x4000  }
0xb0: {  	s5 =	sand.u32 $0x380, s5;
	s3 =	sor.u32 s3, s4;
	[sflag:s31] =	ssyncset.done $0x0  }
0xb1: {  	s4 =	sor.u32 s5, s3;
	[sflag:s31] =	ssyncadd.s32 $0xFFFFC000  }
0xb2: {  	v2 =	vld [tilespmem:s4+$0x14460]  }
0xb3: {  	v3 =	vld [tilespmem:s4+$0x14450]  }
0xb4: {  	v4 =	vld [tilespmem:s4+$0x8470]  }
0xb5: {  	v5 =	vld [tilespmem:s4+$0x14420]  }
0xb6: {  	v6 =	vld [tilespmem:s4+$0x14410]  }
0xb7: {  	v7 =	vld [tilespmem:s4+$0x14440]  }
0xb8: {  	v8 =	vld [tilespmem:s4+$0x8440]  }
0xb9: {  	v9 =	vld [tilespmem:s4+$0x14470]  }
0xba: {  	v10 =	vld [tilespmem:s4+$0x8450]  }
0xbb: {  	v11 =	vld [tilespmem:s4+$0x8400]  }
0xbc: {  	v12 =	vld [tilespmem:s4+$0x8420]  }
0xbd: {  	v13 =	vld [tilespmem:s4+$0x8460]  }
0xbe: {  	v4 =	vmul.f32 $8.192000120e+02, v4  }
0xbf: {  	vm1 =	vgt.s32 v3, $0x0;
	vm5 =	vgt.s32 v2, $0x0;
	vm3 =	vgt.s32 v5, $0x0  }
0xc0: {  	vm0 =	vgt.s32 v9, $0x0;
	v5 =	vmul.f32 $8.192000120e+02, v8;
	vm4 =	vgt.s32 v6, $0x0  }
0xc1: {  	v3 =	vld [tilespmem:s4+$0x8410];
	v9 =	vmul.f32 $8.192000120e+02, v10;
	vm2 =	vgt.s32 v7, $0x0;
	v10 =	vmul.f32 $8.192000120e+02, v12  }
0xc2: {  	v8 =	vld [tilespmem:s4+$0x8430];
	v12 =	vmul.f32 $8.192000120e+02, v13;
	v11 =	vmul.f32 $8.192000120e+02, v11;
	vm1 =	vmmov vm1  }
0xc3: {  	v7 =	vsel vm5, $0x46080000, v0;
	v2 =	vxor.u32 $0x80000000, v4;
	v6 =	vxor.u32 $0x80000000, v5  }
0xc4: {  	v13 =	vxor.u32 $0x80000000, v10;
	v15 =	vxor.u32 $0x80000000, v11;
	v2 =	vsel vm0, v4, v2  }
0xc5: {  	v5 =	vsel vm2, v5, v6;
	v6 =	vxor.u32 $0x80000000, v9;
	v10 =	vsel vm3, v10, v13  }
0xc6: {  	s7 =	simm.s32 $0x80;
	s3 =	simm.s32 $0x400;
	v4 =	vld [tilespmem:s4+$0x14430];
	v5 =	vadd.f32 $7.372799800e+03, v5;
	v10 =	vadd.f32 $7.372799800e+03, v10;
	v6 =	vsel vm1, v9, v6  }
0xc7: {  	s6 =	simm.s32 $0x20;
	s5 =	sand.u32 $0x3000, s7;
	s7 =	sand.u32 $0xC00, s3;
	v2 =	vadd.f32 $7.372799800e+03, v2;
	v3 =	vmul.f32 $8.192000120e+02, v3;
	v8 =	vmul.f32 $8.192000120e+02, v8  }
0xc8: {  	s6 =	sand.u32 $0x380, s6;
	s5 =	sor.u32 s7, s5;
	v6 =	vadd.f32 $7.372799800e+03, v6;
	v5 =	vmax.f32 v5, $0.0e+00;
	v10 =	vmax.f32 v10, $0.0e+00  }
0xc9: {  	s5 =	sor.u32 s6, s5;
	v2 =	vmax.f32 v2, $0.0e+00;
	v14 =	vxor.u32 $0x80000000, v8;
	v13 =	vxor.u32 $0x80000000, v3  }
0xca: {  	v17 =	vld [tilespmem:s5+$0x14410];
	v5 =	vmin.f32 v5, $8.192000000e+03;
	v10 =	vmin.f32 v10, $8.192000000e+03;
	v6 =	vmax.f32 v6, $0.0e+00  }
0xcb: {  	v16 =	vld [tilespmem:s4+$0x14400];
	v2 =	vmin.f32 v2, $8.192000000e+03;
	vm6 =	vgt.s32 v4, $0x0;
	v4 =	vsel vm4, $0x46080000, v0  }
0xcc: {  	v3 =	vsel vm4, v3, v13;
	v13 =	vsel vm2, $0x46080000, v0;
	v6 =	vmin.f32 v6, $8.192000000e+03  }
0xcd: {  	v8 =	vsel vm6, v8, v14;
	v14 =	vxor.u32 $0x80000000, v12;
	v3 =	vadd.f32 $7.372799800e+03, v3  }
0xce: {  	v5 =	vadd.f32 v5, v13;
	v9 =	vsel vm5, v12, v14;
	v12 =	vsel vm3, $0x46080000, v0  }
0xcf: {  	v21 =	vld [tilespmem:s5+$0x8420];
	v14 =	vsel vm6, $0x46080000, v0;
	v8 =	vadd.f32 $7.372799800e+03, v8;
	vm5 =	vgt.s32 v17, $0x0  }
0xd0: {  	v13 =	vld [tilespmem:s5+$0x14460];
	vm6 =	vgt.s32 v16, $0x0;
	v10 =	vadd.f32 v10, v12;
	v9 =	vadd.f32 $7.372799800e+03, v9  }
0xd1: {  	v23 =	vld [tilespmem:s5+$0x8410];
	v3 =	vmax.f32 v3, $0.0e+00;
	v16 =	vsel vm6, $0x46080000, v0;
	v8 =	vmax.f32 v8, $0.0e+00  }
0xd2: {  	v12 =	vld [tilespmem:s5+$0x14450];
	v3 =	vmin.f32 v3, $8.192000000e+03;
	v8 =	vmin.f32 v8, $8.192000000e+03;
	v10 =	vtrunc.f32 v10  }
0xd3: {  	v24 =	vld [tilespmem:s5+$0x14430];
	v9 =	vmax.f32 v9, $0.0e+00;
	v3 =	vadd.f32 v3, v4;
	v4 =	vtrunc.f32 v5  }
0xd4: {  	v5 =	vld [tilespmem:s5+$0x14420];
	v8 =	vadd.f32 v8, v14;
	v9 =	vmin.f32 v9, $8.192000000e+03;
	v18 =	vcvt.f32.s32 v4  }
0xd5: {  	v14 =	vld [tilespmem:s5+$0x8470];
	v10 =	vcvt.f32.s32 v10;
	vm2 =	vgt.s32 v13, $0x0;
	v4 =	vadd.f32 v9, v7  }
0xd6: {  	v3 =	vtrunc.f32 v3;
	v7 =	vld [tilespmem:s5+$0x14440];
	v9 =	vsel vm1, $0x46080000, v0;
	v8 =	vtrunc.f32 v8  }
0xd7: {  	vm4 =	vgt.s32 v12, $0x0;
	v3 =	vcvt.f32.s32 v3;
	v12 =	vld [tilespmem:s5+$0x8440];
	v6 =	vadd.f32 v6, v9  }
0xd8: {  	v9 =	vld [tilespmem:s5+$0x8450];
	v19 =	vcvt.f32.s32 v8;
	v4 =	vtrunc.f32 v4;
	vm1 =	vmmov vm4  }
0xd9: {  	v8 =	vld [tilespmem:s5+$0x14470];
	v20 =	vcvt.f32.s32 v4;
	v6 =	vtrunc.f32 v6;
	vm3 =	vgt.s32 v5, $0x0  }
0xda: {  	v13 =	vld [tilespmem:s5+$0x8400];
	v5 =	vsel vm2, $0x46080000, v0;
	v4 =	vmul.f32 $8.192000120e+02, v14;
	v14 =	vsel vm0, $0x46080000, v0  }
0xdb: {  	v6 =	vcvt.f32.s32 v6;
	v2 =	vadd.f32 v2, v14;
	vm4 =	vgt.s32 v7, $0x0  }
0xdc: {  	v7 =	vsel vm6, v11, v15;
	[tilespmem:v10+s2+$0x0] =	vst.idx.add.f32.msk $0xffff, v1;
	v10 =	vmul.f32 $8.192000120e+02, v21;
	vm6 =	vgt.s32 v24, $0x0  }
0xdd: {  	v17 =	vld [tilespmem:s5+$0x8430];
	v12 =	vmul.f32 $8.192000120e+02, v12;
	v7 =	vadd.f32 $7.372799800e+03, v7;
	v2 =	vtrunc.f32 v2  }
0xde: {  	v14 =	vld [tilespmem:s5+$0x8460];
	vm0 =	vgt.s32 v8, $0x0;
	v8 =	vmul.f32 $8.192000120e+02, v9;
	v9 =	vmul.f32 $8.192000120e+02, v23  }
0xdf: {  	v22 =	vxor.u32 $0x80000000, v4;
	[tilespmem:v3+s2+$0x0] =	vst.idx.add.f32.msk $0xffff, v1;
	v3 =	vmul.f32 $8.192000120e+02, v13;
	v62 =	vcvt.f32.s32 v2  }
0xe0: {  	v4 =	vsel vm0, v4, v22;
	v25 =	vxor.u32 $0x80000000, v12;
	[tilespmem:v19+s2+$0x0] =	vst.idx.add.f32.msk $0xffff, v1;
	v19 =	vmax.f32 v7, $0.0e+00  }
0xe1: {  	[tilespmem:v18+s2+$0x0] =	vst.idx.add.f32.msk $0xffff, v1;
	v7 =	vsel vm5, $0x46080000, v0;
	v15 =	vsel vm4, v12, v25;
	v12 =	vxor.u32 $0x80000000, v8  }
0xe2: {  	v13 =	vxor.u32 $0x80000000, v9;
	v19 =	vmin.f32 v19, $8.192000000e+03;
	[tilespmem:v6+s2+$0x0] =	vst.idx.add.f32.msk $0xffff, v1;
	v6 =	vadd.f32 $7.372799800e+03, v15  }
0xe3: {  	v2 =	vld [tilespmem:s5+$0x14400];
	v11 =	vmul.f32 $8.192000120e+02, v14;
	v14 =	vmul.f32 $8.192000120e+02, v17;
	v17 =	vxor.u32 $0x80000000, v10  }
0xe4: {  	[tilespmem:v20+s2+$0x0] =	vst.idx.add.f32.msk $0xffff, v1;
	v16 =	vadd.f32 v19, v16;
	v17 =	vsel vm3, v10, v17;
	v63 =	vmax.f32 v6, $0.0e+00  }
0xe5: {  	s4 =	simm.s32 $0x8;
	v15 =	vxor.u32 $0x80000000, v14;
	v6 =	vxor.u32 $0x80000000, v3;
	v10 =	vmin.f32 v63, $8.192000000e+03;
	[tilespmem:v62+s2+$0x0] =	vst.idx.add.f32.msk $0xffff, v1  }
.LBB2_6:
0xe6: {  	s4 =	sadd.s32 $0x8, s4;
	v17 =	vadd.f32 $7.372799800e+03, v17;
	v14 =	vsel vm6, v14, v15;
	v15 =	vxor.u32 $0x80000000, v11;
	s3 =	sadd.s32 $0x400, s3  }
0xe7: {  	v8 =	vsel vm1, v8, v12;
	s5 =	sshll.u32 s4, $0x4;
	s6 =	sshll.u32 s4, $0x2;
	p0 =	slt.u32 s4, $0x3F8;
	v11 =	vsel vm2, v11, v15;
	v12 =	vtrunc.f32 v16  }
0xe8: {  	s7 =	sand.u32 $0xC00, s3;
	v16 =	vsel vm3, $0x46080000, v0;
	s5 =	sand.u32 $0x3000, s5;
	s6 =	sand.u32 $0x380, s6;
	v15 =	vmax.f32 v17, $0.0e+00;
	v12 =	vcvt.f32.s32 v12  }
0xe9: {  	v8 =	vadd.f32 $7.372799800e+03, v8;
	v17 =	vsel vm6, $0x46080000, v0;
	s5 =	sor.u32 s7, s5;
	v15 =	vmin.f32 v15, $8.192000000e+03  }
0xea: {  	v9 =	vsel vm5, v9, v13;
	v14 =	vadd.f32 $7.372799800e+03, v14;
	s5 =	sor.u32 s6, s5;
	v13 =	vadd.f32 v15, v16  }
0xeb: {  	v9 =	vadd.f32 $7.372799800e+03, v9;
	v11 =	vadd.f32 $7.372799800e+03, v11;
	v8 =	vmax.f32 v8, $0.0e+00;
	v15 =	vld [tilespmem:s5+$0x14460]  }
0xec: {  	v18 =	vsel vm4, $0x46080000, v0;
	v14 =	vmax.f32 v14, $0.0e+00;
	v16 =	vld [tilespmem:s5+$0x14450];
	v13 =	vtrunc.f32 v13  }
0xed: {  	v10 =	vadd.f32 v10, v18;
	v9 =	vmax.f32 v9, $0.0e+00;
	v14 =	vmin.f32 v14, $8.192000000e+03;
	v19 =	vld [tilespmem:s5+$0x8470]  }
0xee: {  	v9 =	vmin.f32 v9, $8.192000000e+03;
	v11 =	vmax.f32 v11, $0.0e+00;
	v14 =	vadd.f32 v14, v17;
	[tilespmem:v12+s2+$0x0] =	vst.idx.add.f32.msk $0xffff, v1  }
0xef: {  	v7 =	vadd.f32 v9, v7;
	v9 =	vtrunc.f32 v10;
	v10 =	vmin.f32 v11, $8.192000000e+03;
	v12 =	vld [tilespmem:s5+$0x14420]  }
0xf0: {  	v18 =	vcvt.f32.s32 v9;
	v5 =	vadd.f32 v10, v5;
	v14 =	vtrunc.f32 v14;
	v11 =	vld [tilespmem:s5+$0x14410]  }
0xf1: {  	v4 =	vadd.f32 $7.372799800e+03, v4;
	v7 =	vtrunc.f32 v7;
	v9 =	vld [tilespmem:s5+$0x14440];
	vm4 =	vgt.s32 v16, $0x0  }
0xf2: {  	v7 =	vcvt.f32.s32 v7;
	v16 =	vcvt.f32.s32 v14;
	v10 =	vld [tilespmem:s5+$0x8440]  }
0xf3: {  	v8 =	vmin.f32 v8, $8.192000000e+03;
	v17 =	vsel vm1, $0x46080000, v0;
	v5 =	vtrunc.f32 v5;
	v14 =	vld [tilespmem:s5+$0x14470]  }
0xf4: {  	v8 =	vadd.f32 v8, v17;
	v13 =	vcvt.f32.s32 v13;
	v17 =	vcvt.f32.s32 v5;
	v20 =	vld [tilespmem:s5+$0x14400]  }
0xf5: {  	v4 =	vmax.f32 v4, $0.0e+00;
	vm2 =	vgt.s32 v15, $0x0;
	v5 =	vmul.f32 $8.192000120e+02, v19;
	v21 =	vld [tilespmem:s5+$0x8450]  }
0xf6: {  	v4 =	vmin.f32 v4, $8.192000000e+03;
	v8 =	vtrunc.f32 v8;
	v19 =	vsel vm0, $0x46080000, v0;
	v15 =	vld [tilespmem:s5+$0x8400]  }
0xf7: {  	v24 =	vcvt.f32.s32 v8;
	v8 =	vadd.f32 v4, v19;
	v23 =	vxor.u32 $0x80000000, v5;
	v22 =	vld [tilespmem:s5+$0x8420]  }
0xf8: {  	vm1 =	vmmov vm4;
	vm3 =	vgt.s32 v12, $0x0;
	v19 =	vld [tilespmem:s5+$0x8460];
	vm0 =	vgt.s32 v14, $0x0  }
0xf9: {  	v8 =	vtrunc.f32 v8;
	v10 =	vmul.f32 $8.192000120e+02, v10;
	v12 =	vld [tilespmem:s5+$0x8410];
	v4 =	vsel vm0, v5, v23  }
0xfa: {  	vm5 =	vgt.s32 v11, $0x0;
	v5 =	vsel vm2, $0x46080000, v0;
	v23 =	vcvt.f32.s32 v8;
	v14 =	vld [tilespmem:s5+$0x8430]  }
0xfb: {  	vm6 =	vgt.s32 v2, $0x0;
	v11 =	vxor.u32 $0x80000000, v10;
	v2 =	vmovc v20;
	v8 =	vmul.f32 $8.192000120e+02, v21;
	v25 =	vld [tilespmem:s5+$0x14430]  }
0xfc: {  	v3 =	vsel vm6, v3, v6;
	vm4 =	vgt.s32 v9, $0x0;
	v20 =	vsel vm6, $0x46080000, v0;
	[tilespmem:v13+s2+$0x0] =	vst.idx.add.f32.msk $0xffff, v1  }
0xfd: {  	v10 =	vsel vm4, v10, v11;
	v6 =	vmul.f32 $8.192000120e+02, v22;
	v13 =	vadd.f32 $7.372799800e+03, v3;
	[tilespmem:v24+s2+$0x0] =	vst.idx.add.f32.msk $0xffff, v1  }
0xfe: {  	v11 =	vmul.f32 $8.192000120e+02, v19;
	v9 =	vmul.f32 $8.192000120e+02, v12;
	v12 =	vxor.u32 $0x80000000, v8;
	[tilespmem:v7+s2+$0x0] =	vst.idx.add.f32.msk $0xffff, v1  }
.Ltmp2:
0xff: {  	v10 =	vadd.f32 $7.372799800e+03, v10;
	v3 =	vmul.f32 $8.192000120e+02, v15;
	v14 =	vmul.f32 $8.192000120e+02, v14;
	[tilespmem:v16+s2+$0x0] =	vst.idx.add.f32.msk $0xffff, v1;
	(pc) =	sbr.rel @p0 .LBB2_6-.Ltmp2, $4  }
0x100: {  	v19 =	vmax.f32 v13, $0.0e+00;
	v16 =	vxor.u32 $0x80000000, v6;
	vm6 =	vgt.s32 v25, $0x0;
	[tilespmem:v23+s2+$0x0] =	vst.idx.add.f32.msk $0xffff, v1  }
0x101: {  	v10 =	vmax.f32 v10, $0.0e+00;
	v7 =	vsel vm5, $0x46080000, v0;
	v15 =	vxor.u32 $0x80000000, v14;
	[tilespmem:v17+s2+$0x0] =	vst.idx.add.f32.msk $0xffff, v1  }
0x102: {  	v13 =	vxor.u32 $0x80000000, v9;
	v17 =	vsel vm3, v6, v16;
	v16 =	vmin.f32 v19, $8.192000000e+03;
	[tilespmem:v18+s2+$0x0] =	vst.idx.add.f32.msk $0xffff, v1  }
0x103: {  	v10 =	vmin.f32 v10, $8.192000000e+03;
	v6 =	vxor.u32 $0x80000000, v3;
	v16 =	vadd.f32 v16, v20  }
0x104: {  	v17 =	vadd.f32 $7.372799800e+03, v17  }
0x105: {  	v14 =	vsel vm6, v14, v15;
	v15 =	vxor.u32 $0x80000000, v11;
	v8 =	vsel vm1, v8, v12  }
0x106: {  	v9 =	vsel vm5, v9, v13;
	v4 =	vadd.f32 $7.372799800e+03, v4;
	v11 =	vsel vm2, v11, v15  }
0x107: {  	v12 =	vtrunc.f32 v16;
	v16 =	vsel vm3, $0x46080000, v0;
	v8 =	vadd.f32 $7.372799800e+03, v8  }
0x108: {  	v14 =	vadd.f32 $7.372799800e+03, v14;
	v9 =	vadd.f32 $7.372799800e+03, v9;
	v15 =	vmax.f32 v17, $0.0e+00  }
0x109: {  	v12 =	vcvt.f32.s32 v12;
	v11 =	vadd.f32 $7.372799800e+03, v11;
	v15 =	vmin.f32 v15, $8.192000000e+03  }
0x10a: {  	v8 =	vmax.f32 v8, $0.0e+00;
	v14 =	vmax.f32 v14, $0.0e+00;
	v9 =	vmax.f32 v9, $0.0e+00  }
0x10b: {  	v13 =	vadd.f32 v15, v16;
	v15 =	vsel vm6, $0x46080000, v0;
	v16 =	vsel vm4, $0x46080000, v0  }
0x10c: {  	v14 =	vmin.f32 v14, $8.192000000e+03;
	v9 =	vmin.f32 v9, $8.192000000e+03;
	v11 =	vmax.f32 v11, $0.0e+00  }
0x10d: {  	v8 =	vmin.f32 v8, $8.192000000e+03;
	v10 =	vadd.f32 v10, v16;
	v14 =	vadd.f32 v14, v15  }
0x10e: {  	v7 =	vadd.f32 v9, v7;
	v9 =	vmin.f32 v11, $8.192000000e+03;
	v11 =	vsel vm1, $0x46080000, v0  }
0x10f: {  	vm1 =	vgt.s32 v2, $0x0;
	v2 =	vmax.f32 v4, $0.0e+00;
	v13 =	vtrunc.f32 v13  }
0x110: {  	v8 =	vadd.f32 v8, v11;
	v5 =	vadd.f32 v9, v5;
	v3 =	vsel vm1, v3, v6  }
0x111: {  	v2 =	vmin.f32 v2, $8.192000000e+03;
	v6 =	vsel vm0, $0x46080000, v0;
	v14 =	vtrunc.f32 v14  }
0x112: {  	v9 =	vcvt.f32.s32 v13;
	v3 =	vadd.f32 $7.372799800e+03, v3;
	v7 =	vtrunc.f32 v7  }
0x113: {  	v2 =	vadd.f32 v2, v6;
	v4 =	vtrunc.f32 v8;
	v6 =	vcvt.f32.s32 v7  }
0x114: {  	v7 =	vcvt.f32.s32 v14;
	v8 =	vsel vm1, $0x46080000, v0;
	v3 =	vmax.f32 v3, $0.0e+00  }
0x115: {  	v5 =	vtrunc.f32 v5;
	v4 =	vcvt.f32.s32 v4;
	v3 =	vmin.f32 v3, $8.192000000e+03  }
0x116: {  	v2 =	vtrunc.f32 v2;
	v5 =	vcvt.f32.s32 v5;
	v3 =	vadd.f32 v3, v8  }
0x117: {  	[tilespmem:v12+s2+$0x0] =	vst.idx.add.f32.msk $0xffff, v1;
	v2 =	vcvt.f32.s32 v2;
	v8 =	vtrunc.f32 v10  }
0x118: {  	v8 =	vcvt.f32.s32 v8;
	[tilespmem:v9+s2+$0x0] =	vst.idx.add.f32.msk $0xffff, v1;
	v3 =	vtrunc.f32 v3  }
0x119: {  	v3 =	vcvt.f32.s32 v3;
	[tilespmem:v6+s2+$0x0] =	vst.idx.add.f32.msk $0xffff, v1  }
0x11a: {  	[tilespmem:v7+s2+$0x0] =	vst.idx.add.f32.msk $0xffff, v1  }
0x11b: {  	[tilespmem:v4+s2+$0x0] =	vst.idx.add.f32.msk $0xffff, v1  }
0x11c: {  	[tilespmem:v5+s2+$0x0] =	vst.idx.add.f32.msk $0xffff, v1  }
0x11d: {  	[tilespmem:v2+s2+$0x0] =	vst.idx.add.f32.msk $0xffff, v1  }
0x11e: {  	[tilespmem:v8+s2+$0x0] =	vst.idx.add.f32.msk $0xffff, v1  }
0x11f: {  	s3 =	simm.s32 $0x0;
	[tilespmem:v3+s2+$0x0] =	vst.idx.add.f32.msk $0xffff, v1  }
0x120: {  	[tilespmem:s23], [sflag:$0x2] =	stream.linear.gather [hbm4b:s11+s3], $0x4000, $0x38;
	[tilespmem:$0x1C400] =	vst v63  }
0x121: {  	_ = 	snop  }
0x122: {  	[tilespmem:s24], [sflag:$0x5] =	stream.linear.gather [hbm4b:s12+s3], $0x4000, $0x38;
	[tilespmem:$0x1C400] =	vst v63  }
0x123: {  	_ =	swait.ge [sflag:s1], $0x4000  }
0x124: {  	[sflag:s1] =	ssyncset.done $0x0  }
0x125: {  	s4 =	simm.s32 $0x0;
	s5 =	simm.s32 $0x0;
	[sflag:s1] =	ssyncadd.s32 $0xFFFFC000  }
0x126: {  	s4 =	sand.u32 $0x3000, s4;
	s3 =	sand.u32 $0xC00, s3;
	_ =	swait.ge [sflag:s0], $0x4000  }
0x127: {  	s5 =	sand.u32 $0x380, s5;
	s3 =	sor.u32 s3, s4;
	[sflag:s0] =	ssyncset.done $0x0  }
0x128: {  	s4 =	sor.u32 s5, s3;
	[sflag:s0] =	ssyncadd.s32 $0xFFFFC000  }
0x129: {  	v2 =	vld [tilespmem:s4+$0x18460]  }
0x12a: {  	v3 =	vld [tilespmem:s4+$0x18450]  }
0x12b: {  	v4 =	vld [tilespmem:s4+$0xC470]  }
0x12c: {  	v5 =	vld [tilespmem:s4+$0x18420]  }
0x12d: {  	v6 =	vld [tilespmem:s4+$0x18410]  }
0x12e: {  	v7 =	vld [tilespmem:s4+$0x18440]  }
0x12f: {  	v8 =	vld [tilespmem:s4+$0xC440]  }
0x130: {  	v9 =	vld [tilespmem:s4+$0x18470]  }
0x131: {  	v10 =	vld [tilespmem:s4+$0xC450]  }
0x132: {  	v11 =	vld [tilespmem:s4+$0xC400]  }
0x133: {  	v12 =	vld [tilespmem:s4+$0xC420]  }
0x134: {  	v13 =	vld [tilespmem:s4+$0xC460]  }
0x135: {  	v4 =	vmul.f32 $8.192000120e+02, v4  }
0x136: {  	vm1 =	vgt.s32 v3, $0x0;
	vm5 =	vgt.s32 v2, $0x0;
	vm3 =	vgt.s32 v5, $0x0  }
0x137: {  	vm0 =	vgt.s32 v9, $0x0;
	v5 =	vmul.f32 $8.192000120e+02, v8;
	vm4 =	vgt.s32 v6, $0x0  }
0x138: {  	v3 =	vld [tilespmem:s4+$0xC410];
	v9 =	vmul.f32 $8.192000120e+02, v10;
	vm2 =	vgt.s32 v7, $0x0;
	v10 =	vmul.f32 $8.192000120e+02, v12  }
0x139: {  	v8 =	vld [tilespmem:s4+$0xC430];
	v12 =	vmul.f32 $8.192000120e+02, v13;
	v11 =	vmul.f32 $8.192000120e+02, v11;
	vm1 =	vmmov vm1  }
0x13a: {  	v7 =	vsel vm5, $0x46080000, v0;
	v2 =	vxor.u32 $0x80000000, v4;
	v6 =	vxor.u32 $0x80000000, v5  }
0x13b: {  	v13 =	vxor.u32 $0x80000000, v10;
	v15 =	vxor.u32 $0x80000000, v11;
	v2 =	vsel vm0, v4, v2  }
0x13c: {  	v5 =	vsel vm2, v5, v6;
	v6 =	vxor.u32 $0x80000000, v9;
	v10 =	vsel vm3, v10, v13  }
0x13d: {  	s7 =	simm.s32 $0x80;
	s3 =	simm.s32 $0x400;
	v4 =	vld [tilespmem:s4+$0x18430];
	v5 =	vadd.f32 $7.372799800e+03, v5;
	v10 =	vadd.f32 $7.372799800e+03, v10;
	v6 =	vsel vm1, v9, v6  }
0x13e: {  	s6 =	simm.s32 $0x20;
	s5 =	sand.u32 $0x3000, s7;
	s7 =	sand.u32 $0xC00, s3;
	v2 =	vadd.f32 $7.372799800e+03, v2;
	v3 =	vmul.f32 $8.192000120e+02, v3;
	v8 =	vmul.f32 $8.192000120e+02, v8  }
0x13f: {  	s6 =	sand.u32 $0x380, s6;
	s5 =	sor.u32 s7, s5;
	v6 =	vadd.f32 $7.372799800e+03, v6;
	v5 =	vmax.f32 v5, $0.0e+00;
	v10 =	vmax.f32 v10, $0.0e+00  }
0x140: {  	s5 =	sor.u32 s6, s5;
	v2 =	vmax.f32 v2, $0.0e+00;
	v14 =	vxor.u32 $0x80000000, v8;
	v13 =	vxor.u32 $0x80000000, v3  }
0x141: {  	v17 =	vld [tilespmem:s5+$0x18410];
	v5 =	vmin.f32 v5, $8.192000000e+03;
	v10 =	vmin.f32 v10, $8.192000000e+03;
	v6 =	vmax.f32 v6, $0.0e+00  }
0x142: {  	v16 =	vld [tilespmem:s4+$0x18400];
	v2 =	vmin.f32 v2, $8.192000000e+03;
	vm6 =	vgt.s32 v4, $0x0;
	v4 =	vsel vm4, $0x46080000, v0  }
0x143: {  	v3 =	vsel vm4, v3, v13;
	v13 =	vsel vm2, $0x46080000, v0;
	v6 =	vmin.f32 v6, $8.192000000e+03  }
0x144: {  	v8 =	vsel vm6, v8, v14;
	v14 =	vxor.u32 $0x80000000, v12;
	v3 =	vadd.f32 $7.372799800e+03, v3  }
0x145: {  	v5 =	vadd.f32 v5, v13;
	v9 =	vsel vm5, v12, v14;
	v12 =	vsel vm3, $0x46080000, v0  }
0x146: {  	v21 =	vld [tilespmem:s5+$0xC420];
	v14 =	vsel vm6, $0x46080000, v0;
	v8 =	vadd.f32 $7.372799800e+03, v8;
	vm5 =	vgt.s32 v17, $0x0  }
0x147: {  	v13 =	vld [tilespmem:s5+$0x18460];
	vm6 =	vgt.s32 v16, $0x0;
	v10 =	vadd.f32 v10, v12;
	v9 =	vadd.f32 $7.372799800e+03, v9  }
0x148: {  	v23 =	vld [tilespmem:s5+$0xC410];
	v3 =	vmax.f32 v3, $0.0e+00;
	v16 =	vsel vm6, $0x46080000, v0;
	v8 =	vmax.f32 v8, $0.0e+00  }
0x149: {  	v12 =	vld [tilespmem:s5+$0x18450];
	v3 =	vmin.f32 v3, $8.192000000e+03;
	v8 =	vmin.f32 v8, $8.192000000e+03;
	v10 =	vtrunc.f32 v10  }
0x14a: {  	v24 =	vld [tilespmem:s5+$0x18430];
	v9 =	vmax.f32 v9, $0.0e+00;
	v3 =	vadd.f32 v3, v4;
	v4 =	vtrunc.f32 v5  }
0x14b: {  	v5 =	vld [tilespmem:s5+$0x18420];
	v8 =	vadd.f32 v8, v14;
	v9 =	vmin.f32 v9, $8.192000000e+03;
	v18 =	vcvt.f32.s32 v4  }
0x14c: {  	v14 =	vld [tilespmem:s5+$0xC470];
	v10 =	vcvt.f32.s32 v10;
	vm2 =	vgt.s32 v13, $0x0;
	v4 =	vadd.f32 v9, v7  }
0x14d: {  	v3 =	vtrunc.f32 v3;
	v7 =	vld [tilespmem:s5+$0x18440];
	v9 =	vsel vm1, $0x46080000, v0;
	v8 =	vtrunc.f32 v8  }
0x14e: {  	vm4 =	vgt.s32 v12, $0x0;
	v3 =	vcvt.f32.s32 v3;
	v12 =	vld [tilespmem:s5+$0xC440];
	v6 =	vadd.f32 v6, v9  }
0x14f: {  	v9 =	vld [tilespmem:s5+$0xC450];
	v19 =	vcvt.f32.s32 v8;
	v4 =	vtrunc.f32 v4;
	vm1 =	vmmov vm4  }
0x150: {  	v8 =	vld [tilespmem:s5+$0x18470];
	v20 =	vcvt.f32.s32 v4;
	v6 =	vtrunc.f32 v6;
	vm3 =	vgt.s32 v5, $0x0  }
0x151: {  	v13 =	vld [tilespmem:s5+$0xC400];
	v5 =	vsel vm2, $0x46080000, v0;
	v4 =	vmul.f32 $8.192000120e+02, v14;
	v14 =	vsel vm0, $0x46080000, v0  }
0x152: {  	v6 =	vcvt.f32.s32 v6;
	v2 =	vadd.f32 v2, v14;
	vm4 =	vgt.s32 v7, $0x0  }
0x153: {  	v7 =	vsel vm6, v11, v15;
	[tilespmem:v10+s2+$0x0] =	vst.idx.add.f32.msk $0xffff, v1;
	v10 =	vmul.f32 $8.192000120e+02, v21;
	vm6 =	vgt.s32 v24, $0x0  }
0x154: {  	v17 =	vld [tilespmem:s5+$0xC430];
	v12 =	vmul.f32 $8.192000120e+02, v12;
	v7 =	vadd.f32 $7.372799800e+03, v7;
	v2 =	vtrunc.f32 v2  }
0x155: {  	v14 =	vld [tilespmem:s5+$0xC460];
	vm0 =	vgt.s32 v8, $0x0;
	v8 =	vmul.f32 $8.192000120e+02, v9;
	v9 =	vmul.f32 $8.192000120e+02, v23  }
0x156: {  	v22 =	vxor.u32 $0x80000000, v4;
	[tilespmem:v3+s2+$0x0] =	vst.idx.add.f32.msk $0xffff, v1;
	v3 =	vmul.f32 $8.192000120e+02, v13;
	v62 =	vcvt.f32.s32 v2  }
0x157: {  	v4 =	vsel vm0, v4, v22;
	v25 =	vxor.u32 $0x80000000, v12;
	[tilespmem:v19+s2+$0x0] =	vst.idx.add.f32.msk $0xffff, v1;
	v19 =	vmax.f32 v7, $0.0e+00  }
0x158: {  	[tilespmem:v18+s2+$0x0] =	vst.idx.add.f32.msk $0xffff, v1;
	v7 =	vsel vm5, $0x46080000, v0;
	v15 =	vsel vm4, v12, v25;
	v12 =	vxor.u32 $0x80000000, v8  }
0x159: {  	v13 =	vxor.u32 $0x80000000, v9;
	v19 =	vmin.f32 v19, $8.192000000e+03;
	[tilespmem:v6+s2+$0x0] =	vst.idx.add.f32.msk $0xffff, v1;
	v6 =	vadd.f32 $7.372799800e+03, v15  }
0x15a: {  	v2 =	vld [tilespmem:s5+$0x18400];
	v11 =	vmul.f32 $8.192000120e+02, v14;
	v14 =	vmul.f32 $8.192000120e+02, v17;
	v17 =	vxor.u32 $0x80000000, v10  }
0x15b: {  	[tilespmem:v20+s2+$0x0] =	vst.idx.add.f32.msk $0xffff, v1;
	v16 =	vadd.f32 v19, v16;
	v17 =	vsel vm3, v10, v17;
	v63 =	vmax.f32 v6, $0.0e+00  }
0x15c: {  	s4 =	simm.s32 $0x8;
	v15 =	vxor.u32 $0x80000000, v14;
	v6 =	vxor.u32 $0x80000000, v3;
	v10 =	vmin.f32 v63, $8.192000000e+03;
	[tilespmem:v62+s2+$0x0] =	vst.idx.add.f32.msk $0xffff, v1  }
.LBB2_8:
0x15d: {  	s4 =	sadd.s32 $0x8, s4;
	v17 =	vadd.f32 $7.372799800e+03, v17;
	v14 =	vsel vm6, v14, v15;
	v15 =	vxor.u32 $0x80000000, v11;
	s3 =	sadd.s32 $0x400, s3  }
0x15e: {  	v8 =	vsel vm1, v8, v12;
	s5 =	sshll.u32 s4, $0x4;
	s6 =	sshll.u32 s4, $0x2;
	p0 =	slt.u32 s4, $0x3F8;
	v11 =	vsel vm2, v11, v15;
	v12 =	vtrunc.f32 v16  }
0x15f: {  	s7 =	sand.u32 $0xC00, s3;
	v16 =	vsel vm3, $0x46080000, v0;
	s5 =	sand.u32 $0x3000, s5;
	s6 =	sand.u32 $0x380, s6;
	v15 =	vmax.f32 v17, $0.0e+00;
	v12 =	vcvt.f32.s32 v12  }
0x160: {  	v8 =	vadd.f32 $7.372799800e+03, v8;
	v17 =	vsel vm6, $0x46080000, v0;
	s5 =	sor.u32 s7, s5;
	v15 =	vmin.f32 v15, $8.192000000e+03  }
0x161: {  	v9 =	vsel vm5, v9, v13;
	v14 =	vadd.f32 $7.372799800e+03, v14;
	s5 =	sor.u32 s6, s5;
	v13 =	vadd.f32 v15, v16  }
0x162: {  	v9 =	vadd.f32 $7.372799800e+03, v9;
	v11 =	vadd.f32 $7.372799800e+03, v11;
	v8 =	vmax.f32 v8, $0.0e+00;
	v15 =	vld [tilespmem:s5+$0x18460]  }
0x163: {  	v18 =	vsel vm4, $0x46080000, v0;
	v14 =	vmax.f32 v14, $0.0e+00;
	v16 =	vld [tilespmem:s5+$0x18450];
	v13 =	vtrunc.f32 v13  }
0x164: {  	v10 =	vadd.f32 v10, v18;
	v9 =	vmax.f32 v9, $0.0e+00;
	v14 =	vmin.f32 v14, $8.192000000e+03;
	v19 =	vld [tilespmem:s5+$0xC470]  }
0x165: {  	v9 =	vmin.f32 v9, $8.192000000e+03;
	v11 =	vmax.f32 v11, $0.0e+00;
	v14 =	vadd.f32 v14, v17;
	[tilespmem:v12+s2+$0x0] =	vst.idx.add.f32.msk $0xffff, v1  }
0x166: {  	v7 =	vadd.f32 v9, v7;
	v9 =	vtrunc.f32 v10;
	v10 =	vmin.f32 v11, $8.192000000e+03;
	v12 =	vld [tilespmem:s5+$0x18420]  }
0x167: {  	v18 =	vcvt.f32.s32 v9;
	v5 =	vadd.f32 v10, v5;
	v14 =	vtrunc.f32 v14;
	v11 =	vld [tilespmem:s5+$0x18410]  }
0x168: {  	v4 =	vadd.f32 $7.372799800e+03, v4;
	v7 =	vtrunc.f32 v7;
	v9 =	vld [tilespmem:s5+$0x18440];
	vm4 =	vgt.s32 v16, $0x0  }
0x169: {  	v7 =	vcvt.f32.s32 v7;
	v16 =	vcvt.f32.s32 v14;
	v10 =	vld [tilespmem:s5+$0xC440]  }
0x16a: {  	v8 =	vmin.f32 v8, $8.192000000e+03;
	v17 =	vsel vm1, $0x46080000, v0;
	v5 =	vtrunc.f32 v5;
	v14 =	vld [tilespmem:s5+$0x18470]  }
0x16b: {  	v8 =	vadd.f32 v8, v17;
	v13 =	vcvt.f32.s32 v13;
	v17 =	vcvt.f32.s32 v5;
	v20 =	vld [tilespmem:s5+$0x18400]  }
0x16c: {  	v4 =	vmax.f32 v4, $0.0e+00;
	vm2 =	vgt.s32 v15, $0x0;
	v5 =	vmul.f32 $8.192000120e+02, v19;
	v21 =	vld [tilespmem:s5+$0xC450]  }
0x16d: {  	v4 =	vmin.f32 v4, $8.192000000e+03;
	v8 =	vtrunc.f32 v8;
	v19 =	vsel vm0, $0x46080000, v0;
	v15 =	vld [tilespmem:s5+$0xC400]  }
0x16e: {  	v24 =	vcvt.f32.s32 v8;
	v8 =	vadd.f32 v4, v19;
	v23 =	vxor.u32 $0x80000000, v5;
	v22 =	vld [tilespmem:s5+$0xC420]  }
0x16f: {  	vm1 =	vmmov vm4;
	vm3 =	vgt.s32 v12, $0x0;
	v19 =	vld [tilespmem:s5+$0xC460];
	vm0 =	vgt.s32 v14, $0x0  }
0x170: {  	v8 =	vtrunc.f32 v8;
	v10 =	vmul.f32 $8.192000120e+02, v10;
	v12 =	vld [tilespmem:s5+$0xC410];
	v4 =	vsel vm0, v5, v23  }
0x171: {  	vm5 =	vgt.s32 v11, $0x0;
	v5 =	vsel vm2, $0x46080000, v0;
	v23 =	vcvt.f32.s32 v8;
	v14 =	vld [tilespmem:s5+$0xC430]  }
0x172: {  	vm6 =	vgt.s32 v2, $0x0;
	v11 =	vxor.u32 $0x80000000, v10;
	v2 =	vmovc v20;
	v8 =	vmul.f32 $8.192000120e+02, v21;
	v25 =	vld [tilespmem:s5+$0x18430]  }
0x173: {  	v3 =	vsel vm6, v3, v6;
	vm4 =	vgt.s32 v9, $0x0;
	v20 =	vsel vm6, $0x46080000, v0;
	[tilespmem:v13+s2+$0x0] =	vst.idx.add.f32.msk $0xffff, v1  }
0x174: {  	v10 =	vsel vm4, v10, v11;
	v6 =	vmul.f32 $8.192000120e+02, v22;
	v13 =	vadd.f32 $7.372799800e+03, v3;
	[tilespmem:v24+s2+$0x0] =	vst.idx.add.f32.msk $0xffff, v1  }
0x175: {  	v11 =	vmul.f32 $8.192000120e+02, v19;
	v9 =	vmul.f32 $8.192000120e+02, v12;
	v12 =	vxor.u32 $0x80000000, v8;
	[tilespmem:v7+s2+$0x0] =	vst.idx.add.f32.msk $0xffff, v1  }
.Ltmp3:
0x176: {  	v10 =	vadd.f32 $7.372799800e+03, v10;
	v3 =	vmul.f32 $8.192000120e+02, v15;
	v14 =	vmul.f32 $8.192000120e+02, v14;
	[tilespmem:v16+s2+$0x0] =	vst.idx.add.f32.msk $0xffff, v1;
	(pc) =	sbr.rel @p0 .LBB2_8-.Ltmp3, $4  }
0x177: {  	v19 =	vmax.f32 v13, $0.0e+00;
	v16 =	vxor.u32 $0x80000000, v6;
	vm6 =	vgt.s32 v25, $0x0;
	[tilespmem:v23+s2+$0x0] =	vst.idx.add.f32.msk $0xffff, v1  }
0x178: {  	v10 =	vmax.f32 v10, $0.0e+00;
	v7 =	vsel vm5, $0x46080000, v0;
	v15 =	vxor.u32 $0x80000000, v14;
	[tilespmem:v17+s2+$0x0] =	vst.idx.add.f32.msk $0xffff, v1  }
0x179: {  	v13 =	vxor.u32 $0x80000000, v9;
	v17 =	vsel vm3, v6, v16;
	v16 =	vmin.f32 v19, $8.192000000e+03;
	[tilespmem:v18+s2+$0x0] =	vst.idx.add.f32.msk $0xffff, v1  }
0x17a: {  	v10 =	vmin.f32 v10, $8.192000000e+03;
	v6 =	vxor.u32 $0x80000000, v3;
	v16 =	vadd.f32 v16, v20  }
0x17b: {  	v17 =	vadd.f32 $7.372799800e+03, v17  }
0x17c: {  	v14 =	vsel vm6, v14, v15;
	v15 =	vxor.u32 $0x80000000, v11;
	v8 =	vsel vm1, v8, v12  }
0x17d: {  	v9 =	vsel vm5, v9, v13;
	v4 =	vadd.f32 $7.372799800e+03, v4;
	v11 =	vsel vm2, v11, v15  }
0x17e: {  	v12 =	vtrunc.f32 v16;
	v16 =	vsel vm3, $0x46080000, v0;
	v8 =	vadd.f32 $7.372799800e+03, v8  }
0x17f: {  	v14 =	vadd.f32 $7.372799800e+03, v14;
	v9 =	vadd.f32 $7.372799800e+03, v9;
	v15 =	vmax.f32 v17, $0.0e+00  }
0x180: {  	v12 =	vcvt.f32.s32 v12;
	v11 =	vadd.f32 $7.372799800e+03, v11;
	v15 =	vmin.f32 v15, $8.192000000e+03  }
0x181: {  	v8 =	vmax.f32 v8, $0.0e+00;
	v14 =	vmax.f32 v14, $0.0e+00;
	v9 =	vmax.f32 v9, $0.0e+00  }
0x182: {  	v13 =	vadd.f32 v15, v16;
	v15 =	vsel vm6, $0x46080000, v0;
	v16 =	vsel vm4, $0x46080000, v0  }
0x183: {  	v14 =	vmin.f32 v14, $8.192000000e+03;
	v9 =	vmin.f32 v9, $8.192000000e+03;
	v11 =	vmax.f32 v11, $0.0e+00  }
0x184: {  	v8 =	vmin.f32 v8, $8.192000000e+03;
	v10 =	vadd.f32 v10, v16;
	v14 =	vadd.f32 v14, v15  }
0x185: {  	v7 =	vadd.f32 v9, v7;
	v9 =	vmin.f32 v11, $8.192000000e+03;
	v11 =	vsel vm1, $0x46080000, v0  }
0x186: {  	vm1 =	vgt.s32 v2, $0x0;
	v2 =	vmax.f32 v4, $0.0e+00;
	v13 =	vtrunc.f32 v13  }
0x187: {  	v8 =	vadd.f32 v8, v11;
	v5 =	vadd.f32 v9, v5;
	v3 =	vsel vm1, v3, v6  }
0x188: {  	v2 =	vmin.f32 v2, $8.192000000e+03;
	v6 =	vsel vm0, $0x46080000, v0;
	v14 =	vtrunc.f32 v14  }
0x189: {  	v9 =	vcvt.f32.s32 v13;
	v3 =	vadd.f32 $7.372799800e+03, v3;
	v7 =	vtrunc.f32 v7  }
0x18a: {  	v2 =	vadd.f32 v2, v6;
	v4 =	vtrunc.f32 v8;
	v6 =	vcvt.f32.s32 v7  }
0x18b: {  	v7 =	vcvt.f32.s32 v14;
	v8 =	vsel vm1, $0x46080000, v0;
	v3 =	vmax.f32 v3, $0.0e+00  }
0x18c: {  	v5 =	vtrunc.f32 v5;
	v4 =	vcvt.f32.s32 v4;
	v3 =	vmin.f32 v3, $8.192000000e+03  }
0x18d: {  	v2 =	vtrunc.f32 v2;
	v5 =	vcvt.f32.s32 v5;
	v3 =	vadd.f32 v3, v8  }
0x18e: {  	[tilespmem:v12+s2+$0x0] =	vst.idx.add.f32.msk $0xffff, v1;
	v2 =	vcvt.f32.s32 v2;
	v8 =	vtrunc.f32 v10  }
0x18f: {  	v8 =	vcvt.f32.s32 v8;
	[tilespmem:v9+s2+$0x0] =	vst.idx.add.f32.msk $0xffff, v1;
	v3 =	vtrunc.f32 v3  }
0x190: {  	v3 =	vcvt.f32.s32 v3;
	[tilespmem:v6+s2+$0x0] =	vst.idx.add.f32.msk $0xffff, v1  }
0x191: {  	[tilespmem:v7+s2+$0x0] =	vst.idx.add.f32.msk $0xffff, v1  }
0x192: {  	[tilespmem:v4+s2+$0x0] =	vst.idx.add.f32.msk $0xffff, v1  }
0x193: {  	[tilespmem:v5+s2+$0x0] =	vst.idx.add.f32.msk $0xffff, v1  }
0x194: {  	[tilespmem:v2+s2+$0x0] =	vst.idx.add.f32.msk $0xffff, v1  }
0x195: {  	[tilespmem:v8+s2+$0x0] =	vst.idx.add.f32.msk $0xffff, v1  }
0x196: {  	s3 =	simm.s32 $0x0;
	s4 =	simm.s32 $0xC400;
	[tilespmem:v3+s2+$0x0] =	vst.idx.add.f32.msk $0xffff, v1  }
0x197: {  	[tilespmem:s4], [sflag:$0x3] =	stream.linear.gather [hbm4b:s13+s3], $0x4000, $0x38;
	[tilespmem:$0x1C400] =	vst v63  }
0x198: {  	s5 =	simm.s32 $0x18400  }
0x199: {  	[tilespmem:s5], [sflag:$0x6] =	stream.linear.gather [hbm4b:s14+s3], $0x4000, $0x38;
	[tilespmem:$0x1C400] =	vst v63  }
0x19a: {  	_ =	swait.ge [sflag:s28], $0x4000  }
0x19b: {  	s6 =	simm.s32 $0x0;
	[sflag:s28] =	ssyncset.done $0x0  }
0x19c: {  	s4 =	sand.u32 $0x3000, s6;
	[sflag:s28] =	ssyncadd.s32 $0xFFFFC000  }
0x19d: {  	s5 =	simm.s32 $0x0;
	s3 =	sand.u32 $0xC00, s3;
	_ =	swait.ge [sflag:s29], $0x4000  }
0x19e: {  	s5 =	sand.u32 $0x380, s5;
	s3 =	sor.u32 s3, s4;
	[sflag:s29] =	ssyncset.done $0x0  }
0x19f: {  	s4 =	sor.u32 s5, s3;
	[sflag:s29] =	ssyncadd.s32 $0xFFFFC000  }
0x1a0: {  	v2 =	vld [tilespmem:s4+$0x10460]  }
0x1a1: {  	v3 =	vld [tilespmem:s4+$0x10450]  }
0x1a2: {  	v4 =	vld [tilespmem:s4+$0x4470]  }
0x1a3: {  	v5 =	vld [tilespmem:s4+$0x10420]  }
0x1a4: {  	v6 =	vld [tilespmem:s4+$0x10410]  }
0x1a5: {  	v7 =	vld [tilespmem:s4+$0x10440]  }
0x1a6: {  	v8 =	vld [tilespmem:s4+$0x4440]  }
0x1a7: {  	v9 =	vld [tilespmem:s4+$0x10470]  }
0x1a8: {  	v10 =	vld [tilespmem:s4+$0x4450]  }
0x1a9: {  	v11 =	vld [tilespmem:s4+$0x4400]  }
0x1aa: {  	v12 =	vld [tilespmem:s4+$0x4420]  }
0x1ab: {  	v13 =	vld [tilespmem:s4+$0x4460]  }
0x1ac: {  	v4 =	vmul.f32 $8.192000120e+02, v4  }
0x1ad: {  	vm1 =	vgt.s32 v3, $0x0;
	vm5 =	vgt.s32 v2, $0x0;
	vm3 =	vgt.s32 v5, $0x0  }
0x1ae: {  	vm0 =	vgt.s32 v9, $0x0;
	v5 =	vmul.f32 $8.192000120e+02, v8;
	vm4 =	vgt.s32 v6, $0x0  }
0x1af: {  	v3 =	vld [tilespmem:s4+$0x4410];
	v9 =	vmul.f32 $8.192000120e+02, v10;
	vm2 =	vgt.s32 v7, $0x0;
	v10 =	vmul.f32 $8.192000120e+02, v12  }
0x1b0: {  	v8 =	vld [tilespmem:s4+$0x4430];
	v12 =	vmul.f32 $8.192000120e+02, v13;
	v11 =	vmul.f32 $8.192000120e+02, v11;
	vm1 =	vmmov vm1  }
0x1b1: {  	v7 =	vsel vm5, $0x46080000, v0;
	v2 =	vxor.u32 $0x80000000, v4;
	v6 =	vxor.u32 $0x80000000, v5  }
0x1b2: {  	v13 =	vxor.u32 $0x80000000, v10;
	v15 =	vxor.u32 $0x80000000, v11;
	v2 =	vsel vm0, v4, v2  }
0x1b3: {  	v5 =	vsel vm2, v5, v6;
	v6 =	vxor.u32 $0x80000000, v9;
	v10 =	vsel vm3, v10, v13  }
0x1b4: {  	s7 =	simm.s32 $0x80;
	s3 =	simm.s32 $0x400;
	v4 =	vld [tilespmem:s4+$0x10430];
	v5 =	vadd.f32 $7.372799800e+03, v5;
	v10 =	vadd.f32 $7.372799800e+03, v10;
	v6 =	vsel vm1, v9, v6  }
0x1b5: {  	s6 =	simm.s32 $0x20;
	s5 =	sand.u32 $0x3000, s7;
	s7 =	sand.u32 $0xC00, s3;
	v2 =	vadd.f32 $7.372799800e+03, v2;
	v3 =	vmul.f32 $8.192000120e+02, v3;
	v8 =	vmul.f32 $8.192000120e+02, v8  }
0x1b6: {  	s6 =	sand.u32 $0x380, s6;
	s5 =	sor.u32 s7, s5;
	v6 =	vadd.f32 $7.372799800e+03, v6;
	v5 =	vmax.f32 v5, $0.0e+00;
	v10 =	vmax.f32 v10, $0.0e+00  }
0x1b7: {  	s5 =	sor.u32 s6, s5;
	v2 =	vmax.f32 v2, $0.0e+00;
	v14 =	vxor.u32 $0x80000000, v8;
	v13 =	vxor.u32 $0x80000000, v3  }
0x1b8: {  	v17 =	vld [tilespmem:s5+$0x10410];
	v5 =	vmin.f32 v5, $8.192000000e+03;
	v10 =	vmin.f32 v10, $8.192000000e+03;
	v6 =	vmax.f32 v6, $0.0e+00  }
0x1b9: {  	v16 =	vld [tilespmem:s4+$0x10400];
	v2 =	vmin.f32 v2, $8.192000000e+03;
	vm6 =	vgt.s32 v4, $0x0;
	v4 =	vsel vm4, $0x46080000, v0  }
0x1ba: {  	v3 =	vsel vm4, v3, v13;
	v13 =	vsel vm2, $0x46080000, v0;
	v6 =	vmin.f32 v6, $8.192000000e+03  }
0x1bb: {  	v8 =	vsel vm6, v8, v14;
	v14 =	vxor.u32 $0x80000000, v12;
	v3 =	vadd.f32 $7.372799800e+03, v3  }
0x1bc: {  	v5 =	vadd.f32 v5, v13;
	v9 =	vsel vm5, v12, v14;
	v12 =	vsel vm3, $0x46080000, v0  }
0x1bd: {  	v21 =	vld [tilespmem:s5+$0x4420];
	v14 =	vsel vm6, $0x46080000, v0;
	v8 =	vadd.f32 $7.372799800e+03, v8;
	vm5 =	vgt.s32 v17, $0x0  }
0x1be: {  	v13 =	vld [tilespmem:s5+$0x10460];
	vm6 =	vgt.s32 v16, $0x0;
	v10 =	vadd.f32 v10, v12;
	v9 =	vadd.f32 $7.372799800e+03, v9  }
0x1bf: {  	v23 =	vld [tilespmem:s5+$0x4410];
	v3 =	vmax.f32 v3, $0.0e+00;
	v16 =	vsel vm6, $0x46080000, v0;
	v8 =	vmax.f32 v8, $0.0e+00  }
0x1c0: {  	v12 =	vld [tilespmem:s5+$0x10450];
	v3 =	vmin.f32 v3, $8.192000000e+03;
	v8 =	vmin.f32 v8, $8.192000000e+03;
	v10 =	vtrunc.f32 v10  }
0x1c1: {  	v24 =	vld [tilespmem:s5+$0x10430];
	v9 =	vmax.f32 v9, $0.0e+00;
	v3 =	vadd.f32 v3, v4;
	v4 =	vtrunc.f32 v5  }
0x1c2: {  	v5 =	vld [tilespmem:s5+$0x10420];
	v8 =	vadd.f32 v8, v14;
	v9 =	vmin.f32 v9, $8.192000000e+03;
	v18 =	vcvt.f32.s32 v4  }
0x1c3: {  	v14 =	vld [tilespmem:s5+$0x4470];
	v10 =	vcvt.f32.s32 v10;
	vm2 =	vgt.s32 v13, $0x0;
	v4 =	vadd.f32 v9, v7  }
0x1c4: {  	v3 =	vtrunc.f32 v3;
	v7 =	vld [tilespmem:s5+$0x10440];
	v9 =	vsel vm1, $0x46080000, v0;
	v8 =	vtrunc.f32 v8  }
0x1c5: {  	vm4 =	vgt.s32 v12, $0x0;
	v3 =	vcvt.f32.s32 v3;
	v12 =	vld [tilespmem:s5+$0x4440];
	v6 =	vadd.f32 v6, v9  }
0x1c6: {  	v9 =	vld [tilespmem:s5+$0x4450];
	v19 =	vcvt.f32.s32 v8;
	v4 =	vtrunc.f32 v4;
	vm1 =	vmmov vm4  }
0x1c7: {  	v8 =	vld [tilespmem:s5+$0x10470];
	v20 =	vcvt.f32.s32 v4;
	v6 =	vtrunc.f32 v6;
	vm3 =	vgt.s32 v5, $0x0  }
0x1c8: {  	v13 =	vld [tilespmem:s5+$0x4400];
	v5 =	vsel vm2, $0x46080000, v0;
	v4 =	vmul.f32 $8.192000120e+02, v14;
	v14 =	vsel vm0, $0x46080000, v0  }
0x1c9: {  	v6 =	vcvt.f32.s32 v6;
	v2 =	vadd.f32 v2, v14;
	vm4 =	vgt.s32 v7, $0x0  }
0x1ca: {  	v7 =	vsel vm6, v11, v15;
	[tilespmem:v10+s2+$0x0] =	vst.idx.add.f32.msk $0xffff, v1;
	v10 =	vmul.f32 $8.192000120e+02, v21;
	vm6 =	vgt.s32 v24, $0x0  }
0x1cb: {  	v17 =	vld [tilespmem:s5+$0x4430];
	v12 =	vmul.f32 $8.192000120e+02, v12;
	v7 =	vadd.f32 $7.372799800e+03, v7;
	v2 =	vtrunc.f32 v2  }
0x1cc: {  	v14 =	vld [tilespmem:s5+$0x4460];
	vm0 =	vgt.s32 v8, $0x0;
	v8 =	vmul.f32 $8.192000120e+02, v9;
	v9 =	vmul.f32 $8.192000120e+02, v23  }
0x1cd: {  	v22 =	vxor.u32 $0x80000000, v4;
	[tilespmem:v3+s2+$0x0] =	vst.idx.add.f32.msk $0xffff, v1;
	v3 =	vmul.f32 $8.192000120e+02, v13;
	v62 =	vcvt.f32.s32 v2  }
0x1ce: {  	v4 =	vsel vm0, v4, v22;
	v25 =	vxor.u32 $0x80000000, v12;
	[tilespmem:v19+s2+$0x0] =	vst.idx.add.f32.msk $0xffff, v1;
	v19 =	vmax.f32 v7, $0.0e+00  }
0x1cf: {  	[tilespmem:v18+s2+$0x0] =	vst.idx.add.f32.msk $0xffff, v1;
	v7 =	vsel vm5, $0x46080000, v0;
	v15 =	vsel vm4, v12, v25;
	v12 =	vxor.u32 $0x80000000, v8  }
0x1d0: {  	v13 =	vxor.u32 $0x80000000, v9;
	v19 =	vmin.f32 v19, $8.192000000e+03;
	[tilespmem:v6+s2+$0x0] =	vst.idx.add.f32.msk $0xffff, v1;
	v6 =	vadd.f32 $7.372799800e+03, v15  }
0x1d1: {  	v2 =	vld [tilespmem:s5+$0x10400];
	v11 =	vmul.f32 $8.192000120e+02, v14;
	v14 =	vmul.f32 $8.192000120e+02, v17;
	v17 =	vxor.u32 $0x80000000, v10  }
0x1d2: {  	[tilespmem:v20+s2+$0x0] =	vst.idx.add.f32.msk $0xffff, v1;
	v16 =	vadd.f32 v19, v16;
	v17 =	vsel vm3, v10, v17;
	v63 =	vmax.f32 v6, $0.0e+00  }
0x1d3: {  	s4 =	simm.s32 $0x8;
	v15 =	vxor.u32 $0x80000000, v14;
	v6 =	vxor.u32 $0x80000000, v3;
	v10 =	vmin.f32 v63, $8.192000000e+03;
	[tilespmem:v62+s2+$0x0] =	vst.idx.add.f32.msk $0xffff, v1  }
.LBB2_10:
0x1d4: {  	s4 =	sadd.s32 $0x8, s4;
	v17 =	vadd.f32 $7.372799800e+03, v17;
	v14 =	vsel vm6, v14, v15;
	v15 =	vxor.u32 $0x80000000, v11;
	s3 =	sadd.s32 $0x400, s3  }
0x1d5: {  	v8 =	vsel vm1, v8, v12;
	s5 =	sshll.u32 s4, $0x4;
	s6 =	sshll.u32 s4, $0x2;
	p0 =	slt.u32 s4, $0x3F8;
	v11 =	vsel vm2, v11, v15;
	v12 =	vtrunc.f32 v16  }
0x1d6: {  	s7 =	sand.u32 $0xC00, s3;
	v16 =	vsel vm3, $0x46080000, v0;
	s5 =	sand.u32 $0x3000, s5;
	s6 =	sand.u32 $0x380, s6;
	v15 =	vmax.f32 v17, $0.0e+00;
	v12 =	vcvt.f32.s32 v12  }
0x1d7: {  	v8 =	vadd.f32 $7.372799800e+03, v8;
	v17 =	vsel vm6, $0x46080000, v0;
	s5 =	sor.u32 s7, s5;
	v15 =	vmin.f32 v15, $8.192000000e+03  }
0x1d8: {  	v9 =	vsel vm5, v9, v13;
	v14 =	vadd.f32 $7.372799800e+03, v14;
	s5 =	sor.u32 s6, s5;
	v13 =	vadd.f32 v15, v16  }
0x1d9: {  	v9 =	vadd.f32 $7.372799800e+03, v9;
	v11 =	vadd.f32 $7.372799800e+03, v11;
	v8 =	vmax.f32 v8, $0.0e+00;
	v15 =	vld [tilespmem:s5+$0x10460]  }
0x1da: {  	v18 =	vsel vm4, $0x46080000, v0;
	v14 =	vmax.f32 v14, $0.0e+00;
	v16 =	vld [tilespmem:s5+$0x10450];
	v13 =	vtrunc.f32 v13  }
0x1db: {  	v10 =	vadd.f32 v10, v18;
	v9 =	vmax.f32 v9, $0.0e+00;
	v14 =	vmin.f32 v14, $8.192000000e+03;
	v19 =	vld [tilespmem:s5+$0x4470]  }
0x1dc: {  	v9 =	vmin.f32 v9, $8.192000000e+03;
	v11 =	vmax.f32 v11, $0.0e+00;
	v14 =	vadd.f32 v14, v17;
	[tilespmem:v12+s2+$0x0] =	vst.idx.add.f32.msk $0xffff, v1  }
0x1dd: {  	v7 =	vadd.f32 v9, v7;
	v9 =	vtrunc.f32 v10;
	v10 =	vmin.f32 v11, $8.192000000e+03;
	v12 =	vld [tilespmem:s5+$0x10420]  }
0x1de: {  	v18 =	vcvt.f32.s32 v9;
	v5 =	vadd.f32 v10, v5;
	v14 =	vtrunc.f32 v14;
	v11 =	vld [tilespmem:s5+$0x10410]  }
0x1df: {  	v4 =	vadd.f32 $7.372799800e+03, v4;
	v7 =	vtrunc.f32 v7;
	v9 =	vld [tilespmem:s5+$0x10440];
	vm4 =	vgt.s32 v16, $0x0  }
0x1e0: {  	v7 =	vcvt.f32.s32 v7;
	v16 =	vcvt.f32.s32 v14;
	v10 =	vld [tilespmem:s5+$0x4440]  }
0x1e1: {  	v8 =	vmin.f32 v8, $8.192000000e+03;
	v17 =	vsel vm1, $0x46080000, v0;
	v5 =	vtrunc.f32 v5;
	v14 =	vld [tilespmem:s5+$0x10470]  }
0x1e2: {  	v8 =	vadd.f32 v8, v17;
	v13 =	vcvt.f32.s32 v13;
	v17 =	vcvt.f32.s32 v5;
	v20 =	vld [tilespmem:s5+$0x10400]  }
0x1e3: {  	v4 =	vmax.f32 v4, $0.0e+00;
	vm2 =	vgt.s32 v15, $0x0;
	v5 =	vmul.f32 $8.192000120e+02, v19;
	v21 =	vld [tilespmem:s5+$0x4450]  }
0x1e4: {  	v4 =	vmin.f32 v4, $8.192000000e+03;
	v8 =	vtrunc.f32 v8;
	v19 =	vsel vm0, $0x46080000, v0;
	v15 =	vld [tilespmem:s5+$0x4400]  }
0x1e5: {  	v24 =	vcvt.f32.s32 v8;
	v8 =	vadd.f32 v4, v19;
	v23 =	vxor.u32 $0x80000000, v5;
	v22 =	vld [tilespmem:s5+$0x4420]  }
0x1e6: {  	vm1 =	vmmov vm4;
	vm3 =	vgt.s32 v12, $0x0;
	v19 =	vld [tilespmem:s5+$0x4460];
	vm0 =	vgt.s32 v14, $0x0  }
0x1e7: {  	v8 =	vtrunc.f32 v8;
	v10 =	vmul.f32 $8.192000120e+02, v10;
	v12 =	vld [tilespmem:s5+$0x4410];
	v4 =	vsel vm0, v5, v23  }
0x1e8: {  	vm5 =	vgt.s32 v11, $0x0;
	v5 =	vsel vm2, $0x46080000, v0;
	v23 =	vcvt.f32.s32 v8;
	v14 =	vld [tilespmem:s5+$0x4430]  }
0x1e9: {  	vm6 =	vgt.s32 v2, $0x0;
	v11 =	vxor.u32 $0x80000000, v10;
	v2 =	vmovc v20;
	v8 =	vmul.f32 $8.192000120e+02, v21;
	v25 =	vld [tilespmem:s5+$0x10430]  }
0x1ea: {  	v3 =	vsel vm6, v3, v6;
	vm4 =	vgt.s32 v9, $0x0;
	v20 =	vsel vm6, $0x46080000, v0;
	[tilespmem:v13+s2+$0x0] =	vst.idx.add.f32.msk $0xffff, v1  }
0x1eb: {  	v10 =	vsel vm4, v10, v11;
	v6 =	vmul.f32 $8.192000120e+02, v22;
	v13 =	vadd.f32 $7.372799800e+03, v3;
	[tilespmem:v24+s2+$0x0] =	vst.idx.add.f32.msk $0xffff, v1  }
0x1ec: {  	v11 =	vmul.f32 $8.192000120e+02, v19;
	v9 =	vmul.f32 $8.192000120e+02, v12;
	v12 =	vxor.u32 $0x80000000, v8;
	[tilespmem:v7+s2+$0x0] =	vst.idx.add.f32.msk $0xffff, v1  }
.Ltmp4:
0x1ed: {  	v10 =	vadd.f32 $7.372799800e+03, v10;
	v3 =	vmul.f32 $8.192000120e+02, v15;
	v14 =	vmul.f32 $8.192000120e+02, v14;
	[tilespmem:v16+s2+$0x0] =	vst.idx.add.f32.msk $0xffff, v1;
	(pc) =	sbr.rel @p0 .LBB2_10-.Ltmp4, $4  }
0x1ee: {  	v19 =	vmax.f32 v13, $0.0e+00;
	v16 =	vxor.u32 $0x80000000, v6;
	vm6 =	vgt.s32 v25, $0x0;
	[tilespmem:v23+s2+$0x0] =	vst.idx.add.f32.msk $0xffff, v1  }
0x1ef: {  	v10 =	vmax.f32 v10, $0.0e+00;
	v7 =	vsel vm5, $0x46080000, v0;
	v15 =	vxor.u32 $0x80000000, v14;
	[tilespmem:v17+s2+$0x0] =	vst.idx.add.f32.msk $0xffff, v1  }
0x1f0: {  	v13 =	vxor.u32 $0x80000000, v9;
	v17 =	vsel vm3, v6, v16;
	v16 =	vmin.f32 v19, $8.192000000e+03;
	[tilespmem:v18+s2+$0x0] =	vst.idx.add.f32.msk $0xffff, v1  }
0x1f1: {  	v10 =	vmin.f32 v10, $8.192000000e+03;
	v6 =	vxor.u32 $0x80000000, v3;
	v16 =	vadd.f32 v16, v20  }
0x1f2: {  	v17 =	vadd.f32 $7.372799800e+03, v17  }
0x1f3: {  	v14 =	vsel vm6, v14, v15;
	v15 =	vxor.u32 $0x80000000, v11;
	v8 =	vsel vm1, v8, v12  }
0x1f4: {  	v9 =	vsel vm5, v9, v13;
	v4 =	vadd.f32 $7.372799800e+03, v4;
	v11 =	vsel vm2, v11, v15  }
0x1f5: {  	v12 =	vtrunc.f32 v16;
	v16 =	vsel vm3, $0x46080000, v0;
	v8 =	vadd.f32 $7.372799800e+03, v8  }
0x1f6: {  	v14 =	vadd.f32 $7.372799800e+03, v14;
	v9 =	vadd.f32 $7.372799800e+03, v9;
	v15 =	vmax.f32 v17, $0.0e+00  }
0x1f7: {  	v12 =	vcvt.f32.s32 v12;
	v11 =	vadd.f32 $7.372799800e+03, v11;
	v15 =	vmin.f32 v15, $8.192000000e+03  }
0x1f8: {  	v8 =	vmax.f32 v8, $0.0e+00;
	v14 =	vmax.f32 v14, $0.0e+00;
	v9 =	vmax.f32 v9, $0.0e+00  }
0x1f9: {  	v13 =	vadd.f32 v15, v16;
	v15 =	vsel vm6, $0x46080000, v0;
	v16 =	vsel vm4, $0x46080000, v0  }
0x1fa: {  	v14 =	vmin.f32 v14, $8.192000000e+03;
	v9 =	vmin.f32 v9, $8.192000000e+03;
	v11 =	vmax.f32 v11, $0.0e+00  }
0x1fb: {  	v8 =	vmin.f32 v8, $8.192000000e+03;
	v10 =	vadd.f32 v10, v16;
	v14 =	vadd.f32 v14, v15  }
0x1fc: {  	v7 =	vadd.f32 v9, v7;
	v9 =	vmin.f32 v11, $8.192000000e+03;
	v11 =	vsel vm1, $0x46080000, v0  }
0x1fd: {  	vm1 =	vgt.s32 v2, $0x0;
	v2 =	vmax.f32 v4, $0.0e+00;
	v13 =	vtrunc.f32 v13  }
0x1fe: {  	v8 =	vadd.f32 v8, v11;
	v5 =	vadd.f32 v9, v5;
	v3 =	vsel vm1, v3, v6  }
0x1ff: {  	v2 =	vmin.f32 v2, $8.192000000e+03;
	v6 =	vsel vm0, $0x46080000, v0;
	v14 =	vtrunc.f32 v14  }
0x200: {  	v9 =	vcvt.f32.s32 v13;
	v3 =	vadd.f32 $7.372799800e+03, v3;
	v7 =	vtrunc.f32 v7  }
0x201: {  	v2 =	vadd.f32 v2, v6;
	v4 =	vtrunc.f32 v8;
	v6 =	vcvt.f32.s32 v7  }
0x202: {  	v7 =	vcvt.f32.s32 v14;
	v8 =	vsel vm1, $0x46080000, v0;
	v3 =	vmax.f32 v3, $0.0e+00  }
0x203: {  	v5 =	vtrunc.f32 v5;
	v4 =	vcvt.f32.s32 v4;
	v3 =	vmin.f32 v3, $8.192000000e+03  }
0x204: {  	v2 =	vtrunc.f32 v2;
	v5 =	vcvt.f32.s32 v5;
	v3 =	vadd.f32 v3, v8  }
0x205: {  	[tilespmem:v12+s2+$0x0] =	vst.idx.add.f32.msk $0xffff, v1;
	v2 =	vcvt.f32.s32 v2;
	v8 =	vtrunc.f32 v10  }
0x206: {  	v8 =	vcvt.f32.s32 v8;
	[tilespmem:v9+s2+$0x0] =	vst.idx.add.f32.msk $0xffff, v1;
	v3 =	vtrunc.f32 v3  }
0x207: {  	v3 =	vcvt.f32.s32 v3;
	[tilespmem:v6+s2+$0x0] =	vst.idx.add.f32.msk $0xffff, v1  }
0x208: {  	[tilespmem:v7+s2+$0x0] =	vst.idx.add.f32.msk $0xffff, v1  }
0x209: {  	[tilespmem:v4+s2+$0x0] =	vst.idx.add.f32.msk $0xffff, v1  }
0x20a: {  	[tilespmem:v5+s2+$0x0] =	vst.idx.add.f32.msk $0xffff, v1  }
0x20b: {  	[tilespmem:v2+s2+$0x0] =	vst.idx.add.f32.msk $0xffff, v1  }
0x20c: {  	[tilespmem:v8+s2+$0x0] =	vst.idx.add.f32.msk $0xffff, v1  }
0x20d: {  	s3 =	simm.s32 $0x0;
	[tilespmem:v3+s2+$0x0] =	vst.idx.add.f32.msk $0xffff, v1  }
0x20e: {  	[tilespmem:s21], [sflag:$0x1] =	stream.linear.gather [hbm4b:s15+s3], $0x4000, $0x38;
	[tilespmem:$0x1C400] =	vst v63  }
0x20f: {  	_ = 	snop  }
0x210: {  	[tilespmem:s22], [sflag:$0x4] =	stream.linear.gather [hbm4b:s16+s3], $0x4000, $0x38;
	[tilespmem:$0x1C400] =	vst v63  }
0x211: {  	_ =	swait.ge [sflag:s30], $0x4000  }
0x212: {  	[sflag:s30] =	ssyncset.done $0x0  }
0x213: {  	s4 =	simm.s32 $0x0;
	s5 =	simm.s32 $0x0;
	[sflag:s30] =	ssyncadd.s32 $0xFFFFC000  }
0x214: {  	s4 =	sand.u32 $0x3000, s4;
	s3 =	sand.u32 $0xC00, s3;
	_ =	swait.ge [sflag:s31], $0x4000  }
0x215: {  	s5 =	sand.u32 $0x380, s5;
	s3 =	sor.u32 s3, s4;
	[sflag:s31] =	ssyncset.done $0x0  }
0x216: {  	s4 =	sor.u32 s5, s3;
	[sflag:s31] =	ssyncadd.s32 $0xFFFFC000  }
0x217: {  	v2 =	vld [tilespmem:s4+$0x14460]  }
0x218: {  	v3 =	vld [tilespmem:s4+$0x14450]  }
0x219: {  	v4 =	vld [tilespmem:s4+$0x8470]  }
0x21a: {  	v5 =	vld [tilespmem:s4+$0x14420]  }
0x21b: {  	v6 =	vld [tilespmem:s4+$0x14410]  }
0x21c: {  	v7 =	vld [tilespmem:s4+$0x14440]  }
0x21d: {  	v8 =	vld [tilespmem:s4+$0x8440]  }
0x21e: {  	v9 =	vld [tilespmem:s4+$0x14470]  }
0x21f: {  	v10 =	vld [tilespmem:s4+$0x8450]  }
0x220: {  	v11 =	vld [tilespmem:s4+$0x8400]  }
0x221: {  	v12 =	vld [tilespmem:s4+$0x8420]  }
0x222: {  	v13 =	vld [tilespmem:s4+$0x8460]  }
0x223: {  	v4 =	vmul.f32 $8.192000120e+02, v4  }
0x224: {  	vm1 =	vgt.s32 v3, $0x0;
	vm5 =	vgt.s32 v2, $0x0;
	vm3 =	vgt.s32 v5, $0x0  }
0x225: {  	vm0 =	vgt.s32 v9, $0x0;
	v5 =	vmul.f32 $8.192000120e+02, v8;
	vm4 =	vgt.s32 v6, $0x0  }
0x226: {  	v3 =	vld [tilespmem:s4+$0x8410];
	v9 =	vmul.f32 $8.192000120e+02, v10;
	vm2 =	vgt.s32 v7, $0x0;
	v10 =	vmul.f32 $8.192000120e+02, v12  }
0x227: {  	v8 =	vld [tilespmem:s4+$0x8430];
	v12 =	vmul.f32 $8.192000120e+02, v13;
	v11 =	vmul.f32 $8.192000120e+02, v11;
	vm1 =	vmmov vm1  }
0x228: {  	v7 =	vsel vm5, $0x46080000, v0;
	v2 =	vxor.u32 $0x80000000, v4;
	v6 =	vxor.u32 $0x80000000, v5  }
0x229: {  	v13 =	vxor.u32 $0x80000000, v10;
	v15 =	vxor.u32 $0x80000000, v11;
	v2 =	vsel vm0, v4, v2  }
0x22a: {  	v5 =	vsel vm2, v5, v6;
	v6 =	vxor.u32 $0x80000000, v9;
	v10 =	vsel vm3, v10, v13  }
0x22b: {  	s7 =	simm.s32 $0x80;
	s3 =	simm.s32 $0x400;
	v4 =	vld [tilespmem:s4+$0x14430];
	v5 =	vadd.f32 $7.372799800e+03, v5;
	v10 =	vadd.f32 $7.372799800e+03, v10;
	v6 =	vsel vm1, v9, v6  }
0x22c: {  	s6 =	simm.s32 $0x20;
	s5 =	sand.u32 $0x3000, s7;
	s7 =	sand.u32 $0xC00, s3;
	v2 =	vadd.f32 $7.372799800e+03, v2;
	v3 =	vmul.f32 $8.192000120e+02, v3;
	v8 =	vmul.f32 $8.192000120e+02, v8  }
0x22d: {  	s6 =	sand.u32 $0x380, s6;
	s5 =	sor.u32 s7, s5;
	v6 =	vadd.f32 $7.372799800e+03, v6;
	v5 =	vmax.f32 v5, $0.0e+00;
	v10 =	vmax.f32 v10, $0.0e+00  }
0x22e: {  	s5 =	sor.u32 s6, s5;
	v2 =	vmax.f32 v2, $0.0e+00;
	v14 =	vxor.u32 $0x80000000, v8;
	v13 =	vxor.u32 $0x80000000, v3  }
0x22f: {  	v17 =	vld [tilespmem:s5+$0x14410];
	v5 =	vmin.f32 v5, $8.192000000e+03;
	v10 =	vmin.f32 v10, $8.192000000e+03;
	v6 =	vmax.f32 v6, $0.0e+00  }
0x230: {  	v16 =	vld [tilespmem:s4+$0x14400];
	v2 =	vmin.f32 v2, $8.192000000e+03;
	vm6 =	vgt.s32 v4, $0x0;
	v4 =	vsel vm4, $0x46080000, v0  }
0x231: {  	v3 =	vsel vm4, v3, v13;
	v13 =	vsel vm2, $0x46080000, v0;
	v6 =	vmin.f32 v6, $8.192000000e+03  }
0x232: {  	v8 =	vsel vm6, v8, v14;
	v14 =	vxor.u32 $0x80000000, v12;
	v3 =	vadd.f32 $7.372799800e+03, v3  }
0x233: {  	v5 =	vadd.f32 v5, v13;
	v9 =	vsel vm5, v12, v14;
	v12 =	vsel vm3, $0x46080000, v0  }
0x234: {  	v21 =	vld [tilespmem:s5+$0x8420];
	v14 =	vsel vm6, $0x46080000, v0;
	v8 =	vadd.f32 $7.372799800e+03, v8;
	vm5 =	vgt.s32 v17, $0x0  }
0x235: {  	v13 =	vld [tilespmem:s5+$0x14460];
	vm6 =	vgt.s32 v16, $0x0;
	v10 =	vadd.f32 v10, v12;
	v9 =	vadd.f32 $7.372799800e+03, v9  }
0x236: {  	v23 =	vld [tilespmem:s5+$0x8410];
	v3 =	vmax.f32 v3, $0.0e+00;
	v16 =	vsel vm6, $0x46080000, v0;
	v8 =	vmax.f32 v8, $0.0e+00  }
0x237: {  	v12 =	vld [tilespmem:s5+$0x14450];
	v3 =	vmin.f32 v3, $8.192000000e+03;
	v8 =	vmin.f32 v8, $8.192000000e+03;
	v10 =	vtrunc.f32 v10  }
0x238: {  	v24 =	vld [tilespmem:s5+$0x14430];
	v9 =	vmax.f32 v9, $0.0e+00;
	v3 =	vadd.f32 v3, v4;
	v4 =	vtrunc.f32 v5  }
0x239: {  	v5 =	vld [tilespmem:s5+$0x14420];
	v8 =	vadd.f32 v8, v14;
	v9 =	vmin.f32 v9, $8.192000000e+03;
	v18 =	vcvt.f32.s32 v4  }
0x23a: {  	v14 =	vld [tilespmem:s5+$0x8470];
	v10 =	vcvt.f32.s32 v10;
	vm2 =	vgt.s32 v13, $0x0;
	v4 =	vadd.f32 v9, v7  }
0x23b: {  	v3 =	vtrunc.f32 v3;
	v7 =	vld [tilespmem:s5+$0x14440];
	v9 =	vsel vm1, $0x46080000, v0;
	v8 =	vtrunc.f32 v8  }
0x23c: {  	vm4 =	vgt.s32 v12, $0x0;
	v3 =	vcvt.f32.s32 v3;
	v12 =	vld [tilespmem:s5+$0x8440];
	v6 =	vadd.f32 v6, v9  }
0x23d: {  	v9 =	vld [tilespmem:s5+$0x8450];
	v19 =	vcvt.f32.s32 v8;
	v4 =	vtrunc.f32 v4;
	vm1 =	vmmov vm4  }
0x23e: {  	v8 =	vld [tilespmem:s5+$0x14470];
	v20 =	vcvt.f32.s32 v4;
	v6 =	vtrunc.f32 v6;
	vm3 =	vgt.s32 v5, $0x0  }
0x23f: {  	v13 =	vld [tilespmem:s5+$0x8400];
	v5 =	vsel vm2, $0x46080000, v0;
	v4 =	vmul.f32 $8.192000120e+02, v14;
	v14 =	vsel vm0, $0x46080000, v0  }
0x240: {  	v6 =	vcvt.f32.s32 v6;
	v2 =	vadd.f32 v2, v14;
	vm4 =	vgt.s32 v7, $0x0  }
0x241: {  	v7 =	vsel vm6, v11, v15;
	[tilespmem:v10+s2+$0x0] =	vst.idx.add.f32.msk $0xffff, v1;
	v10 =	vmul.f32 $8.192000120e+02, v21;
	vm6 =	vgt.s32 v24, $0x0  }
0x242: {  	v17 =	vld [tilespmem:s5+$0x8430];
	v12 =	vmul.f32 $8.192000120e+02, v12;
	v7 =	vadd.f32 $7.372799800e+03, v7;
	v2 =	vtrunc.f32 v2  }
0x243: {  	v14 =	vld [tilespmem:s5+$0x8460];
	vm0 =	vgt.s32 v8, $0x0;
	v8 =	vmul.f32 $8.192000120e+02, v9;
	v9 =	vmul.f32 $8.192000120e+02, v23  }
0x244: {  	v22 =	vxor.u32 $0x80000000, v4;
	[tilespmem:v3+s2+$0x0] =	vst.idx.add.f32.msk $0xffff, v1;
	v3 =	vmul.f32 $8.192000120e+02, v13;
	v62 =	vcvt.f32.s32 v2  }
0x245: {  	v4 =	vsel vm0, v4, v22;
	v25 =	vxor.u32 $0x80000000, v12;
	[tilespmem:v19+s2+$0x0] =	vst.idx.add.f32.msk $0xffff, v1;
	v19 =	vmax.f32 v7, $0.0e+00  }
0x246: {  	[tilespmem:v18+s2+$0x0] =	vst.idx.add.f32.msk $0xffff, v1;
	v7 =	vsel vm5, $0x46080000, v0;
	v15 =	vsel vm4, v12, v25;
	v12 =	vxor.u32 $0x80000000, v8  }
0x247: {  	v13 =	vxor.u32 $0x80000000, v9;
	v19 =	vmin.f32 v19, $8.192000000e+03;
	[tilespmem:v6+s2+$0x0] =	vst.idx.add.f32.msk $0xffff, v1;
	v6 =	vadd.f32 $7.372799800e+03, v15  }
0x248: {  	v2 =	vld [tilespmem:s5+$0x14400];
	v11 =	vmul.f32 $8.192000120e+02, v14;
	v14 =	vmul.f32 $8.192000120e+02, v17;
	v17 =	vxor.u32 $0x80000000, v10  }
0x249: {  	[tilespmem:v20+s2+$0x0] =	vst.idx.add.f32.msk $0xffff, v1;
	v16 =	vadd.f32 v19, v16;
	v17 =	vsel vm3, v10, v17;
	v63 =	vmax.f32 v6, $0.0e+00  }
0x24a: {  	s4 =	simm.s32 $0x8;
	v15 =	vxor.u32 $0x80000000, v14;
	v6 =	vxor.u32 $0x80000000, v3;
	v10 =	vmin.f32 v63, $8.192000000e+03;
	[tilespmem:v62+s2+$0x0] =	vst.idx.add.f32.msk $0xffff, v1  }
.LBB2_12:
0x24b: {  	s4 =	sadd.s32 $0x8, s4;
	v17 =	vadd.f32 $7.372799800e+03, v17;
	v14 =	vsel vm6, v14, v15;
	v15 =	vxor.u32 $0x80000000, v11;
	s3 =	sadd.s32 $0x400, s3  }
0x24c: {  	v8 =	vsel vm1, v8, v12;
	s5 =	sshll.u32 s4, $0x4;
	s6 =	sshll.u32 s4, $0x2;
	p0 =	slt.u32 s4, $0x3F8;
	v11 =	vsel vm2, v11, v15;
	v12 =	vtrunc.f32 v16  }
0x24d: {  	s7 =	sand.u32 $0xC00, s3;
	v16 =	vsel vm3, $0x46080000, v0;
	s5 =	sand.u32 $0x3000, s5;
	s6 =	sand.u32 $0x380, s6;
	v15 =	vmax.f32 v17, $0.0e+00;
	v12 =	vcvt.f32.s32 v12  }
0x24e: {  	v8 =	vadd.f32 $7.372799800e+03, v8;
	v17 =	vsel vm6, $0x46080000, v0;
	s5 =	sor.u32 s7, s5;
	v15 =	vmin.f32 v15, $8.192000000e+03  }
0x24f: {  	v9 =	vsel vm5, v9, v13;
	v14 =	vadd.f32 $7.372799800e+03, v14;
	s5 =	sor.u32 s6, s5;
	v13 =	vadd.f32 v15, v16  }
0x250: {  	v9 =	vadd.f32 $7.372799800e+03, v9;
	v11 =	vadd.f32 $7.372799800e+03, v11;
	v8 =	vmax.f32 v8, $0.0e+00;
	v15 =	vld [tilespmem:s5+$0x14460]  }
0x251: {  	v18 =	vsel vm4, $0x46080000, v0;
	v14 =	vmax.f32 v14, $0.0e+00;
	v16 =	vld [tilespmem:s5+$0x14450];
	v13 =	vtrunc.f32 v13  }
0x252: {  	v10 =	vadd.f32 v10, v18;
	v9 =	vmax.f32 v9, $0.0e+00;
	v14 =	vmin.f32 v14, $8.192000000e+03;
	v19 =	vld [tilespmem:s5+$0x8470]  }
0x253: {  	v9 =	vmin.f32 v9, $8.192000000e+03;
	v11 =	vmax.f32 v11, $0.0e+00;
	v14 =	vadd.f32 v14, v17;
	[tilespmem:v12+s2+$0x0] =	vst.idx.add.f32.msk $0xffff, v1  }
0x254: {  	v7 =	vadd.f32 v9, v7;
	v9 =	vtrunc.f32 v10;
	v10 =	vmin.f32 v11, $8.192000000e+03;
	v12 =	vld [tilespmem:s5+$0x14420]  }
0x255: {  	v18 =	vcvt.f32.s32 v9;
	v5 =	vadd.f32 v10, v5;
	v14 =	vtrunc.f32 v14;
	v11 =	vld [tilespmem:s5+$0x14410]  }
0x256: {  	v4 =	vadd.f32 $7.372799800e+03, v4;
	v7 =	vtrunc.f32 v7;
	v9 =	vld [tilespmem:s5+$0x14440];
	vm4 =	vgt.s32 v16, $0x0  }
0x257: {  	v7 =	vcvt.f32.s32 v7;
	v16 =	vcvt.f32.s32 v14;
	v10 =	vld [tilespmem:s5+$0x8440]  }
0x258: {  	v8 =	vmin.f32 v8, $8.192000000e+03;
	v17 =	vsel vm1, $0x46080000, v0;
	v5 =	vtrunc.f32 v5;
	v14 =	vld [tilespmem:s5+$0x14470]  }
0x259: {  	v8 =	vadd.f32 v8, v17;
	v13 =	vcvt.f32.s32 v13;
	v17 =	vcvt.f32.s32 v5;
	v20 =	vld [tilespmem:s5+$0x14400]  }
0x25a: {  	v4 =	vmax.f32 v4, $0.0e+00;
	vm2 =	vgt.s32 v15, $0x0;
	v5 =	vmul.f32 $8.192000120e+02, v19;
	v21 =	vld [tilespmem:s5+$0x8450]  }
0x25b: {  	v4 =	vmin.f32 v4, $8.192000000e+03;
	v8 =	vtrunc.f32 v8;
	v19 =	vsel vm0, $0x46080000, v0;
	v15 =	vld [tilespmem:s5+$0x8400]  }
0x25c: {  	v24 =	vcvt.f32.s32 v8;
	v8 =	vadd.f32 v4, v19;
	v23 =	vxor.u32 $0x80000000, v5;
	v22 =	vld [tilespmem:s5+$0x8420]  }
0x25d: {  	vm1 =	vmmov vm4;
	vm3 =	vgt.s32 v12, $0x0;
	v19 =	vld [tilespmem:s5+$0x8460];
	vm0 =	vgt.s32 v14, $0x0  }
0x25e: {  	v8 =	vtrunc.f32 v8;
	v10 =	vmul.f32 $8.192000120e+02, v10;
	v12 =	vld [tilespmem:s5+$0x8410];
	v4 =	vsel vm0, v5, v23  }
0x25f: {  	vm5 =	vgt.s32 v11, $0x0;
	v5 =	vsel vm2, $0x46080000, v0;
	v23 =	vcvt.f32.s32 v8;
	v14 =	vld [tilespmem:s5+$0x8430]  }
0x260: {  	vm6 =	vgt.s32 v2, $0x0;
	v11 =	vxor.u32 $0x80000000, v10;
	v2 =	vmovc v20;
	v8 =	vmul.f32 $8.192000120e+02, v21;
	v25 =	vld [tilespmem:s5+$0x14430]  }
0x261: {  	v3 =	vsel vm6, v3, v6;
	vm4 =	vgt.s32 v9, $0x0;
	v20 =	vsel vm6, $0x46080000, v0;
	[tilespmem:v13+s2+$0x0] =	vst.idx.add.f32.msk $0xffff, v1  }
0x262: {  	v10 =	vsel vm4, v10, v11;
	v6 =	vmul.f32 $8.192000120e+02, v22;
	v13 =	vadd.f32 $7.372799800e+03, v3;
	[tilespmem:v24+s2+$0x0] =	vst.idx.add.f32.msk $0xffff, v1  }
0x263: {  	v11 =	vmul.f32 $8.192000120e+02, v19;
	v9 =	vmul.f32 $8.192000120e+02, v12;
	v12 =	vxor.u32 $0x80000000, v8;
	[tilespmem:v7+s2+$0x0] =	vst.idx.add.f32.msk $0xffff, v1  }
.Ltmp5:
0x264: {  	v10 =	vadd.f32 $7.372799800e+03, v10;
	v3 =	vmul.f32 $8.192000120e+02, v15;
	v14 =	vmul.f32 $8.192000120e+02, v14;
	[tilespmem:v16+s2+$0x0] =	vst.idx.add.f32.msk $0xffff, v1;
	(pc) =	sbr.rel @p0 .LBB2_12-.Ltmp5, $4  }
0x265: {  	v19 =	vmax.f32 v13, $0.0e+00;
	v16 =	vxor.u32 $0x80000000, v6;
	vm6 =	vgt.s32 v25, $0x0;
	[tilespmem:v23+s2+$0x0] =	vst.idx.add.f32.msk $0xffff, v1  }
0x266: {  	v10 =	vmax.f32 v10, $0.0e+00;
	v7 =	vsel vm5, $0x46080000, v0;
	v15 =	vxor.u32 $0x80000000, v14;
	[tilespmem:v17+s2+$0x0] =	vst.idx.add.f32.msk $0xffff, v1  }
0x267: {  	v13 =	vxor.u32 $0x80000000, v9;
	v17 =	vsel vm3, v6, v16;
	v16 =	vmin.f32 v19, $8.192000000e+03;
	[tilespmem:v18+s2+$0x0] =	vst.idx.add.f32.msk $0xffff, v1  }
0x268: {  	v10 =	vmin.f32 v10, $8.192000000e+03;
	v6 =	vxor.u32 $0x80000000, v3;
	v16 =	vadd.f32 v16, v20  }
0x269: {  	v17 =	vadd.f32 $7.372799800e+03, v17  }
0x26a: {  	v14 =	vsel vm6, v14, v15;
	v15 =	vxor.u32 $0x80000000, v11;
	v8 =	vsel vm1, v8, v12  }
0x26b: {  	v9 =	vsel vm5, v9, v13;
	v4 =	vadd.f32 $7.372799800e+03, v4;
	v11 =	vsel vm2, v11, v15  }
0x26c: {  	v12 =	vtrunc.f32 v16;
	v16 =	vsel vm3, $0x46080000, v0;
	v8 =	vadd.f32 $7.372799800e+03, v8  }
0x26d: {  	v14 =	vadd.f32 $7.372799800e+03, v14;
	v9 =	vadd.f32 $7.372799800e+03, v9;
	v15 =	vmax.f32 v17, $0.0e+00  }
0x26e: {  	v12 =	vcvt.f32.s32 v12;
	v11 =	vadd.f32 $7.372799800e+03, v11;
	v15 =	vmin.f32 v15, $8.192000000e+03  }
0x26f: {  	v8 =	vmax.f32 v8, $0.0e+00;
	v14 =	vmax.f32 v14, $0.0e+00;
	v9 =	vmax.f32 v9, $0.0e+00  }
0x270: {  	v13 =	vadd.f32 v15, v16;
	v15 =	vsel vm6, $0x46080000, v0;
	v16 =	vsel vm4, $0x46080000, v0  }
0x271: {  	v14 =	vmin.f32 v14, $8.192000000e+03;
	v9 =	vmin.f32 v9, $8.192000000e+03;
	v11 =	vmax.f32 v11, $0.0e+00  }
0x272: {  	v8 =	vmin.f32 v8, $8.192000000e+03;
	v10 =	vadd.f32 v10, v16;
	v14 =	vadd.f32 v14, v15  }
0x273: {  	v7 =	vadd.f32 v9, v7;
	v9 =	vmin.f32 v11, $8.192000000e+03;
	v11 =	vsel vm1, $0x46080000, v0  }
0x274: {  	vm1 =	vgt.s32 v2, $0x0;
	v2 =	vmax.f32 v4, $0.0e+00;
	v13 =	vtrunc.f32 v13  }
0x275: {  	v8 =	vadd.f32 v8, v11;
	v5 =	vadd.f32 v9, v5;
	v3 =	vsel vm1, v3, v6  }
0x276: {  	v2 =	vmin.f32 v2, $8.192000000e+03;
	v6 =	vsel vm0, $0x46080000, v0;
	v14 =	vtrunc.f32 v14  }
0x277: {  	v9 =	vcvt.f32.s32 v13;
	v3 =	vadd.f32 $7.372799800e+03, v3;
	v7 =	vtrunc.f32 v7  }
0x278: {  	v2 =	vadd.f32 v2, v6;
	v4 =	vtrunc.f32 v8;
	v6 =	vcvt.f32.s32 v7  }
0x279: {  	v7 =	vcvt.f32.s32 v14;
	v8 =	vsel vm1, $0x46080000, v0;
	v3 =	vmax.f32 v3, $0.0e+00  }
0x27a: {  	v5 =	vtrunc.f32 v5;
	v4 =	vcvt.f32.s32 v4;
	v3 =	vmin.f32 v3, $8.192000000e+03  }
0x27b: {  	v2 =	vtrunc.f32 v2;
	v5 =	vcvt.f32.s32 v5;
	v3 =	vadd.f32 v3, v8  }
0x27c: {  	[tilespmem:v12+s2+$0x0] =	vst.idx.add.f32.msk $0xffff, v1;
	v2 =	vcvt.f32.s32 v2;
	v8 =	vtrunc.f32 v10  }
0x27d: {  	v8 =	vcvt.f32.s32 v8;
	[tilespmem:v9+s2+$0x0] =	vst.idx.add.f32.msk $0xffff, v1;
	v3 =	vtrunc.f32 v3  }
0x27e: {  	v3 =	vcvt.f32.s32 v3;
	[tilespmem:v6+s2+$0x0] =	vst.idx.add.f32.msk $0xffff, v1  }
0x27f: {  	[tilespmem:v7+s2+$0x0] =	vst.idx.add.f32.msk $0xffff, v1  }
0x280: {  	[tilespmem:v4+s2+$0x0] =	vst.idx.add.f32.msk $0xffff, v1  }
0x281: {  	[tilespmem:v5+s2+$0x0] =	vst.idx.add.f32.msk $0xffff, v1  }
0x282: {  	[tilespmem:v2+s2+$0x0] =	vst.idx.add.f32.msk $0xffff, v1  }
0x283: {  	[tilespmem:v8+s2+$0x0] =	vst.idx.add.f32.msk $0xffff, v1  }
0x284: {  	s3 =	simm.s32 $0x0;
	[tilespmem:v3+s2+$0x0] =	vst.idx.add.f32.msk $0xffff, v1  }
0x285: {  	[tilespmem:s23], [sflag:$0x2] =	stream.linear.gather [hbm4b:s17+s3], $0x4000, $0x38;
	[tilespmem:$0x1C400] =	vst v63  }
0x286: {  	_ = 	snop  }
0x287: {  	[tilespmem:s24], [sflag:$0x5] =	stream.linear.gather [hbm4b:s18+s3], $0x4000, $0x38;
	[tilespmem:$0x1C400] =	vst v63  }
0x288: {  	_ =	swait.ge [sflag:s1], $0x4000  }
0x289: {  	[sflag:s1] =	ssyncset.done $0x0  }
0x28a: {  	s4 =	simm.s32 $0x0;
	s5 =	simm.s32 $0x0;
	[sflag:s1] =	ssyncadd.s32 $0xFFFFC000  }
0x28b: {  	s4 =	sand.u32 $0x3000, s4;
	s3 =	sand.u32 $0xC00, s3;
	_ =	swait.ge [sflag:s0], $0x4000  }
0x28c: {  	s5 =	sand.u32 $0x380, s5;
	s3 =	sor.u32 s3, s4;
	[sflag:s0] =	ssyncset.done $0x0  }
0x28d: {  	s4 =	sor.u32 s5, s3;
	[sflag:s0] =	ssyncadd.s32 $0xFFFFC000  }
0x28e: {  	v2 =	vld [tilespmem:s4+$0x18460]  }
0x28f: {  	v3 =	vld [tilespmem:s4+$0x18450]  }
0x290: {  	v4 =	vld [tilespmem:s4+$0xC470]  }
0x291: {  	v5 =	vld [tilespmem:s4+$0x18420]  }
0x292: {  	v6 =	vld [tilespmem:s4+$0x18410]  }
0x293: {  	v7 =	vld [tilespmem:s4+$0x18440]  }
0x294: {  	v8 =	vld [tilespmem:s4+$0xC440]  }
0x295: {  	v9 =	vld [tilespmem:s4+$0x18470]  }
0x296: {  	v10 =	vld [tilespmem:s4+$0xC450]  }
0x297: {  	v11 =	vld [tilespmem:s4+$0xC400]  }
0x298: {  	v12 =	vld [tilespmem:s4+$0xC420]  }
0x299: {  	v13 =	vld [tilespmem:s4+$0xC460]  }
0x29a: {  	v4 =	vmul.f32 $8.192000120e+02, v4  }
0x29b: {  	vm1 =	vgt.s32 v3, $0x0;
	vm5 =	vgt.s32 v2, $0x0;
	vm3 =	vgt.s32 v5, $0x0  }
0x29c: {  	vm0 =	vgt.s32 v9, $0x0;
	v5 =	vmul.f32 $8.192000120e+02, v8;
	vm4 =	vgt.s32 v6, $0x0  }
0x29d: {  	v3 =	vld [tilespmem:s4+$0xC410];
	v9 =	vmul.f32 $8.192000120e+02, v10;
	vm2 =	vgt.s32 v7, $0x0;
	v10 =	vmul.f32 $8.192000120e+02, v12  }
0x29e: {  	v8 =	vld [tilespmem:s4+$0xC430];
	v12 =	vmul.f32 $8.192000120e+02, v13;
	v11 =	vmul.f32 $8.192000120e+02, v11;
	vm1 =	vmmov vm1  }
0x29f: {  	v7 =	vsel vm5, $0x46080000, v0;
	v2 =	vxor.u32 $0x80000000, v4;
	v6 =	vxor.u32 $0x80000000, v5  }
0x2a0: {  	v13 =	vxor.u32 $0x80000000, v10;
	v15 =	vxor.u32 $0x80000000, v11;
	v2 =	vsel vm0, v4, v2  }
0x2a1: {  	v5 =	vsel vm2, v5, v6;
	v6 =	vxor.u32 $0x80000000, v9;
	v10 =	vsel vm3, v10, v13  }
0x2a2: {  	s7 =	simm.s32 $0x80;
	s3 =	simm.s32 $0x400;
	v4 =	vld [tilespmem:s4+$0x18430];
	v5 =	vadd.f32 $7.372799800e+03, v5;
	v10 =	vadd.f32 $7.372799800e+03, v10;
	v6 =	vsel vm1, v9, v6  }
0x2a3: {  	s6 =	simm.s32 $0x20;
	s5 =	sand.u32 $0x3000, s7;
	s7 =	sand.u32 $0xC00, s3;
	v2 =	vadd.f32 $7.372799800e+03, v2;
	v3 =	vmul.f32 $8.192000120e+02, v3;
	v8 =	vmul.f32 $8.192000120e+02, v8  }
0x2a4: {  	s6 =	sand.u32 $0x380, s6;
	s5 =	sor.u32 s7, s5;
	v6 =	vadd.f32 $7.372799800e+03, v6;
	v5 =	vmax.f32 v5, $0.0e+00;
	v10 =	vmax.f32 v10, $0.0e+00  }
0x2a5: {  	s5 =	sor.u32 s6, s5;
	v2 =	vmax.f32 v2, $0.0e+00;
	v14 =	vxor.u32 $0x80000000, v8;
	v13 =	vxor.u32 $0x80000000, v3  }
0x2a6: {  	v17 =	vld [tilespmem:s5+$0x18410];
	v5 =	vmin.f32 v5, $8.192000000e+03;
	v10 =	vmin.f32 v10, $8.192000000e+03;
	v6 =	vmax.f32 v6, $0.0e+00  }
0x2a7: {  	v16 =	vld [tilespmem:s4+$0x18400];
	v2 =	vmin.f32 v2, $8.192000000e+03;
	vm6 =	vgt.s32 v4, $0x0;
	v4 =	vsel vm4, $0x46080000, v0  }
0x2a8: {  	v3 =	vsel vm4, v3, v13;
	v13 =	vsel vm2, $0x46080000, v0;
	v6 =	vmin.f32 v6, $8.192000000e+03  }
0x2a9: {  	v8 =	vsel vm6, v8, v14;
	v14 =	vxor.u32 $0x80000000, v12;
	v3 =	vadd.f32 $7.372799800e+03, v3  }
0x2aa: {  	v5 =	vadd.f32 v5, v13;
	v9 =	vsel vm5, v12, v14;
	v12 =	vsel vm3, $0x46080000, v0  }
0x2ab: {  	v21 =	vld [tilespmem:s5+$0xC420];
	v14 =	vsel vm6, $0x46080000, v0;
	v8 =	vadd.f32 $7.372799800e+03, v8;
	vm5 =	vgt.s32 v17, $0x0  }
0x2ac: {  	v13 =	vld [tilespmem:s5+$0x18460];
	vm6 =	vgt.s32 v16, $0x0;
	v10 =	vadd.f32 v10, v12;
	v9 =	vadd.f32 $7.372799800e+03, v9  }
0x2ad: {  	v23 =	vld [tilespmem:s5+$0xC410];
	v3 =	vmax.f32 v3, $0.0e+00;
	v16 =	vsel vm6, $0x46080000, v0;
	v8 =	vmax.f32 v8, $0.0e+00  }
0x2ae: {  	v12 =	vld [tilespmem:s5+$0x18450];
	v3 =	vmin.f32 v3, $8.192000000e+03;
	v8 =	vmin.f32 v8, $8.192000000e+03;
	v10 =	vtrunc.f32 v10  }
0x2af: {  	v24 =	vld [tilespmem:s5+$0x18430];
	v9 =	vmax.f32 v9, $0.0e+00;
	v3 =	vadd.f32 v3, v4;
	v4 =	vtrunc.f32 v5  }
0x2b0: {  	v5 =	vld [tilespmem:s5+$0x18420];
	v8 =	vadd.f32 v8, v14;
	v9 =	vmin.f32 v9, $8.192000000e+03;
	v18 =	vcvt.f32.s32 v4  }
0x2b1: {  	v14 =	vld [tilespmem:s5+$0xC470];
	v10 =	vcvt.f32.s32 v10;
	vm2 =	vgt.s32 v13, $0x0;
	v4 =	vadd.f32 v9, v7  }
0x2b2: {  	v3 =	vtrunc.f32 v3;
	v7 =	vld [tilespmem:s5+$0x18440];
	v9 =	vsel vm1, $0x46080000, v0;
	v8 =	vtrunc.f32 v8  }
0x2b3: {  	vm4 =	vgt.s32 v12, $0x0;
	v3 =	vcvt.f32.s32 v3;
	v12 =	vld [tilespmem:s5+$0xC440];
	v6 =	vadd.f32 v6, v9  }
0x2b4: {  	v9 =	vld [tilespmem:s5+$0xC450];
	v19 =	vcvt.f32.s32 v8;
	v4 =	vtrunc.f32 v4;
	vm1 =	vmmov vm4  }
0x2b5: {  	v8 =	vld [tilespmem:s5+$0x18470];
	v20 =	vcvt.f32.s32 v4;
	v6 =	vtrunc.f32 v6;
	vm3 =	vgt.s32 v5, $0x0  }
0x2b6: {  	v13 =	vld [tilespmem:s5+$0xC400];
	v5 =	vsel vm2, $0x46080000, v0;
	v4 =	vmul.f32 $8.192000120e+02, v14;
	v14 =	vsel vm0, $0x46080000, v0  }
0x2b7: {  	v6 =	vcvt.f32.s32 v6;
	v2 =	vadd.f32 v2, v14;
	vm4 =	vgt.s32 v7, $0x0  }
0x2b8: {  	v7 =	vsel vm6, v11, v15;
	[tilespmem:v10+s2+$0x0] =	vst.idx.add.f32.msk $0xffff, v1;
	v10 =	vmul.f32 $8.192000120e+02, v21;
	vm6 =	vgt.s32 v24, $0x0  }
0x2b9: {  	v17 =	vld [tilespmem:s5+$0xC430];
	v12 =	vmul.f32 $8.192000120e+02, v12;
	v7 =	vadd.f32 $7.372799800e+03, v7;
	v2 =	vtrunc.f32 v2  }
0x2ba: {  	v14 =	vld [tilespmem:s5+$0xC460];
	vm0 =	vgt.s32 v8, $0x0;
	v8 =	vmul.f32 $8.192000120e+02, v9;
	v9 =	vmul.f32 $8.192000120e+02, v23  }
0x2bb: {  	v22 =	vxor.u32 $0x80000000, v4;
	[tilespmem:v3+s2+$0x0] =	vst.idx.add.f32.msk $0xffff, v1;
	v3 =	vmul.f32 $8.192000120e+02, v13;
	v62 =	vcvt.f32.s32 v2  }
0x2bc: {  	v4 =	vsel vm0, v4, v22;
	v25 =	vxor.u32 $0x80000000, v12;
	[tilespmem:v19+s2+$0x0] =	vst.idx.add.f32.msk $0xffff, v1;
	v19 =	vmax.f32 v7, $0.0e+00  }
0x2bd: {  	[tilespmem:v18+s2+$0x0] =	vst.idx.add.f32.msk $0xffff, v1;
	v7 =	vsel vm5, $0x46080000, v0;
	v15 =	vsel vm4, v12, v25;
	v12 =	vxor.u32 $0x80000000, v8  }
0x2be: {  	v13 =	vxor.u32 $0x80000000, v9;
	v19 =	vmin.f32 v19, $8.192000000e+03;
	[tilespmem:v6+s2+$0x0] =	vst.idx.add.f32.msk $0xffff, v1;
	v6 =	vadd.f32 $7.372799800e+03, v15  }
0x2bf: {  	v2 =	vld [tilespmem:s5+$0x18400];
	v11 =	vmul.f32 $8.192000120e+02, v14;
	v14 =	vmul.f32 $8.192000120e+02, v17;
	v17 =	vxor.u32 $0x80000000, v10  }
0x2c0: {  	[tilespmem:v20+s2+$0x0] =	vst.idx.add.f32.msk $0xffff, v1;
	v16 =	vadd.f32 v19, v16;
	v17 =	vsel vm3, v10, v17;
	v63 =	vmax.f32 v6, $0.0e+00  }
0x2c1: {  	s4 =	simm.s32 $0x8;
	v15 =	vxor.u32 $0x80000000, v14;
	v6 =	vxor.u32 $0x80000000, v3;
	v10 =	vmin.f32 v63, $8.192000000e+03;
	[tilespmem:v62+s2+$0x0] =	vst.idx.add.f32.msk $0xffff, v1  }
.LBB2_14:
0x2c2: {  	s4 =	sadd.s32 $0x8, s4;
	v17 =	vadd.f32 $7.372799800e+03, v17;
	v14 =	vsel vm6, v14, v15;
	v15 =	vxor.u32 $0x80000000, v11;
	s3 =	sadd.s32 $0x400, s3  }
0x2c3: {  	v8 =	vsel vm1, v8, v12;
	s5 =	sshll.u32 s4, $0x4;
	s6 =	sshll.u32 s4, $0x2;
	p0 =	slt.u32 s4, $0x3F8;
	v11 =	vsel vm2, v11, v15;
	v12 =	vtrunc.f32 v16  }
0x2c4: {  	s7 =	sand.u32 $0xC00, s3;
	v16 =	vsel vm3, $0x46080000, v0;
	s5 =	sand.u32 $0x3000, s5;
	s6 =	sand.u32 $0x380, s6;
	v15 =	vmax.f32 v17, $0.0e+00;
	v12 =	vcvt.f32.s32 v12  }
0x2c5: {  	v8 =	vadd.f32 $7.372799800e+03, v8;
	v17 =	vsel vm6, $0x46080000, v0;
	s5 =	sor.u32 s7, s5;
	v15 =	vmin.f32 v15, $8.192000000e+03  }
0x2c6: {  	v9 =	vsel vm5, v9, v13;
	v14 =	vadd.f32 $7.372799800e+03, v14;
	s5 =	sor.u32 s6, s5;
	v13 =	vadd.f32 v15, v16  }
0x2c7: {  	v9 =	vadd.f32 $7.372799800e+03, v9;
	v11 =	vadd.f32 $7.372799800e+03, v11;
	v8 =	vmax.f32 v8, $0.0e+00;
	v15 =	vld [tilespmem:s5+$0x18460]  }
0x2c8: {  	v18 =	vsel vm4, $0x46080000, v0;
	v14 =	vmax.f32 v14, $0.0e+00;
	v16 =	vld [tilespmem:s5+$0x18450];
	v13 =	vtrunc.f32 v13  }
0x2c9: {  	v10 =	vadd.f32 v10, v18;
	v9 =	vmax.f32 v9, $0.0e+00;
	v14 =	vmin.f32 v14, $8.192000000e+03;
	v19 =	vld [tilespmem:s5+$0xC470]  }
0x2ca: {  	v9 =	vmin.f32 v9, $8.192000000e+03;
	v11 =	vmax.f32 v11, $0.0e+00;
	v14 =	vadd.f32 v14, v17;
	[tilespmem:v12+s2+$0x0] =	vst.idx.add.f32.msk $0xffff, v1  }
0x2cb: {  	v7 =	vadd.f32 v9, v7;
	v9 =	vtrunc.f32 v10;
	v10 =	vmin.f32 v11, $8.192000000e+03;
	v12 =	vld [tilespmem:s5+$0x18420]  }
0x2cc: {  	v18 =	vcvt.f32.s32 v9;
	v5 =	vadd.f32 v10, v5;
	v14 =	vtrunc.f32 v14;
	v11 =	vld [tilespmem:s5+$0x18410]  }
0x2cd: {  	v4 =	vadd.f32 $7.372799800e+03, v4;
	v7 =	vtrunc.f32 v7;
	v9 =	vld [tilespmem:s5+$0x18440];
	vm4 =	vgt.s32 v16, $0x0  }
0x2ce: {  	v7 =	vcvt.f32.s32 v7;
	v16 =	vcvt.f32.s32 v14;
	v10 =	vld [tilespmem:s5+$0xC440]  }
0x2cf: {  	v8 =	vmin.f32 v8, $8.192000000e+03;
	v17 =	vsel vm1, $0x46080000, v0;
	v5 =	vtrunc.f32 v5;
	v14 =	vld [tilespmem:s5+$0x18470]  }
0x2d0: {  	v8 =	vadd.f32 v8, v17;
	v13 =	vcvt.f32.s32 v13;
	v17 =	vcvt.f32.s32 v5;
	v20 =	vld [tilespmem:s5+$0x18400]  }
0x2d1: {  	v4 =	vmax.f32 v4, $0.0e+00;
	vm2 =	vgt.s32 v15, $0x0;
	v5 =	vmul.f32 $8.192000120e+02, v19;
	v21 =	vld [tilespmem:s5+$0xC450]  }
0x2d2: {  	v4 =	vmin.f32 v4, $8.192000000e+03;
	v8 =	vtrunc.f32 v8;
	v19 =	vsel vm0, $0x46080000, v0;
	v15 =	vld [tilespmem:s5+$0xC400]  }
0x2d3: {  	v24 =	vcvt.f32.s32 v8;
	v8 =	vadd.f32 v4, v19;
	v23 =	vxor.u32 $0x80000000, v5;
	v22 =	vld [tilespmem:s5+$0xC420]  }
0x2d4: {  	vm1 =	vmmov vm4;
	vm3 =	vgt.s32 v12, $0x0;
	v19 =	vld [tilespmem:s5+$0xC460];
	vm0 =	vgt.s32 v14, $0x0  }
0x2d5: {  	v8 =	vtrunc.f32 v8;
	v10 =	vmul.f32 $8.192000120e+02, v10;
	v12 =	vld [tilespmem:s5+$0xC410];
	v4 =	vsel vm0, v5, v23  }
0x2d6: {  	vm5 =	vgt.s32 v11, $0x0;
	v5 =	vsel vm2, $0x46080000, v0;
	v23 =	vcvt.f32.s32 v8;
	v14 =	vld [tilespmem:s5+$0xC430]  }
0x2d7: {  	vm6 =	vgt.s32 v2, $0x0;
	v11 =	vxor.u32 $0x80000000, v10;
	v2 =	vmovc v20;
	v8 =	vmul.f32 $8.192000120e+02, v21;
	v25 =	vld [tilespmem:s5+$0x18430]  }
0x2d8: {  	v3 =	vsel vm6, v3, v6;
	vm4 =	vgt.s32 v9, $0x0;
	v20 =	vsel vm6, $0x46080000, v0;
	[tilespmem:v13+s2+$0x0] =	vst.idx.add.f32.msk $0xffff, v1  }
0x2d9: {  	v10 =	vsel vm4, v10, v11;
	v6 =	vmul.f32 $8.192000120e+02, v22;
	v13 =	vadd.f32 $7.372799800e+03, v3;
	[tilespmem:v24+s2+$0x0] =	vst.idx.add.f32.msk $0xffff, v1  }
0x2da: {  	v11 =	vmul.f32 $8.192000120e+02, v19;
	v9 =	vmul.f32 $8.192000120e+02, v12;
	v12 =	vxor.u32 $0x80000000, v8;
	[tilespmem:v7+s2+$0x0] =	vst.idx.add.f32.msk $0xffff, v1  }
.Ltmp6:
0x2db: {  	v10 =	vadd.f32 $7.372799800e+03, v10;
	v3 =	vmul.f32 $8.192000120e+02, v15;
	v14 =	vmul.f32 $8.192000120e+02, v14;
	[tilespmem:v16+s2+$0x0] =	vst.idx.add.f32.msk $0xffff, v1;
	(pc) =	sbr.rel @p0 .LBB2_14-.Ltmp6, $4  }
0x2dc: {  	v19 =	vmax.f32 v13, $0.0e+00;
	v16 =	vxor.u32 $0x80000000, v6;
	vm6 =	vgt.s32 v25, $0x0;
	[tilespmem:v23+s2+$0x0] =	vst.idx.add.f32.msk $0xffff, v1  }
0x2dd: {  	v10 =	vmax.f32 v10, $0.0e+00;
	v7 =	vsel vm5, $0x46080000, v0;
	v15 =	vxor.u32 $0x80000000, v14;
	[tilespmem:v17+s2+$0x0] =	vst.idx.add.f32.msk $0xffff, v1  }
0x2de: {  	v13 =	vxor.u32 $0x80000000, v9;
	v17 =	vsel vm3, v6, v16;
	v16 =	vmin.f32 v19, $8.192000000e+03;
	[tilespmem:v18+s2+$0x0] =	vst.idx.add.f32.msk $0xffff, v1  }
0x2df: {  	v10 =	vmin.f32 v10, $8.192000000e+03;
	v6 =	vxor.u32 $0x80000000, v3;
	v16 =	vadd.f32 v16, v20  }
0x2e0: {  	v17 =	vadd.f32 $7.372799800e+03, v17  }
0x2e1: {  	v14 =	vsel vm6, v14, v15;
	v15 =	vxor.u32 $0x80000000, v11;
	v8 =	vsel vm1, v8, v12  }
0x2e2: {  	v9 =	vsel vm5, v9, v13;
	v4 =	vadd.f32 $7.372799800e+03, v4;
	v11 =	vsel vm2, v11, v15  }
0x2e3: {  	v12 =	vtrunc.f32 v16;
	v16 =	vsel vm3, $0x46080000, v0;
	v8 =	vadd.f32 $7.372799800e+03, v8  }
0x2e4: {  	v14 =	vadd.f32 $7.372799800e+03, v14;
	v9 =	vadd.f32 $7.372799800e+03, v9;
	v15 =	vmax.f32 v17, $0.0e+00  }
0x2e5: {  	v12 =	vcvt.f32.s32 v12;
	v11 =	vadd.f32 $7.372799800e+03, v11;
	v15 =	vmin.f32 v15, $8.192000000e+03  }
0x2e6: {  	v8 =	vmax.f32 v8, $0.0e+00;
	v14 =	vmax.f32 v14, $0.0e+00;
	v9 =	vmax.f32 v9, $0.0e+00  }
0x2e7: {  	v13 =	vadd.f32 v15, v16;
	v15 =	vsel vm6, $0x46080000, v0;
	v16 =	vsel vm4, $0x46080000, v0  }
0x2e8: {  	v14 =	vmin.f32 v14, $8.192000000e+03;
	v9 =	vmin.f32 v9, $8.192000000e+03;
	v11 =	vmax.f32 v11, $0.0e+00  }
0x2e9: {  	v8 =	vmin.f32 v8, $8.192000000e+03;
	v10 =	vadd.f32 v10, v16;
	v14 =	vadd.f32 v14, v15  }
0x2ea: {  	v7 =	vadd.f32 v9, v7;
	v9 =	vmin.f32 v11, $8.192000000e+03;
	v11 =	vsel vm1, $0x46080000, v0  }
0x2eb: {  	vm1 =	vgt.s32 v2, $0x0;
	v2 =	vmax.f32 v4, $0.0e+00;
	v13 =	vtrunc.f32 v13  }
0x2ec: {  	v8 =	vadd.f32 v8, v11;
	v5 =	vadd.f32 v9, v5;
	v3 =	vsel vm1, v3, v6  }
0x2ed: {  	v2 =	vmin.f32 v2, $8.192000000e+03;
	v6 =	vsel vm0, $0x46080000, v0;
	v14 =	vtrunc.f32 v14  }
0x2ee: {  	v9 =	vcvt.f32.s32 v13;
	v3 =	vadd.f32 $7.372799800e+03, v3;
	v7 =	vtrunc.f32 v7  }
0x2ef: {  	v2 =	vadd.f32 v2, v6;
	v4 =	vtrunc.f32 v8;
	v6 =	vcvt.f32.s32 v7  }
0x2f0: {  	v7 =	vcvt.f32.s32 v14;
	v8 =	vsel vm1, $0x46080000, v0;
	v3 =	vmax.f32 v3, $0.0e+00  }
0x2f1: {  	v5 =	vtrunc.f32 v5;
	v4 =	vcvt.f32.s32 v4;
	v3 =	vmin.f32 v3, $8.192000000e+03  }
0x2f2: {  	v2 =	vtrunc.f32 v2;
	v5 =	vcvt.f32.s32 v5;
	v3 =	vadd.f32 v3, v8  }
0x2f3: {  	[tilespmem:v12+s2+$0x0] =	vst.idx.add.f32.msk $0xffff, v1;
	v2 =	vcvt.f32.s32 v2;
	v8 =	vtrunc.f32 v10  }
0x2f4: {  	v8 =	vcvt.f32.s32 v8;
	[tilespmem:v9+s2+$0x0] =	vst.idx.add.f32.msk $0xffff, v1;
	v3 =	vtrunc.f32 v3  }
0x2f5: {  	v3 =	vcvt.f32.s32 v3;
	[tilespmem:v6+s2+$0x0] =	vst.idx.add.f32.msk $0xffff, v1  }
0x2f6: {  	[tilespmem:v7+s2+$0x0] =	vst.idx.add.f32.msk $0xffff, v1  }
0x2f7: {  	[tilespmem:v4+s2+$0x0] =	vst.idx.add.f32.msk $0xffff, v1  }
0x2f8: {  	[tilespmem:v5+s2+$0x0] =	vst.idx.add.f32.msk $0xffff, v1  }
0x2f9: {  	[tilespmem:v2+s2+$0x0] =	vst.idx.add.f32.msk $0xffff, v1  }
0x2fa: {  	[tilespmem:v8+s2+$0x0] =	vst.idx.add.f32.msk $0xffff, v1  }
0x2fb: {  	[tilespmem:v3+s2+$0x0] =	vst.idx.add.f32.msk $0xffff, v1  }
0x2fc: {  	_ =	swait.ge [sflag:s28], $0x4000  }
0x2fd: {  	s3 =	simm.s32 $0x0;
	[sflag:s28] =	ssyncset.done $0x0  }
0x2fe: {  	s4 =	simm.s32 $0x0;
	s5 =	simm.s32 $0x0;
	[sflag:s28] =	ssyncadd.s32 $0xFFFFC000  }
0x2ff: {  	s4 =	sand.u32 $0x3000, s4;
	s3 =	sand.u32 $0xC00, s3;
	_ =	swait.ge [sflag:s29], $0x4000  }
0x300: {  	s5 =	sand.u32 $0x380, s5;
	s3 =	sor.u32 s3, s4;
	[sflag:s29] =	ssyncset.done $0x0  }
0x301: {  	s4 =	sor.u32 s5, s3;
	[sflag:s29] =	ssyncadd.s32 $0xFFFFC000  }
0x302: {  	v2 =	vld [tilespmem:s4+$0x10460]  }
0x303: {  	v3 =	vld [tilespmem:s4+$0x10450]  }
0x304: {  	v4 =	vld [tilespmem:s4+$0x4470]  }
0x305: {  	v5 =	vld [tilespmem:s4+$0x10420]  }
0x306: {  	v6 =	vld [tilespmem:s4+$0x10410]  }
0x307: {  	v7 =	vld [tilespmem:s4+$0x10440]  }
0x308: {  	v8 =	vld [tilespmem:s4+$0x4440]  }
0x309: {  	v9 =	vld [tilespmem:s4+$0x10470]  }
0x30a: {  	v10 =	vld [tilespmem:s4+$0x4450]  }
0x30b: {  	v11 =	vld [tilespmem:s4+$0x4400]  }
0x30c: {  	v12 =	vld [tilespmem:s4+$0x4420]  }
0x30d: {  	v13 =	vld [tilespmem:s4+$0x4460]  }
0x30e: {  	v4 =	vmul.f32 $8.192000120e+02, v4  }
0x30f: {  	vm1 =	vgt.s32 v3, $0x0;
	vm5 =	vgt.s32 v2, $0x0;
	vm3 =	vgt.s32 v5, $0x0  }
0x310: {  	vm0 =	vgt.s32 v9, $0x0;
	v5 =	vmul.f32 $8.192000120e+02, v8;
	vm4 =	vgt.s32 v6, $0x0  }
0x311: {  	v3 =	vld [tilespmem:s4+$0x4410];
	v9 =	vmul.f32 $8.192000120e+02, v10;
	vm2 =	vgt.s32 v7, $0x0;
	v10 =	vmul.f32 $8.192000120e+02, v12  }
0x312: {  	v8 =	vld [tilespmem:s4+$0x4430];
	v12 =	vmul.f32 $8.192000120e+02, v13;
	v11 =	vmul.f32 $8.192000120e+02, v11;
	vm1 =	vmmov vm1  }
0x313: {  	v7 =	vsel vm5, $0x46080000, v0;
	v2 =	vxor.u32 $0x80000000, v4;
	v6 =	vxor.u32 $0x80000000, v5  }
0x314: {  	v13 =	vxor.u32 $0x80000000, v10;
	v15 =	vxor.u32 $0x80000000, v11;
	v2 =	vsel vm0, v4, v2  }
0x315: {  	v5 =	vsel vm2, v5, v6;
	v6 =	vxor.u32 $0x80000000, v9;
	v10 =	vsel vm3, v10, v13  }
0x316: {  	s7 =	simm.s32 $0x80;
	s3 =	simm.s32 $0x400;
	v4 =	vld [tilespmem:s4+$0x10430];
	v5 =	vadd.f32 $7.372799800e+03, v5;
	v10 =	vadd.f32 $7.372799800e+03, v10;
	v6 =	vsel vm1, v9, v6  }
0x317: {  	s6 =	simm.s32 $0x20;
	s5 =	sand.u32 $0x3000, s7;
	s7 =	sand.u32 $0xC00, s3;
	v2 =	vadd.f32 $7.372799800e+03, v2;
	v3 =	vmul.f32 $8.192000120e+02, v3;
	v8 =	vmul.f32 $8.192000120e+02, v8  }
0x318: {  	s6 =	sand.u32 $0x380, s6;
	s5 =	sor.u32 s7, s5;
	v6 =	vadd.f32 $7.372799800e+03, v6;
	v5 =	vmax.f32 v5, $0.0e+00;
	v10 =	vmax.f32 v10, $0.0e+00  }
0x319: {  	s5 =	sor.u32 s6, s5;
	v2 =	vmax.f32 v2, $0.0e+00;
	v14 =	vxor.u32 $0x80000000, v8;
	v13 =	vxor.u32 $0x80000000, v3  }
0x31a: {  	v17 =	vld [tilespmem:s5+$0x10410];
	v5 =	vmin.f32 v5, $8.192000000e+03;
	v10 =	vmin.f32 v10, $8.192000000e+03;
	v6 =	vmax.f32 v6, $0.0e+00  }
0x31b: {  	v16 =	vld [tilespmem:s4+$0x10400];
	v2 =	vmin.f32 v2, $8.192000000e+03;
	vm6 =	vgt.s32 v4, $0x0;
	v4 =	vsel vm4, $0x46080000, v0  }
0x31c: {  	v3 =	vsel vm4, v3, v13;
	v13 =	vsel vm2, $0x46080000, v0;
	v6 =	vmin.f32 v6, $8.192000000e+03  }
0x31d: {  	v8 =	vsel vm6, v8, v14;
	v14 =	vxor.u32 $0x80000000, v12;
	v3 =	vadd.f32 $7.372799800e+03, v3  }
0x31e: {  	v5 =	vadd.f32 v5, v13;
	v9 =	vsel vm5, v12, v14;
	v12 =	vsel vm3, $0x46080000, v0  }
0x31f: {  	v21 =	vld [tilespmem:s5+$0x4420];
	v14 =	vsel vm6, $0x46080000, v0;
	v8 =	vadd.f32 $7.372799800e+03, v8;
	vm5 =	vgt.s32 v17, $0x0  }
0x320: {  	v13 =	vld [tilespmem:s5+$0x10460];
	vm6 =	vgt.s32 v16, $0x0;
	v10 =	vadd.f32 v10, v12;
	v9 =	vadd.f32 $7.372799800e+03, v9  }
0x321: {  	v23 =	vld [tilespmem:s5+$0x4410];
	v3 =	vmax.f32 v3, $0.0e+00;
	v16 =	vsel vm6, $0x46080000, v0;
	v8 =	vmax.f32 v8, $0.0e+00  }
0x322: {  	v12 =	vld [tilespmem:s5+$0x10450];
	v3 =	vmin.f32 v3, $8.192000000e+03;
	v8 =	vmin.f32 v8, $8.192000000e+03;
	v10 =	vtrunc.f32 v10  }
0x323: {  	v24 =	vld [tilespmem:s5+$0x10430];
	v9 =	vmax.f32 v9, $0.0e+00;
	v3 =	vadd.f32 v3, v4;
	v4 =	vtrunc.f32 v5  }
0x324: {  	v5 =	vld [tilespmem:s5+$0x10420];
	v8 =	vadd.f32 v8, v14;
	v9 =	vmin.f32 v9, $8.192000000e+03;
	v18 =	vcvt.f32.s32 v4  }
0x325: {  	v14 =	vld [tilespmem:s5+$0x4470];
	v10 =	vcvt.f32.s32 v10;
	vm2 =	vgt.s32 v13, $0x0;
	v4 =	vadd.f32 v9, v7  }
0x326: {  	v3 =	vtrunc.f32 v3;
	v7 =	vld [tilespmem:s5+$0x10440];
	v9 =	vsel vm1, $0x46080000, v0;
	v8 =	vtrunc.f32 v8  }
0x327: {  	vm4 =	vgt.s32 v12, $0x0;
	v3 =	vcvt.f32.s32 v3;
	v12 =	vld [tilespmem:s5+$0x4440];
	v6 =	vadd.f32 v6, v9  }
0x328: {  	v9 =	vld [tilespmem:s5+$0x4450];
	v19 =	vcvt.f32.s32 v8;
	v4 =	vtrunc.f32 v4;
	vm1 =	vmmov vm4  }
0x329: {  	v8 =	vld [tilespmem:s5+$0x10470];
	v20 =	vcvt.f32.s32 v4;
	v6 =	vtrunc.f32 v6;
	vm3 =	vgt.s32 v5, $0x0  }
0x32a: {  	v13 =	vld [tilespmem:s5+$0x4400];
	v5 =	vsel vm2, $0x46080000, v0;
	v4 =	vmul.f32 $8.192000120e+02, v14;
	v14 =	vsel vm0, $0x46080000, v0  }
0x32b: {  	v6 =	vcvt.f32.s32 v6;
	v2 =	vadd.f32 v2, v14;
	vm4 =	vgt.s32 v7, $0x0  }
0x32c: {  	v7 =	vsel vm6, v11, v15;
	[tilespmem:v10+s2+$0x0] =	vst.idx.add.f32.msk $0xffff, v1;
	v10 =	vmul.f32 $8.192000120e+02, v21;
	vm6 =	vgt.s32 v24, $0x0  }
0x32d: {  	v17 =	vld [tilespmem:s5+$0x4430];
	v12 =	vmul.f32 $8.192000120e+02, v12;
	v7 =	vadd.f32 $7.372799800e+03, v7;
	v2 =	vtrunc.f32 v2  }
0x32e: {  	v14 =	vld [tilespmem:s5+$0x4460];
	vm0 =	vgt.s32 v8, $0x0;
	v8 =	vmul.f32 $8.192000120e+02, v9;
	v9 =	vmul.f32 $8.192000120e+02, v23  }
0x32f: {  	v22 =	vxor.u32 $0x80000000, v4;
	[tilespmem:v3+s2+$0x0] =	vst.idx.add.f32.msk $0xffff, v1;
	v3 =	vmul.f32 $8.192000120e+02, v13;
	v62 =	vcvt.f32.s32 v2  }
0x330: {  	v4 =	vsel vm0, v4, v22;
	v25 =	vxor.u32 $0x80000000, v12;
	[tilespmem:v19+s2+$0x0] =	vst.idx.add.f32.msk $0xffff, v1;
	v19 =	vmax.f32 v7, $0.0e+00  }
0x331: {  	[tilespmem:v18+s2+$0x0] =	vst.idx.add.f32.msk $0xffff, v1;
	v7 =	vsel vm5, $0x46080000, v0;
	v15 =	vsel vm4, v12, v25;
	v12 =	vxor.u32 $0x80000000, v8  }
0x332: {  	v13 =	vxor.u32 $0x80000000, v9;
	v19 =	vmin.f32 v19, $8.192000000e+03;
	[tilespmem:v6+s2+$0x0] =	vst.idx.add.f32.msk $0xffff, v1;
	v6 =	vadd.f32 $7.372799800e+03, v15  }
0x333: {  	v2 =	vld [tilespmem:s5+$0x10400];
	v11 =	vmul.f32 $8.192000120e+02, v14;
	v14 =	vmul.f32 $8.192000120e+02, v17;
	v17 =	vxor.u32 $0x80000000, v10  }
0x334: {  	[tilespmem:v20+s2+$0x0] =	vst.idx.add.f32.msk $0xffff, v1;
	v16 =	vadd.f32 v19, v16;
	v17 =	vsel vm3, v10, v17;
	v63 =	vmax.f32 v6, $0.0e+00  }
0x335: {  	s4 =	simm.s32 $0x8;
	v15 =	vxor.u32 $0x80000000, v14;
	v6 =	vxor.u32 $0x80000000, v3;
	v10 =	vmin.f32 v63, $8.192000000e+03;
	[tilespmem:v62+s2+$0x0] =	vst.idx.add.f32.msk $0xffff, v1  }
.LBB2_16:
0x336: {  	s4 =	sadd.s32 $0x8, s4;
	v17 =	vadd.f32 $7.372799800e+03, v17;
	v14 =	vsel vm6, v14, v15;
	v15 =	vxor.u32 $0x80000000, v11;
	s3 =	sadd.s32 $0x400, s3  }
0x337: {  	v8 =	vsel vm1, v8, v12;
	s5 =	sshll.u32 s4, $0x4;
	s6 =	sshll.u32 s4, $0x2;
	p0 =	slt.u32 s4, $0x3F8;
	v11 =	vsel vm2, v11, v15;
	v12 =	vtrunc.f32 v16  }
0x338: {  	s7 =	sand.u32 $0xC00, s3;
	v16 =	vsel vm3, $0x46080000, v0;
	s5 =	sand.u32 $0x3000, s5;
	s6 =	sand.u32 $0x380, s6;
	v15 =	vmax.f32 v17, $0.0e+00;
	v12 =	vcvt.f32.s32 v12  }
0x339: {  	v8 =	vadd.f32 $7.372799800e+03, v8;
	v17 =	vsel vm6, $0x46080000, v0;
	s5 =	sor.u32 s7, s5;
	v15 =	vmin.f32 v15, $8.192000000e+03  }
0x33a: {  	v9 =	vsel vm5, v9, v13;
	v14 =	vadd.f32 $7.372799800e+03, v14;
	s5 =	sor.u32 s6, s5;
	v13 =	vadd.f32 v15, v16  }
0x33b: {  	v9 =	vadd.f32 $7.372799800e+03, v9;
	v11 =	vadd.f32 $7.372799800e+03, v11;
	v8 =	vmax.f32 v8, $0.0e+00;
	v15 =	vld [tilespmem:s5+$0x10460]  }
0x33c: {  	v18 =	vsel vm4, $0x46080000, v0;
	v14 =	vmax.f32 v14, $0.0e+00;
	v16 =	vld [tilespmem:s5+$0x10450];
	v13 =	vtrunc.f32 v13  }
0x33d: {  	v10 =	vadd.f32 v10, v18;
	v9 =	vmax.f32 v9, $0.0e+00;
	v14 =	vmin.f32 v14, $8.192000000e+03;
	v19 =	vld [tilespmem:s5+$0x4470]  }
0x33e: {  	v9 =	vmin.f32 v9, $8.192000000e+03;
	v11 =	vmax.f32 v11, $0.0e+00;
	v14 =	vadd.f32 v14, v17;
	[tilespmem:v12+s2+$0x0] =	vst.idx.add.f32.msk $0xffff, v1  }
0x33f: {  	v7 =	vadd.f32 v9, v7;
	v9 =	vtrunc.f32 v10;
	v10 =	vmin.f32 v11, $8.192000000e+03;
	v12 =	vld [tilespmem:s5+$0x10420]  }
0x340: {  	v18 =	vcvt.f32.s32 v9;
	v5 =	vadd.f32 v10, v5;
	v14 =	vtrunc.f32 v14;
	v11 =	vld [tilespmem:s5+$0x10410]  }
0x341: {  	v4 =	vadd.f32 $7.372799800e+03, v4;
	v7 =	vtrunc.f32 v7;
	v9 =	vld [tilespmem:s5+$0x10440];
	vm4 =	vgt.s32 v16, $0x0  }
0x342: {  	v7 =	vcvt.f32.s32 v7;
	v16 =	vcvt.f32.s32 v14;
	v10 =	vld [tilespmem:s5+$0x4440]  }
0x343: {  	v8 =	vmin.f32 v8, $8.192000000e+03;
	v17 =	vsel vm1, $0x46080000, v0;
	v5 =	vtrunc.f32 v5;
	v14 =	vld [tilespmem:s5+$0x10470]  }
0x344: {  	v8 =	vadd.f32 v8, v17;
	v13 =	vcvt.f32.s32 v13;
	v17 =	vcvt.f32.s32 v5;
	v20 =	vld [tilespmem:s5+$0x10400]  }
0x345: {  	v4 =	vmax.f32 v4, $0.0e+00;
	vm2 =	vgt.s32 v15, $0x0;
	v5 =	vmul.f32 $8.192000120e+02, v19;
	v21 =	vld [tilespmem:s5+$0x4450]  }
0x346: {  	v4 =	vmin.f32 v4, $8.192000000e+03;
	v8 =	vtrunc.f32 v8;
	v19 =	vsel vm0, $0x46080000, v0;
	v15 =	vld [tilespmem:s5+$0x4400]  }
0x347: {  	v24 =	vcvt.f32.s32 v8;
	v8 =	vadd.f32 v4, v19;
	v23 =	vxor.u32 $0x80000000, v5;
	v22 =	vld [tilespmem:s5+$0x4420]  }
0x348: {  	vm1 =	vmmov vm4;
	vm3 =	vgt.s32 v12, $0x0;
	v19 =	vld [tilespmem:s5+$0x4460];
	vm0 =	vgt.s32 v14, $0x0  }
0x349: {  	v8 =	vtrunc.f32 v8;
	v10 =	vmul.f32 $8.192000120e+02, v10;
	v12 =	vld [tilespmem:s5+$0x4410];
	v4 =	vsel vm0, v5, v23  }
0x34a: {  	vm5 =	vgt.s32 v11, $0x0;
	v5 =	vsel vm2, $0x46080000, v0;
	v23 =	vcvt.f32.s32 v8;
	v14 =	vld [tilespmem:s5+$0x4430]  }
0x34b: {  	vm6 =	vgt.s32 v2, $0x0;
	v11 =	vxor.u32 $0x80000000, v10;
	v2 =	vmovc v20;
	v8 =	vmul.f32 $8.192000120e+02, v21;
	v25 =	vld [tilespmem:s5+$0x10430]  }
0x34c: {  	v3 =	vsel vm6, v3, v6;
	vm4 =	vgt.s32 v9, $0x0;
	v20 =	vsel vm6, $0x46080000, v0;
	[tilespmem:v13+s2+$0x0] =	vst.idx.add.f32.msk $0xffff, v1  }
0x34d: {  	v10 =	vsel vm4, v10, v11;
	v6 =	vmul.f32 $8.192000120e+02, v22;
	v13 =	vadd.f32 $7.372799800e+03, v3;
	[tilespmem:v24+s2+$0x0] =	vst.idx.add.f32.msk $0xffff, v1  }
0x34e: {  	v11 =	vmul.f32 $8.192000120e+02, v19;
	v9 =	vmul.f32 $8.192000120e+02, v12;
	v12 =	vxor.u32 $0x80000000, v8;
	[tilespmem:v7+s2+$0x0] =	vst.idx.add.f32.msk $0xffff, v1  }
.Ltmp7:
0x34f: {  	v10 =	vadd.f32 $7.372799800e+03, v10;
	v3 =	vmul.f32 $8.192000120e+02, v15;
	v14 =	vmul.f32 $8.192000120e+02, v14;
	[tilespmem:v16+s2+$0x0] =	vst.idx.add.f32.msk $0xffff, v1;
	(pc) =	sbr.rel @p0 .LBB2_16-.Ltmp7, $4  }
0x350: {  	v19 =	vmax.f32 v13, $0.0e+00;
	v16 =	vxor.u32 $0x80000000, v6;
	vm6 =	vgt.s32 v25, $0x0;
	[tilespmem:v23+s2+$0x0] =	vst.idx.add.f32.msk $0xffff, v1  }
0x351: {  	v10 =	vmax.f32 v10, $0.0e+00;
	v7 =	vsel vm5, $0x46080000, v0;
	v15 =	vxor.u32 $0x80000000, v14;
	[tilespmem:v17+s2+$0x0] =	vst.idx.add.f32.msk $0xffff, v1  }
0x352: {  	v13 =	vxor.u32 $0x80000000, v9;
	v17 =	vsel vm3, v6, v16;
	v16 =	vmin.f32 v19, $8.192000000e+03;
	[tilespmem:v18+s2+$0x0] =	vst.idx.add.f32.msk $0xffff, v1  }
0x353: {  	v10 =	vmin.f32 v10, $8.192000000e+03;
	v6 =	vxor.u32 $0x80000000, v3;
	v16 =	vadd.f32 v16, v20  }
0x354: {  	v17 =	vadd.f32 $7.372799800e+03, v17  }
0x355: {  	v14 =	vsel vm6, v14, v15;
	v15 =	vxor.u32 $0x80000000, v11;
	v8 =	vsel vm1, v8, v12  }
0x356: {  	v9 =	vsel vm5, v9, v13;
	v4 =	vadd.f32 $7.372799800e+03, v4;
	v11 =	vsel vm2, v11, v15  }
0x357: {  	v12 =	vtrunc.f32 v16;
	v16 =	vsel vm3, $0x46080000, v0;
	v8 =	vadd.f32 $7.372799800e+03, v8  }
0x358: {  	v14 =	vadd.f32 $7.372799800e+03, v14;
	v9 =	vadd.f32 $7.372799800e+03, v9;
	v15 =	vmax.f32 v17, $0.0e+00  }
0x359: {  	v12 =	vcvt.f32.s32 v12;
	v11 =	vadd.f32 $7.372799800e+03, v11;
	v15 =	vmin.f32 v15, $8.192000000e+03  }
0x35a: {  	v8 =	vmax.f32 v8, $0.0e+00;
	v14 =	vmax.f32 v14, $0.0e+00;
	v9 =	vmax.f32 v9, $0.0e+00  }
0x35b: {  	v13 =	vadd.f32 v15, v16;
	v15 =	vsel vm6, $0x46080000, v0;
	v16 =	vsel vm4, $0x46080000, v0  }
0x35c: {  	v14 =	vmin.f32 v14, $8.192000000e+03;
	v9 =	vmin.f32 v9, $8.192000000e+03;
	v11 =	vmax.f32 v11, $0.0e+00  }
0x35d: {  	v8 =	vmin.f32 v8, $8.192000000e+03;
	v10 =	vadd.f32 v10, v16;
	v14 =	vadd.f32 v14, v15  }
0x35e: {  	v7 =	vadd.f32 v9, v7;
	v9 =	vmin.f32 v11, $8.192000000e+03;
	v11 =	vsel vm1, $0x46080000, v0  }
0x35f: {  	vm1 =	vgt.s32 v2, $0x0;
	v2 =	vmax.f32 v4, $0.0e+00;
	v13 =	vtrunc.f32 v13  }
0x360: {  	v8 =	vadd.f32 v8, v11;
	v5 =	vadd.f32 v9, v5;
	v3 =	vsel vm1, v3, v6  }
0x361: {  	v2 =	vmin.f32 v2, $8.192000000e+03;
	v6 =	vsel vm0, $0x46080000, v0;
	v14 =	vtrunc.f32 v14  }
0x362: {  	v9 =	vcvt.f32.s32 v13;
	v3 =	vadd.f32 $7.372799800e+03, v3;
	v7 =	vtrunc.f32 v7  }
0x363: {  	v2 =	vadd.f32 v2, v6;
	v4 =	vtrunc.f32 v8;
	v6 =	vcvt.f32.s32 v7  }
0x364: {  	v7 =	vcvt.f32.s32 v14;
	v8 =	vsel vm1, $0x46080000, v0;
	v3 =	vmax.f32 v3, $0.0e+00  }
0x365: {  	v5 =	vtrunc.f32 v5;
	v4 =	vcvt.f32.s32 v4;
	v3 =	vmin.f32 v3, $8.192000000e+03  }
0x366: {  	v2 =	vtrunc.f32 v2;
	v5 =	vcvt.f32.s32 v5;
	v3 =	vadd.f32 v3, v8  }
0x367: {  	[tilespmem:v12+s2+$0x0] =	vst.idx.add.f32.msk $0xffff, v1;
	v2 =	vcvt.f32.s32 v2;
	v8 =	vtrunc.f32 v10  }
0x368: {  	v8 =	vcvt.f32.s32 v8;
	[tilespmem:v9+s2+$0x0] =	vst.idx.add.f32.msk $0xffff, v1;
	v3 =	vtrunc.f32 v3  }
0x369: {  	v3 =	vcvt.f32.s32 v3;
	[tilespmem:v6+s2+$0x0] =	vst.idx.add.f32.msk $0xffff, v1  }
0x36a: {  	[tilespmem:v7+s2+$0x0] =	vst.idx.add.f32.msk $0xffff, v1  }
0x36b: {  	[tilespmem:v4+s2+$0x0] =	vst.idx.add.f32.msk $0xffff, v1  }
0x36c: {  	[tilespmem:v5+s2+$0x0] =	vst.idx.add.f32.msk $0xffff, v1  }
0x36d: {  	[tilespmem:v2+s2+$0x0] =	vst.idx.add.f32.msk $0xffff, v1  }
0x36e: {  	[tilespmem:v8+s2+$0x0] =	vst.idx.add.f32.msk $0xffff, v1  }
0x36f: {  	[tilespmem:v3+s2+$0x0] =	vst.idx.add.f32.msk $0xffff, v1  }
0x370: {  	_ =	swait.ge [sflag:s30], $0x4000  }
0x371: {  	s3 =	simm.s32 $0x0;
	[sflag:s30] =	ssyncset.done $0x0  }
0x372: {  	s4 =	simm.s32 $0x0;
	s5 =	simm.s32 $0x0;
	[sflag:s30] =	ssyncadd.s32 $0xFFFFC000  }
0x373: {  	s4 =	sand.u32 $0x3000, s4;
	s3 =	sand.u32 $0xC00, s3;
	_ =	swait.ge [sflag:s31], $0x4000  }
0x374: {  	s5 =	sand.u32 $0x380, s5;
	s3 =	sor.u32 s3, s4;
	[sflag:s31] =	ssyncset.done $0x0  }
0x375: {  	s4 =	sor.u32 s5, s3;
	[sflag:s31] =	ssyncadd.s32 $0xFFFFC000  }
0x376: {  	v2 =	vld [tilespmem:s4+$0x14460]  }
0x377: {  	v3 =	vld [tilespmem:s4+$0x14450]  }
0x378: {  	v4 =	vld [tilespmem:s4+$0x8470]  }
0x379: {  	v5 =	vld [tilespmem:s4+$0x14420]  }
0x37a: {  	v6 =	vld [tilespmem:s4+$0x14410]  }
0x37b: {  	v7 =	vld [tilespmem:s4+$0x14440]  }
0x37c: {  	v8 =	vld [tilespmem:s4+$0x8440]  }
0x37d: {  	v9 =	vld [tilespmem:s4+$0x14470]  }
0x37e: {  	v10 =	vld [tilespmem:s4+$0x8450]  }
0x37f: {  	v11 =	vld [tilespmem:s4+$0x8400]  }
0x380: {  	v12 =	vld [tilespmem:s4+$0x8420]  }
0x381: {  	v13 =	vld [tilespmem:s4+$0x8460]  }
0x382: {  	v4 =	vmul.f32 $8.192000120e+02, v4  }
0x383: {  	vm1 =	vgt.s32 v3, $0x0;
	vm5 =	vgt.s32 v2, $0x0;
	vm3 =	vgt.s32 v5, $0x0  }
0x384: {  	vm0 =	vgt.s32 v9, $0x0;
	v5 =	vmul.f32 $8.192000120e+02, v8;
	vm4 =	vgt.s32 v6, $0x0  }
0x385: {  	v3 =	vld [tilespmem:s4+$0x8410];
	v9 =	vmul.f32 $8.192000120e+02, v10;
	vm2 =	vgt.s32 v7, $0x0;
	v10 =	vmul.f32 $8.192000120e+02, v12  }
0x386: {  	v8 =	vld [tilespmem:s4+$0x8430];
	v12 =	vmul.f32 $8.192000120e+02, v13;
	v11 =	vmul.f32 $8.192000120e+02, v11;
	vm1 =	vmmov vm1  }
0x387: {  	v7 =	vsel vm5, $0x46080000, v0;
	v2 =	vxor.u32 $0x80000000, v4;
	v6 =	vxor.u32 $0x80000000, v5  }
0x388: {  	v13 =	vxor.u32 $0x80000000, v10;
	v15 =	vxor.u32 $0x80000000, v11;
	v2 =	vsel vm0, v4, v2  }
0x389: {  	v5 =	vsel vm2, v5, v6;
	v6 =	vxor.u32 $0x80000000, v9;
	v10 =	vsel vm3, v10, v13  }
0x38a: {  	s7 =	simm.s32 $0x80;
	s3 =	simm.s32 $0x400;
	v4 =	vld [tilespmem:s4+$0x14430];
	v5 =	vadd.f32 $7.372799800e+03, v5;
	v10 =	vadd.f32 $7.372799800e+03, v10;
	v6 =	vsel vm1, v9, v6  }
0x38b: {  	s6 =	simm.s32 $0x20;
	s5 =	sand.u32 $0x3000, s7;
	s7 =	sand.u32 $0xC00, s3;
	v2 =	vadd.f32 $7.372799800e+03, v2;
	v3 =	vmul.f32 $8.192000120e+02, v3;
	v8 =	vmul.f32 $8.192000120e+02, v8  }
0x38c: {  	s6 =	sand.u32 $0x380, s6;
	s5 =	sor.u32 s7, s5;
	v6 =	vadd.f32 $7.372799800e+03, v6;
	v5 =	vmax.f32 v5, $0.0e+00;
	v10 =	vmax.f32 v10, $0.0e+00  }
0x38d: {  	s5 =	sor.u32 s6, s5;
	v2 =	vmax.f32 v2, $0.0e+00;
	v14 =	vxor.u32 $0x80000000, v8;
	v13 =	vxor.u32 $0x80000000, v3  }
0x38e: {  	v17 =	vld [tilespmem:s5+$0x14410];
	v5 =	vmin.f32 v5, $8.192000000e+03;
	v10 =	vmin.f32 v10, $8.192000000e+03;
	v6 =	vmax.f32 v6, $0.0e+00  }
0x38f: {  	v16 =	vld [tilespmem:s4+$0x14400];
	v2 =	vmin.f32 v2, $8.192000000e+03;
	vm6 =	vgt.s32 v4, $0x0;
	v4 =	vsel vm4, $0x46080000, v0  }
0x390: {  	v3 =	vsel vm4, v3, v13;
	v13 =	vsel vm2, $0x46080000, v0;
	v6 =	vmin.f32 v6, $8.192000000e+03  }
0x391: {  	v8 =	vsel vm6, v8, v14;
	v14 =	vxor.u32 $0x80000000, v12;
	v3 =	vadd.f32 $7.372799800e+03, v3  }
0x392: {  	v5 =	vadd.f32 v5, v13;
	v9 =	vsel vm5, v12, v14;
	v12 =	vsel vm3, $0x46080000, v0  }
0x393: {  	v21 =	vld [tilespmem:s5+$0x8420];
	v14 =	vsel vm6, $0x46080000, v0;
	v8 =	vadd.f32 $7.372799800e+03, v8;
	vm5 =	vgt.s32 v17, $0x0  }
0x394: {  	v13 =	vld [tilespmem:s5+$0x14460];
	vm6 =	vgt.s32 v16, $0x0;
	v10 =	vadd.f32 v10, v12;
	v9 =	vadd.f32 $7.372799800e+03, v9  }
0x395: {  	v23 =	vld [tilespmem:s5+$0x8410];
	v3 =	vmax.f32 v3, $0.0e+00;
	v16 =	vsel vm6, $0x46080000, v0;
	v8 =	vmax.f32 v8, $0.0e+00  }
0x396: {  	v12 =	vld [tilespmem:s5+$0x14450];
	v3 =	vmin.f32 v3, $8.192000000e+03;
	v8 =	vmin.f32 v8, $8.192000000e+03;
	v10 =	vtrunc.f32 v10  }
0x397: {  	v24 =	vld [tilespmem:s5+$0x14430];
	v9 =	vmax.f32 v9, $0.0e+00;
	v3 =	vadd.f32 v3, v4;
	v4 =	vtrunc.f32 v5  }
0x398: {  	v5 =	vld [tilespmem:s5+$0x14420];
	v8 =	vadd.f32 v8, v14;
	v9 =	vmin.f32 v9, $8.192000000e+03;
	v18 =	vcvt.f32.s32 v4  }
0x399: {  	v14 =	vld [tilespmem:s5+$0x8470];
	v10 =	vcvt.f32.s32 v10;
	vm2 =	vgt.s32 v13, $0x0;
	v4 =	vadd.f32 v9, v7  }
0x39a: {  	v3 =	vtrunc.f32 v3;
	v7 =	vld [tilespmem:s5+$0x14440];
	v9 =	vsel vm1, $0x46080000, v0;
	v8 =	vtrunc.f32 v8  }
0x39b: {  	vm4 =	vgt.s32 v12, $0x0;
	v3 =	vcvt.f32.s32 v3;
	v12 =	vld [tilespmem:s5+$0x8440];
	v6 =	vadd.f32 v6, v9  }
0x39c: {  	v9 =	vld [tilespmem:s5+$0x8450];
	v19 =	vcvt.f32.s32 v8;
	v4 =	vtrunc.f32 v4;
	vm1 =	vmmov vm4  }
0x39d: {  	v8 =	vld [tilespmem:s5+$0x14470];
	v20 =	vcvt.f32.s32 v4;
	v6 =	vtrunc.f32 v6;
	vm3 =	vgt.s32 v5, $0x0  }
0x39e: {  	v13 =	vld [tilespmem:s5+$0x8400];
	v5 =	vsel vm2, $0x46080000, v0;
	v4 =	vmul.f32 $8.192000120e+02, v14;
	v14 =	vsel vm0, $0x46080000, v0  }
0x39f: {  	v6 =	vcvt.f32.s32 v6;
	v2 =	vadd.f32 v2, v14;
	vm4 =	vgt.s32 v7, $0x0  }
0x3a0: {  	v7 =	vsel vm6, v11, v15;
	[tilespmem:v10+s2+$0x0] =	vst.idx.add.f32.msk $0xffff, v1;
	v10 =	vmul.f32 $8.192000120e+02, v21;
	vm6 =	vgt.s32 v24, $0x0  }
0x3a1: {  	v17 =	vld [tilespmem:s5+$0x8430];
	v12 =	vmul.f32 $8.192000120e+02, v12;
	v7 =	vadd.f32 $7.372799800e+03, v7;
	v2 =	vtrunc.f32 v2  }
0x3a2: {  	v14 =	vld [tilespmem:s5+$0x8460];
	vm0 =	vgt.s32 v8, $0x0;
	v8 =	vmul.f32 $8.192000120e+02, v9;
	v9 =	vmul.f32 $8.192000120e+02, v23  }
0x3a3: {  	v22 =	vxor.u32 $0x80000000, v4;
	[tilespmem:v3+s2+$0x0] =	vst.idx.add.f32.msk $0xffff, v1;
	v3 =	vmul.f32 $8.192000120e+02, v13;
	v62 =	vcvt.f32.s32 v2  }
0x3a4: {  	v4 =	vsel vm0, v4, v22;
	v25 =	vxor.u32 $0x80000000, v12;
	[tilespmem:v19+s2+$0x0] =	vst.idx.add.f32.msk $0xffff, v1;
	v19 =	vmax.f32 v7, $0.0e+00  }
0x3a5: {  	[tilespmem:v18+s2+$0x0] =	vst.idx.add.f32.msk $0xffff, v1;
	v7 =	vsel vm5, $0x46080000, v0;
	v15 =	vsel vm4, v12, v25;
	v12 =	vxor.u32 $0x80000000, v8  }
0x3a6: {  	v13 =	vxor.u32 $0x80000000, v9;
	v19 =	vmin.f32 v19, $8.192000000e+03;
	[tilespmem:v6+s2+$0x0] =	vst.idx.add.f32.msk $0xffff, v1;
	v6 =	vadd.f32 $7.372799800e+03, v15  }
0x3a7: {  	v2 =	vld [tilespmem:s5+$0x14400];
	v11 =	vmul.f32 $8.192000120e+02, v14;
	v14 =	vmul.f32 $8.192000120e+02, v17;
	v17 =	vxor.u32 $0x80000000, v10  }
0x3a8: {  	[tilespmem:v20+s2+$0x0] =	vst.idx.add.f32.msk $0xffff, v1;
	v16 =	vadd.f32 v19, v16;
	v17 =	vsel vm3, v10, v17;
	v63 =	vmax.f32 v6, $0.0e+00  }
0x3a9: {  	s4 =	simm.s32 $0x8;
	v15 =	vxor.u32 $0x80000000, v14;
	v6 =	vxor.u32 $0x80000000, v3;
	v10 =	vmin.f32 v63, $8.192000000e+03;
	[tilespmem:v62+s2+$0x0] =	vst.idx.add.f32.msk $0xffff, v1  }
.LBB2_18:
0x3aa: {  	s4 =	sadd.s32 $0x8, s4;
	v17 =	vadd.f32 $7.372799800e+03, v17;
	v14 =	vsel vm6, v14, v15;
	v15 =	vxor.u32 $0x80000000, v11;
	s3 =	sadd.s32 $0x400, s3  }
0x3ab: {  	v8 =	vsel vm1, v8, v12;
	s5 =	sshll.u32 s4, $0x4;
	s6 =	sshll.u32 s4, $0x2;
	p0 =	slt.u32 s4, $0x3F8;
	v11 =	vsel vm2, v11, v15;
	v12 =	vtrunc.f32 v16  }
0x3ac: {  	s7 =	sand.u32 $0xC00, s3;
	v16 =	vsel vm3, $0x46080000, v0;
	s5 =	sand.u32 $0x3000, s5;
	s6 =	sand.u32 $0x380, s6;
	v15 =	vmax.f32 v17, $0.0e+00;
	v12 =	vcvt.f32.s32 v12  }
0x3ad: {  	v8 =	vadd.f32 $7.372799800e+03, v8;
	v17 =	vsel vm6, $0x46080000, v0;
	s5 =	sor.u32 s7, s5;
	v15 =	vmin.f32 v15, $8.192000000e+03  }
0x3ae: {  	v9 =	vsel vm5, v9, v13;
	v14 =	vadd.f32 $7.372799800e+03, v14;
	s5 =	sor.u32 s6, s5;
	v13 =	vadd.f32 v15, v16  }
0x3af: {  	v9 =	vadd.f32 $7.372799800e+03, v9;
	v11 =	vadd.f32 $7.372799800e+03, v11;
	v8 =	vmax.f32 v8, $0.0e+00;
	v15 =	vld [tilespmem:s5+$0x14460]  }
0x3b0: {  	v18 =	vsel vm4, $0x46080000, v0;
	v14 =	vmax.f32 v14, $0.0e+00;
	v16 =	vld [tilespmem:s5+$0x14450];
	v13 =	vtrunc.f32 v13  }
0x3b1: {  	v10 =	vadd.f32 v10, v18;
	v9 =	vmax.f32 v9, $0.0e+00;
	v14 =	vmin.f32 v14, $8.192000000e+03;
	v19 =	vld [tilespmem:s5+$0x8470]  }
0x3b2: {  	v9 =	vmin.f32 v9, $8.192000000e+03;
	v11 =	vmax.f32 v11, $0.0e+00;
	v14 =	vadd.f32 v14, v17;
	[tilespmem:v12+s2+$0x0] =	vst.idx.add.f32.msk $0xffff, v1  }
0x3b3: {  	v7 =	vadd.f32 v9, v7;
	v9 =	vtrunc.f32 v10;
	v10 =	vmin.f32 v11, $8.192000000e+03;
	v12 =	vld [tilespmem:s5+$0x14420]  }
0x3b4: {  	v18 =	vcvt.f32.s32 v9;
	v5 =	vadd.f32 v10, v5;
	v14 =	vtrunc.f32 v14;
	v11 =	vld [tilespmem:s5+$0x14410]  }
0x3b5: {  	v4 =	vadd.f32 $7.372799800e+03, v4;
	v7 =	vtrunc.f32 v7;
	v9 =	vld [tilespmem:s5+$0x14440];
	vm4 =	vgt.s32 v16, $0x0  }
0x3b6: {  	v7 =	vcvt.f32.s32 v7;
	v16 =	vcvt.f32.s32 v14;
	v10 =	vld [tilespmem:s5+$0x8440]  }
0x3b7: {  	v8 =	vmin.f32 v8, $8.192000000e+03;
	v17 =	vsel vm1, $0x46080000, v0;
	v5 =	vtrunc.f32 v5;
	v14 =	vld [tilespmem:s5+$0x14470]  }
0x3b8: {  	v8 =	vadd.f32 v8, v17;
	v13 =	vcvt.f32.s32 v13;
	v17 =	vcvt.f32.s32 v5;
	v20 =	vld [tilespmem:s5+$0x14400]  }
0x3b9: {  	v4 =	vmax.f32 v4, $0.0e+00;
	vm2 =	vgt.s32 v15, $0x0;
	v5 =	vmul.f32 $8.192000120e+02, v19;
	v21 =	vld [tilespmem:s5+$0x8450]  }
0x3ba: {  	v4 =	vmin.f32 v4, $8.192000000e+03;
	v8 =	vtrunc.f32 v8;
	v19 =	vsel vm0, $0x46080000, v0;
	v15 =	vld [tilespmem:s5+$0x8400]  }
0x3bb: {  	v24 =	vcvt.f32.s32 v8;
	v8 =	vadd.f32 v4, v19;
	v23 =	vxor.u32 $0x80000000, v5;
	v22 =	vld [tilespmem:s5+$0x8420]  }
0x3bc: {  	vm1 =	vmmov vm4;
	vm3 =	vgt.s32 v12, $0x0;
	v19 =	vld [tilespmem:s5+$0x8460];
	vm0 =	vgt.s32 v14, $0x0  }
0x3bd: {  	v8 =	vtrunc.f32 v8;
	v10 =	vmul.f32 $8.192000120e+02, v10;
	v12 =	vld [tilespmem:s5+$0x8410];
	v4 =	vsel vm0, v5, v23  }
0x3be: {  	vm5 =	vgt.s32 v11, $0x0;
	v5 =	vsel vm2, $0x46080000, v0;
	v23 =	vcvt.f32.s32 v8;
	v14 =	vld [tilespmem:s5+$0x8430]  }
0x3bf: {  	vm6 =	vgt.s32 v2, $0x0;
	v11 =	vxor.u32 $0x80000000, v10;
	v2 =	vmovc v20;
	v8 =	vmul.f32 $8.192000120e+02, v21;
	v25 =	vld [tilespmem:s5+$0x14430]  }
0x3c0: {  	v3 =	vsel vm6, v3, v6;
	vm4 =	vgt.s32 v9, $0x0;
	v20 =	vsel vm6, $0x46080000, v0;
	[tilespmem:v13+s2+$0x0] =	vst.idx.add.f32.msk $0xffff, v1  }
0x3c1: {  	v10 =	vsel vm4, v10, v11;
	v6 =	vmul.f32 $8.192000120e+02, v22;
	v13 =	vadd.f32 $7.372799800e+03, v3;
	[tilespmem:v24+s2+$0x0] =	vst.idx.add.f32.msk $0xffff, v1  }
0x3c2: {  	v11 =	vmul.f32 $8.192000120e+02, v19;
	v9 =	vmul.f32 $8.192000120e+02, v12;
	v12 =	vxor.u32 $0x80000000, v8;
	[tilespmem:v7+s2+$0x0] =	vst.idx.add.f32.msk $0xffff, v1  }
.Ltmp8:
0x3c3: {  	v10 =	vadd.f32 $7.372799800e+03, v10;
	v3 =	vmul.f32 $8.192000120e+02, v15;
	v14 =	vmul.f32 $8.192000120e+02, v14;
	[tilespmem:v16+s2+$0x0] =	vst.idx.add.f32.msk $0xffff, v1;
	(pc) =	sbr.rel @p0 .LBB2_18-.Ltmp8, $4  }
0x3c4: {  	v19 =	vmax.f32 v13, $0.0e+00;
	v16 =	vxor.u32 $0x80000000, v6;
	vm6 =	vgt.s32 v25, $0x0;
	[tilespmem:v23+s2+$0x0] =	vst.idx.add.f32.msk $0xffff, v1  }
0x3c5: {  	v10 =	vmax.f32 v10, $0.0e+00;
	v7 =	vsel vm5, $0x46080000, v0;
	v15 =	vxor.u32 $0x80000000, v14;
	[tilespmem:v17+s2+$0x0] =	vst.idx.add.f32.msk $0xffff, v1  }
0x3c6: {  	v13 =	vxor.u32 $0x80000000, v9;
	v17 =	vsel vm3, v6, v16;
	v16 =	vmin.f32 v19, $8.192000000e+03;
	[tilespmem:v18+s2+$0x0] =	vst.idx.add.f32.msk $0xffff, v1  }
0x3c7: {  	v10 =	vmin.f32 v10, $8.192000000e+03;
	v6 =	vxor.u32 $0x80000000, v3;
	v16 =	vadd.f32 v16, v20  }
0x3c8: {  	v17 =	vadd.f32 $7.372799800e+03, v17  }
0x3c9: {  	v14 =	vsel vm6, v14, v15;
	v48 =	vxor.u32 $0x80000000, v11;
	v8 =	vsel vm1, v8, v12  }
0x3ca: {  	v51 =	vsel vm3, $0x46080000, v0;
	v9 =	vsel vm5, v9, v13;
	v53 =	vsel vm6, $0x46080000, v0  }
0x3cb: {  	v54 =	vsel vm4, $0x46080000, v0;
	v56 =	vsel vm1, $0x46080000, v0;
	v4 =	vadd.f32 $7.372799800e+03, v4  }
0x3cc: {  	vm15 =	vgt.s32 v2, $0x0;
	v59 =	vsel vm0, $0x46080000, v0;
	v11 =	vsel vm2, v11, v48  }
0x3cd: {  	v49 =	vtrunc.f32 v16;
	v8 =	vadd.f32 $7.372799800e+03, v8;
	v14 =	vadd.f32 $7.372799800e+03, v14  }
0x3ce: {  	v9 =	vadd.f32 $7.372799800e+03, v9;
	v10 =	vadd.f32 v10, v54;
	v3 =	vsel vm15, v3, v6  }
0x3cf: {  	v62 =	vsel vm15, $0x46080000, v0;
	v50 =	vmax.f32 v17, $0.0e+00;
	v12 =	vcvt.f32.s32 v49  }
0x3d0: {  	v11 =	vadd.f32 $7.372799800e+03, v11;
	v2 =	vmax.f32 v4, $0.0e+00;
	v3 =	vadd.f32 $7.372799800e+03, v3  }
0x3d1: {  	v15 =	vmin.f32 v50, $8.192000000e+03;
	v8 =	vmax.f32 v8, $0.0e+00;
	v14 =	vmax.f32 v14, $0.0e+00  }
0x3d2: {  	v9 =	vmax.f32 v9, $0.0e+00;
	v2 =	vmin.f32 v2, $8.192000000e+03;
	v63 =	vtrunc.f32 v10  }
0x3d3: {  	v52 =	vadd.f32 v15, v51;
	v14 =	vmin.f32 v14, $8.192000000e+03;
	v9 =	vmin.f32 v9, $8.192000000e+03  }
0x3d4: {  	v11 =	vmax.f32 v11, $0.0e+00;
	v8 =	vmin.f32 v8, $8.192000000e+03;
	v2 =	vadd.f32 v2, v59  }
0x3d5: {  	v3 =	vmax.f32 v3, $0.0e+00;
	v14 =	vadd.f32 v14, v53;
	v13 =	vtrunc.f32 v52  }
0x3d6: {  	v8 =	vadd.f32 v8, v56;
	v2 =	vtrunc.f32 v2;
	v57 =	vcvt.f32.s32 v13  }
0x3d7: {  	v7 =	vadd.f32 v9, v7;
	v55 =	vmin.f32 v11, $8.192000000e+03;
	v2 =	vcvt.f32.s32 v2  }
0x3d8: {  	v3 =	vmin.f32 v3, $8.192000000e+03;
	v58 =	vtrunc.f32 v8;
	v8 =	vcvt.f32.s32 v63  }
0x3d9: {  	v5 =	vadd.f32 v55, v5;
	v7 =	vtrunc.f32 v7;
	v4 =	vcvt.f32.s32 v58  }
0x3da: {  	v3 =	vadd.f32 v3, v62;
	v14 =	vtrunc.f32 v14;
	v60 =	vcvt.f32.s32 v7  }
0x3db: {  	v61 =	vcvt.f32.s32 v14;
	v5 =	vtrunc.f32 v5;
	[tilespmem:v12+s2+$0x0] =	vst.idx.add.f32.msk $0xffff, v1  }
0x3dc: {  	v3 =	vtrunc.f32 v3;
	v5 =	vcvt.f32.s32 v5;
	[tilespmem:v57+s2+$0x0] =	vst.idx.add.f32.msk $0xffff, v1  }
0x3dd: {  	v3 =	vcvt.f32.s32 v3;
	[tilespmem:v2+s2+$0x0] =	vst.idx.add.f32.msk $0xffff, v1  }
0x3de: {  	[tilespmem:v8+s2+$0x0] =	vst.idx.add.f32.msk $0xffff, v1  }
0x3df: {  	[tilespmem:v4+s2+$0x0] =	vst.idx.add.f32.msk $0xffff, v1  }
0x3e0: {  	[tilespmem:v60+s2+$0x0] =	vst.idx.add.f32.msk $0xffff, v1  }
0x3e1: {  	s26 =	sadd.s32 $0x1, s26;
	[tilespmem:v61+s2+$0x0] =	vst.idx.add.f32.msk $0xffff, v1  }
0x3e2: {  	p0 =	sne.s32 s26, s20;
	[tilespmem:v5+s2+$0x0] =	vst.idx.add.f32.msk $0xffff, v1  }
.Ltmp9:
0x3e3: {  	s3 =	simm.s32 $0x80;
	s4 =	simm.s32 $0x400;
	[tilespmem:v3+s2+$0x0] =	vst.idx.add.f32.msk $0xffff, v1;
	(pc) =	sbr.rel @p0 .LBB2_1-.Ltmp9, $4  }
0x3e4: {  	[hbm4b:s19+s3] =	stream.strided.scatter [tilespmem:s2], [sflag:$0x7], $0x4400, s4, s3, $0x38;
	[tilespmem:$0x1C400] =	vst v63  }
0x3e5: {  	_ =	swait.ge [sflag:s25], $0x4400  }
0x3e6: {  	[sflag:s25] =	ssyncset.done $0x0  }
0x3e7: {  	[sflag:s25] =	ssyncadd.s32 $0xFFFFBC00  }
0x3e8: {  	_ =	sfence.sel $0x180000  }
0x3e9: {  	[bflag:$0x0] =	sbarrier.arrive $0xFFFF  }
0x3ea: {  	_ =	strace $0x90000047  }
0x3eb: {  	s0 =	stileid.u32;
	[bflag:$0x2] =	sbarrier.arrive $0xFFFF  }
0x3ec: {  	p0 =	sne.s32 s0, $0x0;
	s0 =	rddreg [dreg:$0x3]  }
0x3ed: {  	s0 =	sadd.s32 @!p0 $0x100000, s0  }
0x3ee: {  	[sflag:s0] =	ssyncadd.tile.s32 @!p0 $0x1;
	_ =	shalt  }
.Lfunc_end2:
_tile_overlayer_lowered:
.L_overlay_start_2:
0x3ef: {  	(tag) =	ssettag $0x2  }
0x3f0: {  	s0 =	rddreg [dreg:$0x0];
	s2 =	stileid.u32  }
0x3f1: {  	s1 =	rddreg [dreg:$0x1];
	p0 =	sne.s32 s2, $0x0  }
0x3f2: {  	s3 =	rddreg [dreg:$0x2];
	[bflag:$0x3] =	sbarrier.arrive $0xFFFF;
	s2 =	simm.s32 @!p0 $0x1C07  }
0x3f3: {  	[timem:s3], [sflag:s2] =	dma.local @!p0 [hbm:s0], s1  }
0x3f4: {  	s0 =	simm.s32 @!p0 $0x7  }
0x3f5: {  	_ =	swait.ge @!p0 [sflag:s0], s1  }
0x3f6: {  	s1 =	ssub.s32 @!p0 $0x0, s1;
	[sflag:s0] =	ssyncset.done @!p0 $0x0  }
0x3f7: {  	[sflag:s0] =	ssyncadd.s32 @!p0 s1  }
0x3f8: {  	[bflag:$0x3] =	sbarrier.arrive $0xFFFF  }
0x3f9: {  	_ =	shalt  }

</sc_bundles>
